<compile_context>
chip_gen: v7x
topology: tpu7x:2x2x1
jax: 0.10.2.dev20260603
libtpu: 0.0.44.dev20260713+nightly
codegen_flags: <defaults>
</compile_context>

<pallas_src>
import functools

import jax
import jax.numpy as jnp
from jax import lax
from jax.experimental import pallas as pl
from jax.experimental.pallas import tpu as pltpu
from jax.experimental.pallas import tpu_sc as plsc

N = 10000
E = 320000
B = 8
F_X = 128
F_E = 16
H = 128

NC = 2
NS = 16
NW = NC * NS

NPAD = 10240
EPAD = 327680
KG = 80
K = 128
RPC = NPAD // NC
SROWS = RPC + 128

_f32 = jnp.float32
_bf16 = jnp.bfloat16


@functools.cache
def _sc_mesh():
    return plsc.VectorSubcoreMesh(
        core_axis_name="c", subcore_axis_name="s", num_cores=NC,
        num_subcores=NS)


def _dot(a, w):
    return jnp.dot(a.astype(_bf16), w, preferred_element_type=_f32)



def _prep_body(x_ref, bc_ref, u_ref, w1s_ref, w1d_ref, w1u_ref, b1_ref,
               pa_ref, xb_ref):
    x = x_ref[...]
    oh = (lax.broadcasted_iota(jnp.int32, (x.shape[0], B), 1) == bc_ref[...]
          ).astype(_bf16)
    uw = _dot(u_ref[...], w1u_ref[...])
    pa_ref[...] = (_dot(x, w1s_ref[...]) +
                   jnp.dot(oh, uw.astype(_bf16), preferred_element_type=_f32) +
                   b1_ref[...])
    xb_ref[...] = _dot(x, w1d_ref[...])


def _prep_call(xp, bc, u, w1s, w1d, w1u, b1):
    blk = 1024
    grid = NPAD // blk
    return pl.pallas_call(
        _prep_body,
        grid=(grid,),
        in_specs=[
            pl.BlockSpec((blk, F_X), lambda i: (i, 0)),
            pl.BlockSpec((blk, 1), lambda i: (i, 0)),
            pl.BlockSpec((B, F_X), lambda i: (0, 0)),
            pl.BlockSpec((F_X, H), lambda i: (0, 0)),
            pl.BlockSpec((F_X, H), lambda i: (0, 0)),
            pl.BlockSpec((F_X, H), lambda i: (0, 0)),
            pl.BlockSpec((1, H), lambda i: (0, 0)),
        ],
        out_specs=[
            pl.BlockSpec((blk, H), lambda i: (i, 0)),
            pl.BlockSpec((blk, H), lambda i: (i, 0)),
        ],
        out_shape=[
            jax.ShapeDtypeStruct((NPAD, H), _f32),
            jax.ShapeDtypeStruct((NPAD, H), _f32),
        ],
    )(xp, bc, u, w1s, w1d, w1u, b1)



def _gather_sc(pa_all, xb_all, srcs, dsts):

    @functools.partial(
        pl.kernel,
        out_type=[
            jax.ShapeDtypeStruct((2 * EPAD, H), _f32),
            jax.ShapeDtypeStruct((2 * EPAD, H), _f32),
        ],
        mesh=_sc_mesh(),
        scratch_types=[pltpu.SemaphoreType.DMA, pltpu.SemaphoreType.DMA],
    )
    def kern(pa_h, xb_h, src_h, dst_h, ga_h, gb_h, sem_a, sem_b):
        def body(ia, ib, oa, ob):
            da = pltpu.async_copy(pa_h.at[ia.at[0]], oa, sem_a)
            db = pltpu.async_copy(xb_h.at[ib.at[0]], ob, sem_b)
            da.wait()
            db.wait()

        pltpu.emit_pipeline(
            body,
            grid=(2 * EPAD // K,),
            in_specs=[
                pl.BlockSpec((1, K), lambda i: (0, i)),
                pl.BlockSpec((1, K), lambda i: (0, i)),
            ],
            out_specs=[
                pl.BlockSpec((K, H), lambda i: (i, 0)),
                pl.BlockSpec((K, H), lambda i: (i, 0)),
            ],
            core_axis_name=("c", "s"),
            dimension_semantics=(pltpu.PARALLEL,),
        )(src_h, dst_h, ga_h, gb_h)

    return kern(pa_all, xb_all, srcs, dsts)



def _edge_body(ga_ref, gb_ref, e_ref, w1e_ref, w2_ref, b2_ref, w3_ref, b3_ref,
               eh_ref):
    h1 = ga_ref[...] + gb_ref[...] + _dot(e_ref[...], w1e_ref[...])
    h1 = jnp.maximum(h1, 0.0)
    h2 = jnp.maximum(_dot(h1, w2_ref[...]) + b2_ref[...], 0.0)
    eh_ref[...] = _dot(h2, w3_ref[...]) + b3_ref[...]


def _edge_call(ga, gb, ep, w1e, w2, b2, w3, b3, goff):
    blk = 2048
    grid = EPAD // blk
    ob = goff // blk
    return pl.pallas_call(
        _edge_body,
        grid=(grid,),
        in_specs=[
            pl.BlockSpec((blk, H), lambda i: (i + ob, 0)),
            pl.BlockSpec((blk, H), lambda i: (i + ob, 0)),
            pl.BlockSpec((blk, F_E), lambda i: (i, 0)),
            pl.BlockSpec((F_E, H), lambda i: (0, 0)),
            pl.BlockSpec((H, H), lambda i: (0, 0)),
            pl.BlockSpec((1, H), lambda i: (0, 0)),
            pl.BlockSpec((H, H), lambda i: (0, 0)),
            pl.BlockSpec((1, H), lambda i: (0, 0)),
        ],
        out_specs=pl.BlockSpec((blk, H), lambda i: (i, 0)),
        out_shape=jax.ShapeDtypeStruct((EPAD, H), _f32),
    )(ga, gb, ep, w1e, w2, b2, w3, b3)



def _scatter_sc(dst2d_1, eh_1, dst2d_2, eh_2):
    SEPT = EPAD // NS
    CH = SEPT // K
    ZB = SROWS // NS // 8
    WROWS = RPC // NS

    @functools.partial(
        pl.kernel,
        out_type=[
            jax.ShapeDtypeStruct((NC, RPC, H), _f32),
            jax.ShapeDtypeStruct((NC, RPC, H), _f32),
            jax.ShapeDtypeStruct((NC, RPC, H), _f32),
            jax.ShapeDtypeStruct((NC, RPC, H), _f32),
        ],
        mesh=_sc_mesh(),
        scratch_types=[
            pltpu.VMEM((8, H), _f32),
            pltpu.VMEM((K, H), _f32),
            pltpu.VMEM((K,), jnp.int32),
            pltpu.VMEM((K,), jnp.int32),
            pltpu.VMEM_SHARED((SROWS, H), _f32),
        ],
    )
    def kern(dst1_hbm, eh1_hbm, dst2_hbm, eh2_hbm,
             oagg1_hbm, ocnt1_hbm, oagg2_hbm, ocnt2_hbm,
             zrow_v, eb0, ib0, lb0, sagg):
        cid = lax.axis_index("c")
        sid = lax.axis_index("s")
        base = sid * SEPT

        @pl.loop(0, 8)
        def _fill(r):
            @pl.loop(0, H // 16)
            def _z(cc):
                zrow_v[r, pl.ds(cc * 16, 16)] = jnp.zeros((16,), _f32)

        def fill_ones():
            @pl.loop(0, K)
            def _o1(r):
                @pl.loop(0, H // 16)
                def _o2(cc):
                    eb0[r, pl.ds(cc * 16, 16)] = jnp.full((16,), 1.0, _f32)

        zbase = sid * (SROWS // NS)

        def zero_rows():
            @pl.loop(0, ZB)
            def _zero(zi):
                pltpu.sync_copy(zrow_v, sagg.at[pl.ds(zbase + zi * 8, 8)])

        ebufs = (eb0,)
        ibufs = (ib0,)
        lbufs = (lb0,)

        def rewrite(b):
            @pl.loop(0, K // 16)
            def _rw(j):
                v = ibufs[b][pl.ds(j * 16, 16)]
                v = v - cid * RPC
                oob = (v < 0) | (v >= RPC)
                lbufs[b][pl.ds(j * 16, 16)] = jnp.where(oob, RPC, v)

        zero_rows()
        plsc.subcore_barrier()

        for dst_hbm, eh_hbm, oagg_hbm, ocnt_hbm, last in (
                (dst1_hbm, eh1_hbm, oagg1_hbm, ocnt1_hbm, False),
                (dst2_hbm, eh2_hbm, oagg2_hbm, ocnt2_hbm, True)):

            @pl.loop(0, CH)
            def _run(c, eh_hbm=eh_hbm, dst_hbm=dst_hbm):
                pltpu.sync_copy(eh_hbm.at[pl.ds(base + c * K, K)], ebufs[0])
                pltpu.sync_copy(dst_hbm.at[pl.ds(base + c * K, K)], ibufs[0])
                rewrite(0)
                pltpu.sync_copy(ebufs[0], sagg.at[lbufs[0]], add=True)

            plsc.subcore_barrier()

            wbase = sid * WROWS
            pltpu.sync_copy(sagg.at[pl.ds(wbase, WROWS)],
                            oagg_hbm.at[cid].at[pl.ds(wbase, WROWS)])
            zero_rows()
            plsc.subcore_barrier()

            fill_ones()

            @pl.loop(0, CH)
            def _cnt(c, dst_hbm=dst_hbm):
                pltpu.sync_copy(dst_hbm.at[pl.ds(base + c * K, K)], ibufs[0])
                rewrite(0)
                pltpu.sync_copy(ebufs[0], sagg.at[lbufs[0]], add=True)

            plsc.subcore_barrier()

            pltpu.sync_copy(sagg.at[pl.ds(wbase, WROWS)],
                            ocnt_hbm.at[cid].at[pl.ds(wbase, WROWS)])

            if not last:
                zero_rows()
                plsc.subcore_barrier()

    return kern(dst2d_1, eh_1, dst2d_2, eh_2)



def _node_body(x_ref, agg_ref, cnt_ref, bc_ref, br_ref, u_ref,
               wn1x_ref, wn1a_ref, wn1u_ref, bn1_ref, wn2_ref, bn2_ref,
               wn3_ref, bn3_ref, wa1_ref, ba1_ref, wa2_ref, ba2_ref,
               wa3_ref, ba3_ref, g_ref):
    i = pl.program_id(0)
    blk = x_ref.shape[0]
    cnt = cnt_ref[:, 0:1]
    agg = agg_ref[...] / jnp.maximum(cnt, 1.0)
    oh = (lax.broadcasted_iota(jnp.int32, (blk, B), 1) == bc_ref[...]
          ).astype(_bf16)
    uw = _dot(u_ref[...], wn1u_ref[...])
    t = (_dot(x_ref[...], wn1x_ref[...]) + _dot(agg, wn1a_ref[...]) +
         jnp.dot(oh, uw.astype(_bf16), preferred_element_type=_f32) +
         bn1_ref[...])
    t = jnp.maximum(t, 0.0)
    t = jnp.maximum(_dot(t, wn2_ref[...]) + bn2_ref[...], 0.0)
    xh = _dot(t, wn3_ref[...]) + bn3_ref[...]
    a = jnp.maximum(_dot(xh, wa1_ref[...]) + ba1_ref[...], 0.0)
    a = jnp.maximum(_dot(a, wa2_ref[...]) + ba2_ref[...], 0.0)
    a = _dot(a, wa3_ref[...]) + ba3_ref[...]
    c = jax.nn.sigmoid(a) * xh
    oht = (lax.broadcasted_iota(jnp.int32, (B, blk), 0) == br_ref[...]
           ).astype(_bf16)
    gp = jnp.dot(oht, c.astype(_bf16), preferred_element_type=_f32)

    @pl.when(i == 0)
    def _():
        g_ref[...] = gp

    @pl.when(i > 0)
    def _():
        g_ref[...] += gp


def _node_call(xp, agg, cnt, bc, br, u, wn1x, wn1a, wn1u, bn1, wn2, bn2,
               wn3, bn3, wa1, ba1, wa2, ba2, wa3, ba3):
    blk = 1024
    grid = NPAD // blk
    full = lambda a, b: pl.BlockSpec((a, b), lambda i: (0, 0))
    return pl.pallas_call(
        _node_body,
        grid=(grid,),
        in_specs=[
            pl.BlockSpec((blk, F_X), lambda i: (i, 0)),
            pl.BlockSpec((blk, H), lambda i: (i, 0)),
            pl.BlockSpec((blk, H), lambda i: (i, 0)),
            pl.BlockSpec((blk, 1), lambda i: (i, 0)),
            pl.BlockSpec((1, blk), lambda i: (0, i)),
            full(B, F_X),
            full(F_X, H), full(H, H), full(F_X, H), full(1, H),
            full(H, H), full(1, H), full(H, H), full(1, H),
            full(H, H), full(1, H), full(H, H), full(1, H),
            full(H, H), full(1, H),
        ],
        out_specs=pl.BlockSpec((B, H), lambda i: (0, 0)),
        out_shape=jax.ShapeDtypeStruct((B, H), _f32),
    )(xp, agg, cnt, bc, br, u, wn1x, wn1a, wn1u, bn1, wn2, bn2, wn3, bn3,
      wa1, ba1, wa2, ba2, wa3, ba3)



def _final_body(g1_ref, u1_ref, g2_ref, u2_ref,
                wg1g_ref, wg1u_ref, bg1_ref, wg2_ref, bg2_ref, wg3_ref,
                bg3_ref, wf1a_ref, wf1b_ref, bf1_ref, wf2_ref, bf2_ref,
                wf3_ref, bf3_ref, o_ref):
    def glob(g, u):
        t = jnp.maximum(_dot(g, wg1g_ref[...]) + _dot(u, wg1u_ref[...]) +
                        bg1_ref[...], 0.0)
        t = jnp.maximum(_dot(t, wg2_ref[...]) + bg2_ref[...], 0.0)
        return _dot(t, wg3_ref[...]) + bg3_ref[...]

    u1h = glob(g1_ref[...], u1_ref[...])
    u2h = glob(g2_ref[...], u2_ref[...])
    t = jnp.maximum(_dot(u1h, wf1a_ref[...]) + _dot(u2h, wf1b_ref[...]) +
                    bf1_ref[...], 0.0)
    t = jnp.maximum(_dot(t, wf2_ref[...]) + bf2_ref[...], 0.0)
    o_ref[...] = _dot(t, wf3_ref[...]) + bf3_ref[...]


def _final_call(g1, u1, g2, u2, wg1g, wg1u, bg1, wg2, bg2, wg3, bg3,
                wf1a, wf1b, bf1, wf2, bf2, wf3, bf3):
    return pl.pallas_call(
        _final_body,
        out_shape=jax.ShapeDtypeStruct((B, H), _f32),
    )(g1, u1, g2, u2, wg1g, wg1u, bg1, wg2, bg2, wg3, bg3,
      wf1a, wf1b, bf1, wf2, bf2, wf3, bf3)



def kernel(x1, edge_index1, e1, u1, batch1, x2, edge_index2, e2, u2, batch2,
           params):
    (w1, b1), (w2, b2), (w3, b3) = params["edge"]
    (wn1, bn1), (wn2, bn2), (wn3, bn3) = params["node"]
    (wa1, ba1), (wa2, ba2), (wa3, ba3) = params["attn"]
    (wg1, bg1), (wg2, bg2), (wg3, bg3) = params["glob"]
    (wf1, bf1), (wf2, bf2), (wf3, bf3) = params["final"]

    bf = lambda w: w.astype(_bf16)
    row = lambda v: v.reshape(1, -1)

    w1s, w1d = bf(w1[:F_X]), bf(w1[F_X:2 * F_X])
    w1e, w1u = bf(w1[2 * F_X:2 * F_X + F_E]), bf(w1[2 * F_X + F_E:])
    wn1x, wn1a, wn1u = bf(wn1[:F_X]), bf(wn1[F_X:2 * F_X]), bf(wn1[2 * F_X:])
    wg1g, wg1u = bf(wg1[:H]), bf(wg1[H:])
    wf1a, wf1b = bf(wf1[:H]), bf(wf1[H:])

    def prep_stage(x, edge_index, e, u, batch):
        xp = jnp.pad(x, ((0, NPAD - N), (0, 0)))
        bc = jnp.pad(batch, (0, NPAD - N), constant_values=B).reshape(NPAD, 1)
        br = bc.reshape(1, NPAD)
        src = jnp.pad(edge_index[0], (0, EPAD - E))
        dst = jnp.pad(edge_index[1], (0, EPAD - E), constant_values=N)
        ep = jnp.pad(e, ((0, EPAD - E), (0, 0)))
        pa, xb = _prep_call(xp, bc, u, w1s, w1d, w1u, row(b1))
        return xp, bc, br, src, dst, ep, pa, xb

    xp1, bc1, br1, src1, dst1, ep1, pa1, xb1 = prep_stage(
        x1, edge_index1, e1, u1, batch1)
    xp2, bc2, br2, src2, dst2, ep2, pa2, xb2 = prep_stage(
        x2, edge_index2, e2, u2, batch2)

    pa_all = jnp.concatenate([pa1, pa2])
    xb_all = jnp.concatenate([xb1, xb2])
    srcs = jnp.concatenate([src1, src2 + NPAD]).reshape(1, 2 * EPAD)
    dsts = jnp.concatenate([dst1, dst2 + NPAD]).reshape(1, 2 * EPAD)
    ga, gb = _gather_sc(pa_all, xb_all, srcs, dsts)
    goff2 = EPAD

    eh1 = _edge_call(ga, gb, ep1, w1e, bf(w2), row(b2), bf(w3), row(b3), 0)
    eh2 = _edge_call(ga, gb, ep2, w1e, bf(w2), row(b2), bf(w3), row(b3), goff2)

    aggp1, cntp1, aggp2, cntp2 = _scatter_sc(dst1, eh1, dst2, eh2)
    agg1, cnt1 = aggp1.reshape(NPAD, H), cntp1.reshape(NPAD, H)
    agg2, cnt2 = aggp2.reshape(NPAD, H), cntp2.reshape(NPAD, H)

    def node_stage(xp, bc, br, u, agg, cnt):
        return _node_call(xp, agg, cnt, bc, br, u,
                          wn1x, wn1a, wn1u, row(bn1), bf(wn2), row(bn2),
                          bf(wn3), row(bn3), bf(wa1), row(ba1), bf(wa2),
                          row(ba2), bf(wa3), row(ba3))

    g1 = node_stage(xp1, bc1, br1, u1, agg1, cnt1)
    g2 = node_stage(xp2, bc2, br2, u2, agg2, cnt2)
    return _final_call(g1, u1, g2, u2, wg1g, wg1u, row(bg1), bf(wg2),
                       row(bg2), bf(wg3), row(bg3), wf1a, wf1b, row(bf1),
                       bf(wf2), row(bf2), bf(wf3), row(bf3))

# --- scband reference (transcript-rebuilt; emitter-appended) ---
"""Pipeline reference for scband-simplified-graph-embedding-12953621365070 (READ-ONLY COPY).

The authoritative reference and input builder live on the scoring server;
editing this copy changes nothing except your own understanding.
"""

import jax, jax.numpy as jnp
import numpy as np

N = 10000
E = 320000
B = 8
F_X = 128
F_E = 16
F_U = 128
F_OUT = 128
H = 128
MLP_LAYERS = [128, 128]


def init_mlp(key, f_in, f_out):
    dims = [f_in] + MLP_LAYERS + [f_out]
    params = []
    for i in range(len(dims) - 1):
        key, k = jax.random.split(key)
        W = jax.random.normal(k, (dims[i], dims[i + 1]), dtype=jnp.float32) * (1.0 / np.sqrt(dims[i]))
        b = jnp.zeros((dims[i + 1],), dtype=jnp.float32)
        params.append((W, b))
    return params


def mlp_apply(params, x):
    n = len(params)
    for i, (W, b) in enumerate(params):
        x = x @ W + b
        if i < n - 1:
            x = jax.nn.relu(x)
    return x


def setup_inputs(seed: int = 0) -> dict:
    key = jax.random.key(seed)
    ks = jax.random.split(key, 16)
    x1 = jax.random.normal(ks[0], (N, F_X), dtype=jnp.float32)
    edge_index1 = jax.random.randint(ks[1], (2, E), 0, N, dtype=jnp.int32)
    e1 = jax.random.normal(ks[2], (E, F_E), dtype=jnp.float32)
    u1 = jax.random.normal(ks[3], (B, F_U), dtype=jnp.float32)
    batch1 = jnp.sort(jax.random.randint(ks[4], (N,), 0, B, dtype=jnp.int32))
    x2 = jax.random.normal(ks[5], (N, F_X), dtype=jnp.float32)
    edge_index2 = jax.random.randint(ks[6], (2, E), 0, N, dtype=jnp.int32)
    e2 = jax.random.normal(ks[7], (E, F_E), dtype=jnp.float32)
    u2 = jax.random.normal(ks[8], (B, F_U), dtype=jnp.float32)
    batch2 = jnp.sort(jax.random.randint(ks[9], (N,), 0, B, dtype=jnp.int32))
    params = {
        "edge": init_mlp(ks[10], 2 * F_X + F_E + F_U, H),
        "node": init_mlp(ks[11], F_X + H + F_U, H),
        "attn": init_mlp(ks[12], H, H),
        "glob": init_mlp(ks[13], H + F_U, H),
        "final": init_mlp(ks[14], 2 * H, F_OUT),
    }
    return {
        "x1": x1, "edge_index1": edge_index1, "e1": e1, "u1": u1, "batch1": batch1,
        "x2": x2, "edge_index2": edge_index2, "e2": e2, "u2": u2, "batch2": batch2,
        "params": params,
    }


def graph_embedding(x, edge_index, e, u, batch, params):
    src = edge_index[0]
    dst = edge_index[1]
    # EdgeModelConcat: mlp(cat([x_src, x_dst, e, u[batch[src]]]))
    e_in = jnp.concatenate([x[src], x[dst], e, u[batch[src]]], axis=1)
    e_h = mlp_apply(params["edge"], e_in)
    # NodeModel: scatter-mean of edge features onto dst nodes
    n = x.shape[0]
    agg = jax.ops.segment_sum(e_h, dst, num_segments=n)
    cnt = jax.ops.segment_sum(jnp.ones((e_h.shape[0], 1), dtype=e_h.dtype), dst, num_segments=n)
    agg = agg / jnp.maximum(cnt, 1.0)
    x_in = jnp.concatenate([x, agg, u[batch]], axis=1)
    x_h = mlp_apply(params["node"], x_in)
    # GlobalModelNodeAttention: sigmoid attention over nodes, aggregate per graph
    attn = jax.nn.sigmoid(mlp_apply(params["attn"], x_h))
    g = jax.ops.segment_sum(attn * x_h, batch, num_segments=u.shape[0])
    u_h = mlp_apply(params["glob"], jnp.concatenate([g, u], axis=1))
    return u_h


def reference(x1, edge_index1, e1, u1, batch1, x2, edge_index2, e2, u2, batch2, params):
    u1_h = graph_embedding(x1, edge_index1, e1, u1, batch1, params)
    u2_h = graph_embedding(x2, edge_index2, e2, u2, batch2, params)
    out = mlp_apply(params["final"], jnp.concatenate([u1_h, u2_h], axis=1))
    return out

if __name__ == "__main__":
    import jax
    _d = setup_inputs()
    print(jax.jit(kernel)(*tuple(_d.values())))

</pallas_src>

<mosaic_0001>
#map = affine_map<(d0, d1) -> (0)>
#map1 = affine_map<(d0, d1) -> (0, 0)>
#map2 = affine_map<(d0, d1) -> (0, 0, 0)>
module attributes {stable_mosaic.version = 14 : i64} {
  func.func @kern(%arg0: i32, %arg1: i32, %arg2: memref<327680xi32, #tpu.memory_space<hbm>>, %arg3: memref<327680x128xf32, #tpu.memory_space<hbm>>, %arg4: memref<327680xi32, #tpu.memory_space<hbm>>, %arg5: memref<327680x128xf32, #tpu.memory_space<hbm>>, %arg6: memref<2x5120x128xf32, #tpu.memory_space<hbm>>, %arg7: memref<2x5120x128xf32, #tpu.memory_space<hbm>>, %arg8: memref<2x5120x128xf32, #tpu.memory_space<hbm>>, %arg9: memref<2x5120x128xf32, #tpu.memory_space<hbm>>, %arg10: memref<8x128xf32, #tpu.memory_space<vmem>>, %arg11: memref<128x128xf32, #tpu.memory_space<vmem>>, %arg12: memref<128xi32, #tpu.memory_space<vmem>>, %arg13: memref<128xi32, #tpu.memory_space<vmem>>, %arg14: memref<5248x128xf32, #tpu.memory_space<vmem_shared>>) attributes {dimension_semantics = [#tpu.dimension_semantics<core_parallel>, #tpu.dimension_semantics<subcore_parallel>], iteration_bounds = array<i64: 2, 16>, scalar_prefetch = 0 : i64, scratch_operands = 5 : i64, tpu.core_type = #tpu.core_type<sc_vector_subcore>, window_params = [{transform_indices = #map}, {transform_indices = #map1}, {transform_indices = #map}, {transform_indices = #map1}, {transform_indices = #map2}, {transform_indices = #map2}, {transform_indices = #map2}, {transform_indices = #map2}]} {
    %mul3A = arith.constant 20480 : i32
    %mul3A_0 = arith.muli %arg1, %mul3A : i32
    %scan3A = arith.constant 0 : i32
    %scan3A_1 = arith.constant 8 : i32
    %scan3A_2 = arith.addi %scan3A, %scan3A_1 : i32
    %scan3A_3 = arith.constant 1 : i32
    scf.for %scan3A_68 = %scan3A to %scan3A_2 step %scan3A_3  : i32 {
      %mul3A_69 = arith.constant 1 : i32
      %mul3A_70 = arith.muli %scan3A_68, %mul3A_69 : i32
      %add3A = arith.constant 0 : i32
      %add3A_71 = arith.addi %add3A, %mul3A_70 : i32
      %scan3A_72 = arith.constant 0 : i32
      %scan3A_73 = arith.constant 8 : i32
      %scan3A_74 = arith.addi %scan3A_72, %scan3A_73 : i32
      %scan3A_75 = arith.constant 1 : i32
      scf.for %scan3A_77 = %scan3A_72 to %scan3A_74 step %scan3A_75  : i32 {
        %mul3A_78 = arith.constant 1 : i32
        %mul3A_79 = arith.muli %scan3A_77, %mul3A_78 : i32
        %add3A_80 = arith.constant 0 : i32
        %add3A_81 = arith.addi %add3A_80, %mul3A_79 : i32
        %broadcast_in_dim3A = arith.constant 0.000000e+00 : f32
        %broadcast_in_dim3A_82 = vector.broadcast %broadcast_in_dim3A : f32 to vector<16xf32>
        %mul3A_83 = arith.constant 16 : i32
        %mul3A_84 = arith.muli %add3A_81, %mul3A_83 : i32
        %swap3A = arith.index_cast %add3A_71 : i32 to index
        %swap3A_85 = arith.index_cast %mul3A_84 : i32 to index
        %swap3A_86 = tpu.vector_load %arg10[%swap3A, %swap3A_85] {strides = array<i32>} : memref<8x128xf32, #tpu.memory_space<vmem>>, vector<1x16xf32>,
        %swap3A_87 = vector.shape_cast %swap3A_86 : vector<1x16xf32> to vector<16xf32>
        %swap3A_88 = vector.shape_cast %broadcast_in_dim3A_82 : vector<16xf32> to vector<1x16xf32>
        tpu.vector_store %arg10[%swap3A, %swap3A_85], %swap3A_88 {strides = array<i32>} : memref<8x128xf32, #tpu.memory_space<vmem>>, vector<1x16xf32>,
      }
      %scan3A_76 = arith.constant 8 : i32
    }
    %scan3A_4 = arith.constant 8 : i32
    %mul3A_5 = arith.constant 328 : i32
    %mul3A_6 = arith.muli %arg1, %mul3A_5 : i32
    %scan3A_7 = arith.constant 0 : i32
    %scan3A_8 = arith.constant 41 : i32
    %scan3A_9 = arith.addi %scan3A_7, %scan3A_8 : i32
    %scan3A_10 = arith.constant 1 : i32
    scf.for %scan3A_68 = %scan3A_7 to %scan3A_9 step %scan3A_10  : i32 {
      %mul3A_69 = arith.constant 1 : i32
      %mul3A_70 = arith.muli %scan3A_68, %mul3A_69 : i32
      %add3A = arith.constant 0 : i32
      %add3A_71 = arith.addi %add3A, %mul3A_70 : i32
      %mul3A_72 = arith.constant 8 : i32
      %mul3A_73 = arith.muli %add3A_71, %mul3A_72 : i32
      %add3A_74 = arith.addi %mul3A_6, %mul3A_73 : i32
      "tpu.region"() ({
        %run_scoped3A = tpu.sem_alloc : memref<!tpu.dma_semaphore, #tpu.memory_space<semaphore_mem>>
        %dma_start3A = arith.constant 0 : i32
        %dma_start3A_75 = tpu.memref_slice %arg14[%add3A_74, %dma_start3A] : memref<5248x128xf32, #tpu.memory_space<vmem_shared>> -> memref<8x128xf32, #tpu.memory_space<vmem_shared>>
        %dma_start3A_76 = arith.constant 0 : i32
        %dma_start3A_77 = tpu.memref_slice %arg14[%add3A_74, %dma_start3A_76] : memref<5248x128xf32, #tpu.memory_space<vmem_shared>> -> memref<8x128xf32, #tpu.memory_space<vmem_shared>>
        tpu.enqueue_dma source(%arg10 : memref<8x128xf32, #tpu.memory_space<vmem>>) target(%dma_start3A_77 : memref<8x128xf32, #tpu.memory_space<vmem_shared>>) target_semaphore(%run_scoped3A : memref<!tpu.dma_semaphore, #tpu.memory_space<semaphore_mem>>)
        %dma_wait3A = arith.constant 0 : i32
        %dma_wait3A_78 = tpu.memref_slice %arg14[%add3A_74, %dma_wait3A] : memref<5248x128xf32, #tpu.memory_space<vmem_shared>> -> memref<8x128xf32, #tpu.memory_space<vmem_shared>>
        %dma_wait3A_79 = arith.constant 0 : i32
        %dma_wait3A_80 = tpu.memref_slice %arg14[%add3A_74, %dma_wait3A_79] : memref<5248x128xf32, #tpu.memory_space<vmem_shared>> -> memref<8x128xf32, #tpu.memory_space<vmem_shared>>
        tpu.wait_dma2 semaphore(%run_scoped3A : memref<!tpu.dma_semaphore, #tpu.memory_space<semaphore_mem>>) src(%arg10 : memref<8x128xf32, #tpu.memory_space<vmem>>) dst(%dma_wait3A_80 : memref<8x128xf32, #tpu.memory_space<vmem_shared>>)
        tpu.yield
      }) : () -> ()
    }
    %scan3A_11 = arith.constant 41 : i32
    %barrier3A = arith.constant 0 : index
    tpu.barrier barrier_id(%barrier3A)
    %scan3A_12 = arith.constant 0 : i32
    %scan3A_13 = arith.constant 160 : i32
    %scan3A_14 = arith.addi %scan3A_12, %scan3A_13 : i32
    %scan3A_15 = arith.constant 1 : i32
    scf.for %scan3A_68 = %scan3A_12 to %scan3A_14 step %scan3A_15  : i32 {
      %mul3A_69 = arith.constant 1 : i32
      %mul3A_70 = arith.muli %scan3A_68, %mul3A_69 : i32
      %add3A = arith.constant 0 : i32
      %add3A_71 = arith.addi %add3A, %mul3A_70 : i32
      %mul3A_72 = arith.constant 128 : i32
      %mul3A_73 = arith.muli %add3A_71, %mul3A_72 : i32
      %add3A_74 = arith.addi %mul3A_0, %mul3A_73 : i32
      "tpu.region"() ({
        %run_scoped3A = tpu.sem_alloc : memref<!tpu.dma_semaphore, #tpu.memory_space<semaphore_mem>>
        %dma_start3A = arith.constant 0 : i32
        %dma_start3A_83 = tpu.memref_slice %arg3[%add3A_74, %dma_start3A] : memref<327680x128xf32, #tpu.memory_space<hbm>> -> memref<128x128xf32, #tpu.memory_space<hbm>>
        %dma_start3A_84 = arith.constant 0 : i32
        %dma_start3A_85 = tpu.memref_slice %arg3[%add3A_74, %dma_start3A_84] : memref<327680x128xf32, #tpu.memory_space<hbm>> -> memref<128x128xf32, #tpu.memory_space<hbm>>
        tpu.enqueue_dma source(%dma_start3A_85 : memref<128x128xf32, #tpu.memory_space<hbm>>) target(%arg11 : memref<128x128xf32, #tpu.memory_space<vmem>>) target_semaphore(%run_scoped3A : memref<!tpu.dma_semaphore, #tpu.memory_space<semaphore_mem>>)
        %dma_wait3A = arith.constant 0 : i32
        %dma_wait3A_86 = tpu.memref_slice %arg3[%add3A_74, %dma_wait3A] : memref<327680x128xf32, #tpu.memory_space<hbm>> -> memref<128x128xf32, #tpu.memory_space<hbm>>
        %dma_wait3A_87 = arith.constant 0 : i32
        %dma_wait3A_88 = tpu.memref_slice %arg3[%add3A_74, %dma_wait3A_87] : memref<327680x128xf32, #tpu.memory_space<hbm>> -> memref<128x128xf32, #tpu.memory_space<hbm>>
        tpu.wait_dma2 semaphore(%run_scoped3A : memref<!tpu.dma_semaphore, #tpu.memory_space<semaphore_mem>>) src(%dma_wait3A_88 : memref<128x128xf32, #tpu.memory_space<hbm>>) dst(%arg11 : memref<128x128xf32, #tpu.memory_space<vmem>>)
        tpu.yield
      }) : () -> ()
      %mul3A_75 = arith.constant 128 : i32
      %mul3A_76 = arith.muli %add3A_71, %mul3A_75 : i32
      %add3A_77 = arith.addi %mul3A_0, %mul3A_76 : i32
      "tpu.region"() ({
        %run_scoped3A = tpu.sem_alloc : memref<!tpu.dma_semaphore, #tpu.memory_space<semaphore_mem>>
        %dma_start3A = tpu.memref_slice %arg2[%add3A_77] : memref<327680xi32, #tpu.memory_space<hbm>> -> memref<128xi32, #tpu.memory_space<hbm>>
        %dma_start3A_83 = tpu.memref_slice %arg2[%add3A_77] : memref<327680xi32, #tpu.memory_space<hbm>> -> memref<128xi32, #tpu.memory_space<hbm>>
        tpu.enqueue_dma source(%dma_start3A_83 : memref<128xi32, #tpu.memory_space<hbm>>) target(%arg12 : memref<128xi32, #tpu.memory_space<vmem>>) target_semaphore(%run_scoped3A : memref<!tpu.dma_semaphore, #tpu.memory_space<semaphore_mem>>)
        %dma_wait3A = tpu.memref_slice %arg2[%add3A_77] : memref<327680xi32, #tpu.memory_space<hbm>> -> memref<128xi32, #tpu.memory_space<hbm>>
        %dma_wait3A_84 = tpu.memref_slice %arg2[%add3A_77] : memref<327680xi32, #tpu.memory_space<hbm>> -> memref<128xi32, #tpu.memory_space<hbm>>
        tpu.wait_dma2 semaphore(%run_scoped3A : memref<!tpu.dma_semaphore, #tpu.memory_space<semaphore_mem>>) src(%dma_wait3A_84 : memref<128xi32, #tpu.memory_space<hbm>>) dst(%arg12 : memref<128xi32, #tpu.memory_space<vmem>>)
        tpu.yield
      }) : () -> ()
      %scan3A_78 = arith.constant 0 : i32
      %scan3A_79 = arith.constant 8 : i32
      %scan3A_80 = arith.addi %scan3A_78, %scan3A_79 : i32
      %scan3A_81 = arith.constant 1 : i32
      scf.for %scan3A_83 = %scan3A_78 to %scan3A_80 step %scan3A_81  : i32 {
        %mul3A_84 = arith.constant 1 : i32
        %mul3A_85 = arith.muli %scan3A_83, %mul3A_84 : i32
        %add3A_86 = arith.constant 0 : i32
        %add3A_87 = arith.addi %add3A_86, %mul3A_85 : i32
        %mul3A_88 = arith.constant 16 : i32
        %mul3A_89 = arith.muli %add3A_87, %mul3A_88 : i32
        %get3A = arith.index_cast %mul3A_89 : i32 to index
        %get3A_90 = tpu.vector_load %arg12[%get3A] {strides = array<i32>} : memref<128xi32, #tpu.memory_space<vmem>>, vector<16xi32>,
        %get3A_91 = vector.shape_cast %get3A_90 : vector<16xi32> to vector<16xi32>
        %mul3A_92 = arith.constant 5120 : i32
        %mul3A_93 = arith.muli %arg0, %mul3A_92 : i32
        %sub3A = vector.broadcast %mul3A_93 : i32 to vector<16xi32>
        %sub3A_94 = arith.subi %get3A_91, %sub3A : vector<16xi32>
        %lt3A = arith.constant 0 : i32
        %lt3A_95 = vector.broadcast %lt3A : i32 to vector<16xi32>
        %lt3A_96 = arith.cmpi slt, %sub3A_94, %lt3A_95 : vector<16xi32>
        %ge3A = arith.constant 5120 : i32
        %ge3A_97 = vector.broadcast %ge3A : i32 to vector<16xi32>
        %ge3A_98 = arith.cmpi sge, %sub3A_94, %ge3A_97 : vector<16xi32>
        %or3A = arith.ori %lt3A_96, %ge3A_98 : vector<16xi1>
        %jit3A = arith.constant 5120 : i32
        %broadcast_in_dim3A = vector.broadcast %jit3A : i32 to vector<16xi32>
        %select_n3A = arith.select %or3A, %broadcast_in_dim3A, %sub3A_94 : vector<16xi1>, vector<16xi32>
        %mul3A_99 = arith.constant 16 : i32
        %mul3A_100 = arith.muli %add3A_87, %mul3A_99 : i32
        %swap3A = arith.index_cast %mul3A_100 : i32 to index
        %swap3A_101 = tpu.vector_load %arg13[%swap3A] {strides = array<i32>} : memref<128xi32, #tpu.memory_space<vmem>>, vector<16xi32>,
        %swap3A_102 = vector.shape_cast %swap3A_101 : vector<16xi32> to vector<16xi32>
        %swap3A_103 = vector.shape_cast %select_n3A : vector<16xi32> to vector<16xi32>
        tpu.vector_store %arg13[%swap3A], %swap3A_103 {strides = array<i32>} : memref<128xi32, #tpu.memory_space<vmem>>, vector<16xi32>,
      }
      %scan3A_82 = arith.constant 8 : i32
      "tpu.region"() ({
        %run_scoped3A = tpu.sem_alloc : memref<!tpu.dma_semaphore, #tpu.memory_space<semaphore_mem>>
        %dma_start3A = arith.constant 0 : i32
        %dma_start3A_83 = arith.constant 0 : i32
        %dma_start3A_84 = tpu.memref_slice %arg14[%dma_start3A, %dma_start3A_83] : memref<5248x128xf32, #tpu.memory_space<vmem_shared>> -> memref<5248x128xf32, #tpu.memory_space<vmem_shared>>
        tpu.enqueue_indirect_dma source(%arg11 : memref<128x128xf32, #tpu.memory_space<vmem>>) target(%dma_start3A_84 : memref<5248x128xf32, #tpu.memory_space<vmem_shared>>) offsets(%arg13 : memref<128xi32, #tpu.memory_space<vmem>>) semaphore(%run_scoped3A : memref<!tpu.dma_semaphore, #tpu.memory_space<semaphore_mem>>) {add = true}
        %dma_wait3A = arith.constant 0 : i32
        %dma_wait3A_85 = arith.constant 0 : i32
        %dma_wait3A_86 = tpu.memref_slice %arg14[%dma_wait3A, %dma_wait3A_85] : memref<5248x128xf32, #tpu.memory_space<vmem_shared>> -> memref<5248x128xf32, #tpu.memory_space<vmem_shared>>
        tpu.wait_indirect_dma semaphore(%run_scoped3A : memref<!tpu.dma_semaphore, #tpu.memory_space<semaphore_mem>>) src(%arg11 : memref<128x128xf32, #tpu.memory_space<vmem>>) dst(%dma_wait3A_86 : memref<5248x128xf32, #tpu.memory_space<vmem_shared>>)
        tpu.yield
      }) : () -> ()
    }
    %scan3A_16 = arith.constant 160 : i32
    %barrier3A_17 = arith.constant 0 : index
    tpu.barrier barrier_id(%barrier3A_17)
    %mul3A_18 = arith.constant 320 : i32
    %mul3A_19 = arith.muli %arg1, %mul3A_18 : i32
    "tpu.region"() ({
      %run_scoped3A = tpu.sem_alloc : memref<!tpu.dma_semaphore, #tpu.memory_space<semaphore_mem>>
      %dma_start3A = arith.constant 0 : i32
      %dma_start3A_68 = arith.constant 0 : i32
      %dma_start3A_69 = tpu.memref_slice %arg6[%arg0, %dma_start3A, %dma_start3A_68] : memref<2x5120x128xf32, #tpu.memory_space<hbm>> -> memref<1x5120x128xf32, #tpu.memory_space<hbm>>
      %dma_start3A_70 = tpu.memref_squeeze %dma_start3A_69 : memref<1x5120x128xf32, #tpu.memory_space<hbm>> -> memref<5120x128xf32, #tpu.memory_space<hbm>>
      %dma_start3A_71 = arith.constant 0 : i32
      %dma_start3A_72 = tpu.memref_slice %dma_start3A_70[%mul3A_19, %dma_start3A_71] : memref<5120x128xf32, #tpu.memory_space<hbm>> -> memref<320x128xf32, #tpu.memory_space<hbm>>
      %dma_start3A_73 = arith.constant 0 : i32
      %dma_start3A_74 = tpu.memref_slice %arg14[%mul3A_19, %dma_start3A_73] : memref<5248x128xf32, #tpu.memory_space<vmem_shared>> -> memref<320x128xf32, #tpu.memory_space<vmem_shared>>
      tpu.enqueue_dma source(%dma_start3A_74 : memref<320x128xf32, #tpu.memory_space<vmem_shared>>) target(%dma_start3A_72 : memref<320x128xf32, #tpu.memory_space<hbm>>) target_semaphore(%run_scoped3A : memref<!tpu.dma_semaphore, #tpu.memory_space<semaphore_mem>>)
      %dma_wait3A = arith.constant 0 : i32
      %dma_wait3A_75 = arith.constant 0 : i32
      %dma_wait3A_76 = tpu.memref_slice %arg6[%arg0, %dma_wait3A, %dma_wait3A_75] : memref<2x5120x128xf32, #tpu.memory_space<hbm>> -> memref<1x5120x128xf32, #tpu.memory_space<hbm>>
      %dma_wait3A_77 = tpu.memref_squeeze %dma_wait3A_76 : memref<1x5120x128xf32, #tpu.memory_space<hbm>> -> memref<5120x128xf32, #tpu.memory_space<hbm>>
      %dma_wait3A_78 = arith.constant 0 : i32
      %dma_wait3A_79 = tpu.memref_slice %dma_wait3A_77[%mul3A_19, %dma_wait3A_78] : memref<5120x128xf32, #tpu.memory_space<hbm>> -> memref<320x128xf32, #tpu.memory_space<hbm>>
      %dma_wait3A_80 = arith.constant 0 : i32
      %dma_wait3A_81 = tpu.memref_slice %arg14[%mul3A_19, %dma_wait3A_80] : memref<5248x128xf32, #tpu.memory_space<vmem_shared>> -> memref<320x128xf32, #tpu.memory_space<vmem_shared>>
      tpu.wait_dma2 semaphore(%run_scoped3A : memref<!tpu.dma_semaphore, #tpu.memory_space<semaphore_mem>>) src(%dma_wait3A_81 : memref<320x128xf32, #tpu.memory_space<vmem_shared>>) dst(%dma_wait3A_79 : memref<320x128xf32, #tpu.memory_space<hbm>>)
      tpu.yield
    }) : () -> ()
    %scan3A_20 = arith.constant 0 : i32
    %scan3A_21 = arith.constant 41 : i32
    %scan3A_22 = arith.addi %scan3A_20, %scan3A_21 : i32
    %scan3A_23 = arith.constant 1 : i32
    scf.for %scan3A_68 = %scan3A_20 to %scan3A_22 step %scan3A_23  : i32 {
      %mul3A_69 = arith.constant 1 : i32
      %mul3A_70 = arith.muli %scan3A_68, %mul3A_69 : i32
      %add3A = arith.constant 0 : i32
      %add3A_71 = arith.addi %add3A, %mul3A_70 : i32
      %mul3A_72 = arith.constant 8 : i32
      %mul3A_73 = arith.muli %add3A_71, %mul3A_72 : i32
      %add3A_74 = arith.addi %mul3A_6, %mul3A_73 : i32
      "tpu.region"() ({
        %run_scoped3A = tpu.sem_alloc : memref<!tpu.dma_semaphore, #tpu.memory_space<semaphore_mem>>
        %dma_start3A = arith.constant 0 : i32
        %dma_start3A_75 = tpu.memref_slice %arg14[%add3A_74, %dma_start3A] : memref<5248x128xf32, #tpu.memory_space<vmem_shared>> -> memref<8x128xf32, #tpu.memory_space<vmem_shared>>
        %dma_start3A_76 = arith.constant 0 : i32
        %dma_start3A_77 = tpu.memref_slice %arg14[%add3A_74, %dma_start3A_76] : memref<5248x128xf32, #tpu.memory_space<vmem_shared>> -> memref<8x128xf32, #tpu.memory_space<vmem_shared>>
        tpu.enqueue_dma source(%arg10 : memref<8x128xf32, #tpu.memory_space<vmem>>) target(%dma_start3A_77 : memref<8x128xf32, #tpu.memory_space<vmem_shared>>) target_semaphore(%run_scoped3A : memref<!tpu.dma_semaphore, #tpu.memory_space<semaphore_mem>>)
        %dma_wait3A = arith.constant 0 : i32
        %dma_wait3A_78 = tpu.memref_slice %arg14[%add3A_74, %dma_wait3A] : memref<5248x128xf32, #tpu.memory_space<vmem_shared>> -> memref<8x128xf32, #tpu.memory_space<vmem_shared>>
        %dma_wait3A_79 = arith.constant 0 : i32
        %dma_wait3A_80 = tpu.memref_slice %arg14[%add3A_74, %dma_wait3A_79] : memref<5248x128xf32, #tpu.memory_space<vmem_shared>> -> memref<8x128xf32, #tpu.memory_space<vmem_shared>>
        tpu.wait_dma2 semaphore(%run_scoped3A : memref<!tpu.dma_semaphore, #tpu.memory_space<semaphore_mem>>) src(%arg10 : memref<8x128xf32, #tpu.memory_space<vmem>>) dst(%dma_wait3A_80 : memref<8x128xf32, #tpu.memory_space<vmem_shared>>)
        tpu.yield
      }) : () -> ()
    }
    %scan3A_24 = arith.constant 41 : i32
    %barrier3A_25 = arith.constant 0 : index
    tpu.barrier barrier_id(%barrier3A_25)
    %scan3A_26 = arith.constant 0 : i32
    %scan3A_27 = arith.constant 128 : i32
    %scan3A_28 = arith.addi %scan3A_26, %scan3A_27 : i32
    %scan3A_29 = arith.constant 1 : i32
    scf.for %scan3A_68 = %scan3A_26 to %scan3A_28 step %scan3A_29  : i32 {
      %mul3A_69 = arith.constant 1 : i32
      %mul3A_70 = arith.muli %scan3A_68, %mul3A_69 : i32
      %add3A = arith.constant 0 : i32
      %add3A_71 = arith.addi %add3A, %mul3A_70 : i32
      %scan3A_72 = arith.constant 0 : i32
      %scan3A_73 = arith.constant 8 : i32
      %scan3A_74 = arith.addi %scan3A_72, %scan3A_73 : i32
      %scan3A_75 = arith.constant 1 : i32
      scf.for %scan3A_77 = %scan3A_72 to %scan3A_74 step %scan3A_75  : i32 {
        %mul3A_78 = arith.constant 1 : i32
        %mul3A_79 = arith.muli %scan3A_77, %mul3A_78 : i32
        %add3A_80 = arith.constant 0 : i32
        %add3A_81 = arith.addi %add3A_80, %mul3A_79 : i32
        %broadcast_in_dim3A = arith.constant 1.000000e+00 : f32
        %broadcast_in_dim3A_82 = vector.broadcast %broadcast_in_dim3A : f32 to vector<16xf32>
        %mul3A_83 = arith.constant 16 : i32
        %mul3A_84 = arith.muli %add3A_81, %mul3A_83 : i32
        %swap3A = arith.index_cast %add3A_71 : i32 to index
        %swap3A_85 = arith.index_cast %mul3A_84 : i32 to index
        %swap3A_86 = tpu.vector_load %arg11[%swap3A, %swap3A_85] {strides = array<i32>} : memref<128x128xf32, #tpu.memory_space<vmem>>, vector<1x16xf32>,
        %swap3A_87 = vector.shape_cast %swap3A_86 : vector<1x16xf32> to vector<16xf32>
        %swap3A_88 = vector.shape_cast %broadcast_in_dim3A_82 : vector<16xf32> to vector<1x16xf32>
        tpu.vector_store %arg11[%swap3A, %swap3A_85], %swap3A_88 {strides = array<i32>} : memref<128x128xf32, #tpu.memory_space<vmem>>, vector<1x16xf32>,
      }
      %scan3A_76 = arith.constant 8 : i32
    }
    %scan3A_30 = arith.constant 128 : i32
    %scan3A_31 = arith.constant 0 : i32
    %scan3A_32 = arith.constant 160 : i32
    %scan3A_33 = arith.addi %scan3A_31, %scan3A_32 : i32
    %scan3A_34 = arith.constant 1 : i32
    scf.for %scan3A_68 = %scan3A_31 to %scan3A_33 step %scan3A_34  : i32 {
      %mul3A_69 = arith.constant 1 : i32
      %mul3A_70 = arith.muli %scan3A_68, %mul3A_69 : i32
      %add3A = arith.constant 0 : i32
      %add3A_71 = arith.addi %add3A, %mul3A_70 : i32
      %mul3A_72 = arith.constant 128 : i32
      %mul3A_73 = arith.muli %add3A_71, %mul3A_72 : i32
      %add3A_74 = arith.addi %mul3A_0, %mul3A_73 : i32
      "tpu.region"() ({
        %run_scoped3A = tpu.sem_alloc : memref<!tpu.dma_semaphore, #tpu.memory_space<semaphore_mem>>
        %dma_start3A = tpu.memref_slice %arg2[%add3A_74] : memref<327680xi32, #tpu.memory_space<hbm>> -> memref<128xi32, #tpu.memory_space<hbm>>
        %dma_start3A_80 = tpu.memref_slice %arg2[%add3A_74] : memref<327680xi32, #tpu.memory_space<hbm>> -> memref<128xi32, #tpu.memory_space<hbm>>
        tpu.enqueue_dma source(%dma_start3A_80 : memref<128xi32, #tpu.memory_space<hbm>>) target(%arg12 : memref<128xi32, #tpu.memory_space<vmem>>) target_semaphore(%run_scoped3A : memref<!tpu.dma_semaphore, #tpu.memory_space<semaphore_mem>>)
        %dma_wait3A = tpu.memref_slice %arg2[%add3A_74] : memref<327680xi32, #tpu.memory_space<hbm>> -> memref<128xi32, #tpu.memory_space<hbm>>
        %dma_wait3A_81 = tpu.memref_slice %arg2[%add3A_74] : memref<327680xi32, #tpu.memory_space<hbm>> -> memref<128xi32, #tpu.memory_space<hbm>>
        tpu.wait_dma2 semaphore(%run_scoped3A : memref<!tpu.dma_semaphore, #tpu.memory_space<semaphore_mem>>) src(%dma_wait3A_81 : memref<128xi32, #tpu.memory_space<hbm>>) dst(%arg12 : memref<128xi32, #tpu.memory_space<vmem>>)
        tpu.yield
      }) : () -> ()
      %scan3A_75 = arith.constant 0 : i32
      %scan3A_76 = arith.constant 8 : i32
      %scan3A_77 = arith.addi %scan3A_75, %scan3A_76 : i32
      %scan3A_78 = arith.constant 1 : i32
      scf.for %scan3A_80 = %scan3A_75 to %scan3A_77 step %scan3A_78  : i32 {
        %mul3A_81 = arith.constant 1 : i32
        %mul3A_82 = arith.muli %scan3A_80, %mul3A_81 : i32
        %add3A_83 = arith.constant 0 : i32
        %add3A_84 = arith.addi %add3A_83, %mul3A_82 : i32
        %mul3A_85 = arith.constant 16 : i32
        %mul3A_86 = arith.muli %add3A_84, %mul3A_85 : i32
        %get3A = arith.index_cast %mul3A_86 : i32 to index
        %get3A_87 = tpu.vector_load %arg12[%get3A] {strides = array<i32>} : memref<128xi32, #tpu.memory_space<vmem>>, vector<16xi32>,
        %get3A_88 = vector.shape_cast %get3A_87 : vector<16xi32> to vector<16xi32>
        %mul3A_89 = arith.constant 5120 : i32
        %mul3A_90 = arith.muli %arg0, %mul3A_89 : i32
        %sub3A = vector.broadcast %mul3A_90 : i32 to vector<16xi32>
        %sub3A_91 = arith.subi %get3A_88, %sub3A : vector<16xi32>
        %lt3A = arith.constant 0 : i32
        %lt3A_92 = vector.broadcast %lt3A : i32 to vector<16xi32>
        %lt3A_93 = arith.cmpi slt, %sub3A_91, %lt3A_92 : vector<16xi32>
        %ge3A = arith.constant 5120 : i32
        %ge3A_94 = vector.broadcast %ge3A : i32 to vector<16xi32>
        %ge3A_95 = arith.cmpi sge, %sub3A_91, %ge3A_94 : vector<16xi32>
        %or3A = arith.ori %lt3A_93, %ge3A_95 : vector<16xi1>
        %jit3A = arith.constant 5120 : i32
        %broadcast_in_dim3A = vector.broadcast %jit3A : i32 to vector<16xi32>
        %select_n3A = arith.select %or3A, %broadcast_in_dim3A, %sub3A_91 : vector<16xi1>, vector<16xi32>
        %mul3A_96 = arith.constant 16 : i32
        %mul3A_97 = arith.muli %add3A_84, %mul3A_96 : i32
        %swap3A = arith.index_cast %mul3A_97 : i32 to index
        %swap3A_98 = tpu.vector_load %arg13[%swap3A] {strides = array<i32>} : memref<128xi32, #tpu.memory_space<vmem>>, vector<16xi32>,
        %swap3A_99 = vector.shape_cast %swap3A_98 : vector<16xi32> to vector<16xi32>
        %swap3A_100 = vector.shape_cast %select_n3A : vector<16xi32> to vector<16xi32>
        tpu.vector_store %arg13[%swap3A], %swap3A_100 {strides = array<i32>} : memref<128xi32, #tpu.memory_space<vmem>>, vector<16xi32>,
      }
      %scan3A_79 = arith.constant 8 : i32
      "tpu.region"() ({
        %run_scoped3A = tpu.sem_alloc : memref<!tpu.dma_semaphore, #tpu.memory_space<semaphore_mem>>
        %dma_start3A = arith.constant 0 : i32
        %dma_start3A_80 = arith.constant 0 : i32
        %dma_start3A_81 = tpu.memref_slice %arg14[%dma_start3A, %dma_start3A_80] : memref<5248x128xf32, #tpu.memory_space<vmem_shared>> -> memref<5248x128xf32, #tpu.memory_space<vmem_shared>>
        tpu.enqueue_indirect_dma source(%arg11 : memref<128x128xf32, #tpu.memory_space<vmem>>) target(%dma_start3A_81 : memref<5248x128xf32, #tpu.memory_space<vmem_shared>>) offsets(%arg13 : memref<128xi32, #tpu.memory_space<vmem>>) semaphore(%run_scoped3A : memref<!tpu.dma_semaphore, #tpu.memory_space<semaphore_mem>>) {add = true}
        %dma_wait3A = arith.constant 0 : i32
        %dma_wait3A_82 = arith.constant 0 : i32
        %dma_wait3A_83 = tpu.memref_slice %arg14[%dma_wait3A, %dma_wait3A_82] : memref<5248x128xf32, #tpu.memory_space<vmem_shared>> -> memref<5248x128xf32, #tpu.memory_space<vmem_shared>>
        tpu.wait_indirect_dma semaphore(%run_scoped3A : memref<!tpu.dma_semaphore, #tpu.memory_space<semaphore_mem>>) src(%arg11 : memref<128x128xf32, #tpu.memory_space<vmem>>) dst(%dma_wait3A_83 : memref<5248x128xf32, #tpu.memory_space<vmem_shared>>)
        tpu.yield
      }) : () -> ()
    }
    %scan3A_35 = arith.constant 160 : i32
    %barrier3A_36 = arith.constant 0 : index
    tpu.barrier barrier_id(%barrier3A_36)
    "tpu.region"() ({
      %run_scoped3A = tpu.sem_alloc : memref<!tpu.dma_semaphore, #tpu.memory_space<semaphore_mem>>
      %dma_start3A = arith.constant 0 : i32
      %dma_start3A_68 = arith.constant 0 : i32
      %dma_start3A_69 = tpu.memref_slice %arg7[%arg0, %dma_start3A, %dma_start3A_68] : memref<2x5120x128xf32, #tpu.memory_space<hbm>> -> memref<1x5120x128xf32, #tpu.memory_space<hbm>>
      %dma_start3A_70 = tpu.memref_squeeze %dma_start3A_69 : memref<1x5120x128xf32, #tpu.memory_space<hbm>> -> memref<5120x128xf32, #tpu.memory_space<hbm>>
      %dma_start3A_71 = arith.constant 0 : i32
      %dma_start3A_72 = tpu.memref_slice %dma_start3A_70[%mul3A_19, %dma_start3A_71] : memref<5120x128xf32, #tpu.memory_space<hbm>> -> memref<320x128xf32, #tpu.memory_space<hbm>>
      %dma_start3A_73 = arith.constant 0 : i32
      %dma_start3A_74 = tpu.memref_slice %arg14[%mul3A_19, %dma_start3A_73] : memref<5248x128xf32, #tpu.memory_space<vmem_shared>> -> memref<320x128xf32, #tpu.memory_space<vmem_shared>>
      tpu.enqueue_dma source(%dma_start3A_74 : memref<320x128xf32, #tpu.memory_space<vmem_shared>>) target(%dma_start3A_72 : memref<320x128xf32, #tpu.memory_space<hbm>>) target_semaphore(%run_scoped3A : memref<!tpu.dma_semaphore, #tpu.memory_space<semaphore_mem>>)
      %dma_wait3A = arith.constant 0 : i32
      %dma_wait3A_75 = arith.constant 0 : i32
      %dma_wait3A_76 = tpu.memref_slice %arg7[%arg0, %dma_wait3A, %dma_wait3A_75] : memref<2x5120x128xf32, #tpu.memory_space<hbm>> -> memref<1x5120x128xf32, #tpu.memory_space<hbm>>
      %dma_wait3A_77 = tpu.memref_squeeze %dma_wait3A_76 : memref<1x5120x128xf32, #tpu.memory_space<hbm>> -> memref<5120x128xf32, #tpu.memory_space<hbm>>
      %dma_wait3A_78 = arith.constant 0 : i32
      %dma_wait3A_79 = tpu.memref_slice %dma_wait3A_77[%mul3A_19, %dma_wait3A_78] : memref<5120x128xf32, #tpu.memory_space<hbm>> -> memref<320x128xf32, #tpu.memory_space<hbm>>
      %dma_wait3A_80 = arith.constant 0 : i32
      %dma_wait3A_81 = tpu.memref_slice %arg14[%mul3A_19, %dma_wait3A_80] : memref<5248x128xf32, #tpu.memory_space<vmem_shared>> -> memref<320x128xf32, #tpu.memory_space<vmem_shared>>
      tpu.wait_dma2 semaphore(%run_scoped3A : memref<!tpu.dma_semaphore, #tpu.memory_space<semaphore_mem>>) src(%dma_wait3A_81 : memref<320x128xf32, #tpu.memory_space<vmem_shared>>) dst(%dma_wait3A_79 : memref<320x128xf32, #tpu.memory_space<hbm>>)
      tpu.yield
    }) : () -> ()
    %scan3A_37 = arith.constant 0 : i32
    %scan3A_38 = arith.constant 41 : i32
    %scan3A_39 = arith.addi %scan3A_37, %scan3A_38 : i32
    %scan3A_40 = arith.constant 1 : i32
    scf.for %scan3A_68 = %scan3A_37 to %scan3A_39 step %scan3A_40  : i32 {
      %mul3A_69 = arith.constant 1 : i32
      %mul3A_70 = arith.muli %scan3A_68, %mul3A_69 : i32
      %add3A = arith.constant 0 : i32
      %add3A_71 = arith.addi %add3A, %mul3A_70 : i32
      %mul3A_72 = arith.constant 8 : i32
      %mul3A_73 = arith.muli %add3A_71, %mul3A_72 : i32
      %add3A_74 = arith.addi %mul3A_6, %mul3A_73 : i32
      "tpu.region"() ({
        %run_scoped3A = tpu.sem_alloc : memref<!tpu.dma_semaphore, #tpu.memory_space<semaphore_mem>>
        %dma_start3A = arith.constant 0 : i32
        %dma_start3A_75 = tpu.memref_slice %arg14[%add3A_74, %dma_start3A] : memref<5248x128xf32, #tpu.memory_space<vmem_shared>> -> memref<8x128xf32, #tpu.memory_space<vmem_shared>>
        %dma_start3A_76 = arith.constant 0 : i32
        %dma_start3A_77 = tpu.memref_slice %arg14[%add3A_74, %dma_start3A_76] : memref<5248x128xf32, #tpu.memory_space<vmem_shared>> -> memref<8x128xf32, #tpu.memory_space<vmem_shared>>
        tpu.enqueue_dma source(%arg10 : memref<8x128xf32, #tpu.memory_space<vmem>>) target(%dma_start3A_77 : memref<8x128xf32, #tpu.memory_space<vmem_shared>>) target_semaphore(%run_scoped3A : memref<!tpu.dma_semaphore, #tpu.memory_space<semaphore_mem>>)
        %dma_wait3A = arith.constant 0 : i32
        %dma_wait3A_78 = tpu.memref_slice %arg14[%add3A_74, %dma_wait3A] : memref<5248x128xf32, #tpu.memory_space<vmem_shared>> -> memref<8x128xf32, #tpu.memory_space<vmem_shared>>
        %dma_wait3A_79 = arith.constant 0 : i32
        %dma_wait3A_80 = tpu.memref_slice %arg14[%add3A_74, %dma_wait3A_79] : memref<5248x128xf32, #tpu.memory_space<vmem_shared>> -> memref<8x128xf32, #tpu.memory_space<vmem_shared>>
        tpu.wait_dma2 semaphore(%run_scoped3A : memref<!tpu.dma_semaphore, #tpu.memory_space<semaphore_mem>>) src(%arg10 : memref<8x128xf32, #tpu.memory_space<vmem>>) dst(%dma_wait3A_80 : memref<8x128xf32, #tpu.memory_space<vmem_shared>>)
        tpu.yield
      }) : () -> ()
    }
    %scan3A_41 = arith.constant 41 : i32
    %barrier3A_42 = arith.constant 0 : index
    tpu.barrier barrier_id(%barrier3A_42)
    %scan3A_43 = arith.constant 0 : i32
    %scan3A_44 = arith.constant 160 : i32
    %scan3A_45 = arith.addi %scan3A_43, %scan3A_44 : i32
    %scan3A_46 = arith.constant 1 : i32
    scf.for %scan3A_68 = %scan3A_43 to %scan3A_45 step %scan3A_46  : i32 {
      %mul3A_69 = arith.constant 1 : i32
      %mul3A_70 = arith.muli %scan3A_68, %mul3A_69 : i32
      %add3A = arith.constant 0 : i32
      %add3A_71 = arith.addi %add3A, %mul3A_70 : i32
      %mul3A_72 = arith.constant 128 : i32
      %mul3A_73 = arith.muli %add3A_71, %mul3A_72 : i32
      %add3A_74 = arith.addi %mul3A_0, %mul3A_73 : i32
      "tpu.region"() ({
        %run_scoped3A = tpu.sem_alloc : memref<!tpu.dma_semaphore, #tpu.memory_space<semaphore_mem>>
        %dma_start3A = arith.constant 0 : i32
        %dma_start3A_83 = tpu.memref_slice %arg5[%add3A_74, %dma_start3A] : memref<327680x128xf32, #tpu.memory_space<hbm>> -> memref<128x128xf32, #tpu.memory_space<hbm>>
        %dma_start3A_84 = arith.constant 0 : i32
        %dma_start3A_85 = tpu.memref_slice %arg5[%add3A_74, %dma_start3A_84] : memref<327680x128xf32, #tpu.memory_space<hbm>> -> memref<128x128xf32, #tpu.memory_space<hbm>>
        tpu.enqueue_dma source(%dma_start3A_85 : memref<128x128xf32, #tpu.memory_space<hbm>>) target(%arg11 : memref<128x128xf32, #tpu.memory_space<vmem>>) target_semaphore(%run_scoped3A : memref<!tpu.dma_semaphore, #tpu.memory_space<semaphore_mem>>)
        %dma_wait3A = arith.constant 0 : i32
        %dma_wait3A_86 = tpu.memref_slice %arg5[%add3A_74, %dma_wait3A] : memref<327680x128xf32, #tpu.memory_space<hbm>> -> memref<128x128xf32, #tpu.memory_space<hbm>>
        %dma_wait3A_87 = arith.constant 0 : i32
        %dma_wait3A_88 = tpu.memref_slice %arg5[%add3A_74, %dma_wait3A_87] : memref<327680x128xf32, #tpu.memory_space<hbm>> -> memref<128x128xf32, #tpu.memory_space<hbm>>
        tpu.wait_dma2 semaphore(%run_scoped3A : memref<!tpu.dma_semaphore, #tpu.memory_space<semaphore_mem>>) src(%dma_wait3A_88 : memref<128x128xf32, #tpu.memory_space<hbm>>) dst(%arg11 : memref<128x128xf32, #tpu.memory_space<vmem>>)
        tpu.yield
      }) : () -> ()
      %mul3A_75 = arith.constant 128 : i32
      %mul3A_76 = arith.muli %add3A_71, %mul3A_75 : i32
      %add3A_77 = arith.addi %mul3A_0, %mul3A_76 : i32
      "tpu.region"() ({
        %run_scoped3A = tpu.sem_alloc : memref<!tpu.dma_semaphore, #tpu.memory_space<semaphore_mem>>
        %dma_start3A = tpu.memref_slice %arg4[%add3A_77] : memref<327680xi32, #tpu.memory_space<hbm>> -> memref<128xi32, #tpu.memory_space<hbm>>
        %dma_start3A_83 = tpu.memref_slice %arg4[%add3A_77] : memref<327680xi32, #tpu.memory_space<hbm>> -> memref<128xi32, #tpu.memory_space<hbm>>
        tpu.enqueue_dma source(%dma_start3A_83 : memref<128xi32, #tpu.memory_space<hbm>>) target(%arg12 : memref<128xi32, #tpu.memory_space<vmem>>) target_semaphore(%run_scoped3A : memref<!tpu.dma_semaphore, #tpu.memory_space<semaphore_mem>>)
        %dma_wait3A = tpu.memref_slice %arg4[%add3A_77] : memref<327680xi32, #tpu.memory_space<hbm>> -> memref<128xi32, #tpu.memory_space<hbm>>
        %dma_wait3A_84 = tpu.memref_slice %arg4[%add3A_77] : memref<327680xi32, #tpu.memory_space<hbm>> -> memref<128xi32, #tpu.memory_space<hbm>>
        tpu.wait_dma2 semaphore(%run_scoped3A : memref<!tpu.dma_semaphore, #tpu.memory_space<semaphore_mem>>) src(%dma_wait3A_84 : memref<128xi32, #tpu.memory_space<hbm>>) dst(%arg12 : memref<128xi32, #tpu.memory_space<vmem>>)
        tpu.yield
      }) : () -> ()
      %scan3A_78 = arith.constant 0 : i32
      %scan3A_79 = arith.constant 8 : i32
      %scan3A_80 = arith.addi %scan3A_78, %scan3A_79 : i32
      %scan3A_81 = arith.constant 1 : i32
      scf.for %scan3A_83 = %scan3A_78 to %scan3A_80 step %scan3A_81  : i32 {
        %mul3A_84 = arith.constant 1 : i32
        %mul3A_85 = arith.muli %scan3A_83, %mul3A_84 : i32
        %add3A_86 = arith.constant 0 : i32
        %add3A_87 = arith.addi %add3A_86, %mul3A_85 : i32
        %mul3A_88 = arith.constant 16 : i32
        %mul3A_89 = arith.muli %add3A_87, %mul3A_88 : i32
        %get3A = arith.index_cast %mul3A_89 : i32 to index
        %get3A_90 = tpu.vector_load %arg12[%get3A] {strides = array<i32>} : memref<128xi32, #tpu.memory_space<vmem>>, vector<16xi32>,
        %get3A_91 = vector.shape_cast %get3A_90 : vector<16xi32> to vector<16xi32>
        %mul3A_92 = arith.constant 5120 : i32
        %mul3A_93 = arith.muli %arg0, %mul3A_92 : i32
        %sub3A = vector.broadcast %mul3A_93 : i32 to vector<16xi32>
        %sub3A_94 = arith.subi %get3A_91, %sub3A : vector<16xi32>
        %lt3A = arith.constant 0 : i32
        %lt3A_95 = vector.broadcast %lt3A : i32 to vector<16xi32>
        %lt3A_96 = arith.cmpi slt, %sub3A_94, %lt3A_95 : vector<16xi32>
        %ge3A = arith.constant 5120 : i32
        %ge3A_97 = vector.broadcast %ge3A : i32 to vector<16xi32>
        %ge3A_98 = arith.cmpi sge, %sub3A_94, %ge3A_97 : vector<16xi32>
        %or3A = arith.ori %lt3A_96, %ge3A_98 : vector<16xi1>
        %jit3A = arith.constant 5120 : i32
        %broadcast_in_dim3A = vector.broadcast %jit3A : i32 to vector<16xi32>
        %select_n3A = arith.select %or3A, %broadcast_in_dim3A, %sub3A_94 : vector<16xi1>, vector<16xi32>
        %mul3A_99 = arith.constant 16 : i32
        %mul3A_100 = arith.muli %add3A_87, %mul3A_99 : i32
        %swap3A = arith.index_cast %mul3A_100 : i32 to index
        %swap3A_101 = tpu.vector_load %arg13[%swap3A] {strides = array<i32>} : memref<128xi32, #tpu.memory_space<vmem>>, vector<16xi32>,
        %swap3A_102 = vector.shape_cast %swap3A_101 : vector<16xi32> to vector<16xi32>
        %swap3A_103 = vector.shape_cast %select_n3A : vector<16xi32> to vector<16xi32>
        tpu.vector_store %arg13[%swap3A], %swap3A_103 {strides = array<i32>} : memref<128xi32, #tpu.memory_space<vmem>>, vector<16xi32>,
      }
      %scan3A_82 = arith.constant 8 : i32
      "tpu.region"() ({
        %run_scoped3A = tpu.sem_alloc : memref<!tpu.dma_semaphore, #tpu.memory_space<semaphore_mem>>
        %dma_start3A = arith.constant 0 : i32
        %dma_start3A_83 = arith.constant 0 : i32
        %dma_start3A_84 = tpu.memref_slice %arg14[%dma_start3A, %dma_start3A_83] : memref<5248x128xf32, #tpu.memory_space<vmem_shared>> -> memref<5248x128xf32, #tpu.memory_space<vmem_shared>>
        tpu.enqueue_indirect_dma source(%arg11 : memref<128x128xf32, #tpu.memory_space<vmem>>) target(%dma_start3A_84 : memref<5248x128xf32, #tpu.memory_space<vmem_shared>>) offsets(%arg13 : memref<128xi32, #tpu.memory_space<vmem>>) semaphore(%run_scoped3A : memref<!tpu.dma_semaphore, #tpu.memory_space<semaphore_mem>>) {add = true}
        %dma_wait3A = arith.constant 0 : i32
        %dma_wait3A_85 = arith.constant 0 : i32
        %dma_wait3A_86 = tpu.memref_slice %arg14[%dma_wait3A, %dma_wait3A_85] : memref<5248x128xf32, #tpu.memory_space<vmem_shared>> -> memref<5248x128xf32, #tpu.memory_space<vmem_shared>>
        tpu.wait_indirect_dma semaphore(%run_scoped3A : memref<!tpu.dma_semaphore, #tpu.memory_space<semaphore_mem>>) src(%arg11 : memref<128x128xf32, #tpu.memory_space<vmem>>) dst(%dma_wait3A_86 : memref<5248x128xf32, #tpu.memory_space<vmem_shared>>)
        tpu.yield
      }) : () -> ()
    }
    %scan3A_47 = arith.constant 160 : i32
    %barrier3A_48 = arith.constant 0 : index
    tpu.barrier barrier_id(%barrier3A_48)
    %mul3A_49 = arith.constant 320 : i32
    %mul3A_50 = arith.muli %arg1, %mul3A_49 : i32
    "tpu.region"() ({
      %run_scoped3A = tpu.sem_alloc : memref<!tpu.dma_semaphore, #tpu.memory_space<semaphore_mem>>
      %dma_start3A = arith.constant 0 : i32
      %dma_start3A_68 = arith.constant 0 : i32
      %dma_start3A_69 = tpu.memref_slice %arg8[%arg0, %dma_start3A, %dma_start3A_68] : memref<2x5120x128xf32, #tpu.memory_space<hbm>> -> memref<1x5120x128xf32, #tpu.memory_space<hbm>>
      %dma_start3A_70 = tpu.memref_squeeze %dma_start3A_69 : memref<1x5120x128xf32, #tpu.memory_space<hbm>> -> memref<5120x128xf32, #tpu.memory_space<hbm>>
      %dma_start3A_71 = arith.constant 0 : i32
      %dma_start3A_72 = tpu.memref_slice %dma_start3A_70[%mul3A_50, %dma_start3A_71] : memref<5120x128xf32, #tpu.memory_space<hbm>> -> memref<320x128xf32, #tpu.memory_space<hbm>>
      %dma_start3A_73 = arith.constant 0 : i32
      %dma_start3A_74 = tpu.memref_slice %arg14[%mul3A_50, %dma_start3A_73] : memref<5248x128xf32, #tpu.memory_space<vmem_shared>> -> memref<320x128xf32, #tpu.memory_space<vmem_shared>>
      tpu.enqueue_dma source(%dma_start3A_74 : memref<320x128xf32, #tpu.memory_space<vmem_shared>>) target(%dma_start3A_72 : memref<320x128xf32, #tpu.memory_space<hbm>>) target_semaphore(%run_scoped3A : memref<!tpu.dma_semaphore, #tpu.memory_space<semaphore_mem>>)
      %dma_wait3A = arith.constant 0 : i32
      %dma_wait3A_75 = arith.constant 0 : i32
      %dma_wait3A_76 = tpu.memref_slice %arg8[%arg0, %dma_wait3A, %dma_wait3A_75] : memref<2x5120x128xf32, #tpu.memory_space<hbm>> -> memref<1x5120x128xf32, #tpu.memory_space<hbm>>
      %dma_wait3A_77 = tpu.memref_squeeze %dma_wait3A_76 : memref<1x5120x128xf32, #tpu.memory_space<hbm>> -> memref<5120x128xf32, #tpu.memory_space<hbm>>
      %dma_wait3A_78 = arith.constant 0 : i32
      %dma_wait3A_79 = tpu.memref_slice %dma_wait3A_77[%mul3A_50, %dma_wait3A_78] : memref<5120x128xf32, #tpu.memory_space<hbm>> -> memref<320x128xf32, #tpu.memory_space<hbm>>
      %dma_wait3A_80 = arith.constant 0 : i32
      %dma_wait3A_81 = tpu.memref_slice %arg14[%mul3A_50, %dma_wait3A_80] : memref<5248x128xf32, #tpu.memory_space<vmem_shared>> -> memref<320x128xf32, #tpu.memory_space<vmem_shared>>
      tpu.wait_dma2 semaphore(%run_scoped3A : memref<!tpu.dma_semaphore, #tpu.memory_space<semaphore_mem>>) src(%dma_wait3A_81 : memref<320x128xf32, #tpu.memory_space<vmem_shared>>) dst(%dma_wait3A_79 : memref<320x128xf32, #tpu.memory_space<hbm>>)
      tpu.yield
    }) : () -> ()
    %scan3A_51 = arith.constant 0 : i32
    %scan3A_52 = arith.constant 41 : i32
    %scan3A_53 = arith.addi %scan3A_51, %scan3A_52 : i32
    %scan3A_54 = arith.constant 1 : i32
    scf.for %scan3A_68 = %scan3A_51 to %scan3A_53 step %scan3A_54  : i32 {
      %mul3A_69 = arith.constant 1 : i32
      %mul3A_70 = arith.muli %scan3A_68, %mul3A_69 : i32
      %add3A = arith.constant 0 : i32
      %add3A_71 = arith.addi %add3A, %mul3A_70 : i32
      %mul3A_72 = arith.constant 8 : i32
      %mul3A_73 = arith.muli %add3A_71, %mul3A_72 : i32
      %add3A_74 = arith.addi %mul3A_6, %mul3A_73 : i32
      "tpu.region"() ({
        %run_scoped3A = tpu.sem_alloc : memref<!tpu.dma_semaphore, #tpu.memory_space<semaphore_mem>>
        %dma_start3A = arith.constant 0 : i32
        %dma_start3A_75 = tpu.memref_slice %arg14[%add3A_74, %dma_start3A] : memref<5248x128xf32, #tpu.memory_space<vmem_shared>> -> memref<8x128xf32, #tpu.memory_space<vmem_shared>>
        %dma_start3A_76 = arith.constant 0 : i32
        %dma_start3A_77 = tpu.memref_slice %arg14[%add3A_74, %dma_start3A_76] : memref<5248x128xf32, #tpu.memory_space<vmem_shared>> -> memref<8x128xf32, #tpu.memory_space<vmem_shared>>
        tpu.enqueue_dma source(%arg10 : memref<8x128xf32, #tpu.memory_space<vmem>>) target(%dma_start3A_77 : memref<8x128xf32, #tpu.memory_space<vmem_shared>>) target_semaphore(%run_scoped3A : memref<!tpu.dma_semaphore, #tpu.memory_space<semaphore_mem>>)
        %dma_wait3A = arith.constant 0 : i32
        %dma_wait3A_78 = tpu.memref_slice %arg14[%add3A_74, %dma_wait3A] : memref<5248x128xf32, #tpu.memory_space<vmem_shared>> -> memref<8x128xf32, #tpu.memory_space<vmem_shared>>
        %dma_wait3A_79 = arith.constant 0 : i32
        %dma_wait3A_80 = tpu.memref_slice %arg14[%add3A_74, %dma_wait3A_79] : memref<5248x128xf32, #tpu.memory_space<vmem_shared>> -> memref<8x128xf32, #tpu.memory_space<vmem_shared>>
        tpu.wait_dma2 semaphore(%run_scoped3A : memref<!tpu.dma_semaphore, #tpu.memory_space<semaphore_mem>>) src(%arg10 : memref<8x128xf32, #tpu.memory_space<vmem>>) dst(%dma_wait3A_80 : memref<8x128xf32, #tpu.memory_space<vmem_shared>>)
        tpu.yield
      }) : () -> ()
    }
    %scan3A_55 = arith.constant 41 : i32
    %barrier3A_56 = arith.constant 0 : index
    tpu.barrier barrier_id(%barrier3A_56)
    %scan3A_57 = arith.constant 0 : i32
    %scan3A_58 = arith.constant 128 : i32
    %scan3A_59 = arith.addi %scan3A_57, %scan3A_58 : i32
    %scan3A_60 = arith.constant 1 : i32
    scf.for %scan3A_68 = %scan3A_57 to %scan3A_59 step %scan3A_60  : i32 {
      %mul3A_69 = arith.constant 1 : i32
      %mul3A_70 = arith.muli %scan3A_68, %mul3A_69 : i32
      %add3A = arith.constant 0 : i32
      %add3A_71 = arith.addi %add3A, %mul3A_70 : i32
      %scan3A_72 = arith.constant 0 : i32
      %scan3A_73 = arith.constant 8 : i32
      %scan3A_74 = arith.addi %scan3A_72, %scan3A_73 : i32
      %scan3A_75 = arith.constant 1 : i32
      scf.for %scan3A_77 = %scan3A_72 to %scan3A_74 step %scan3A_75  : i32 {
        %mul3A_78 = arith.constant 1 : i32
        %mul3A_79 = arith.muli %scan3A_77, %mul3A_78 : i32
        %add3A_80 = arith.constant 0 : i32
        %add3A_81 = arith.addi %add3A_80, %mul3A_79 : i32
        %broadcast_in_dim3A = arith.constant 1.000000e+00 : f32
        %broadcast_in_dim3A_82 = vector.broadcast %broadcast_in_dim3A : f32 to vector<16xf32>
        %mul3A_83 = arith.constant 16 : i32
        %mul3A_84 = arith.muli %add3A_81, %mul3A_83 : i32
        %swap3A = arith.index_cast %add3A_71 : i32 to index
        %swap3A_85 = arith.index_cast %mul3A_84 : i32 to index
        %swap3A_86 = tpu.vector_load %arg11[%swap3A, %swap3A_85] {strides = array<i32>} : memref<128x128xf32, #tpu.memory_space<vmem>>, vector<1x16xf32>,
        %swap3A_87 = vector.shape_cast %swap3A_86 : vector<1x16xf32> to vector<16xf32>
        %swap3A_88 = vector.shape_cast %broadcast_in_dim3A_82 : vector<16xf32> to vector<1x16xf32>
        tpu.vector_store %arg11[%swap3A, %swap3A_85], %swap3A_88 {strides = array<i32>} : memref<128x128xf32, #tpu.memory_space<vmem>>, vector<1x16xf32>,
      }
      %scan3A_76 = arith.constant 8 : i32
    }
    %scan3A_61 = arith.constant 128 : i32
    %scan3A_62 = arith.constant 0 : i32
    %scan3A_63 = arith.constant 160 : i32
    %scan3A_64 = arith.addi %scan3A_62, %scan3A_63 : i32
    %scan3A_65 = arith.constant 1 : i32
    scf.for %scan3A_68 = %scan3A_62 to %scan3A_64 step %scan3A_65  : i32 {
      %mul3A_69 = arith.constant 1 : i32
      %mul3A_70 = arith.muli %scan3A_68, %mul3A_69 : i32
      %add3A = arith.constant 0 : i32
      %add3A_71 = arith.addi %add3A, %mul3A_70 : i32
      %mul3A_72 = arith.constant 128 : i32
      %mul3A_73 = arith.muli %add3A_71, %mul3A_72 : i32
      %add3A_74 = arith.addi %mul3A_0, %mul3A_73 : i32
      "tpu.region"() ({
        %run_scoped3A = tpu.sem_alloc : memref<!tpu.dma_semaphore, #tpu.memory_space<semaphore_mem>>
        %dma_start3A = tpu.memref_slice %arg4[%add3A_74] : memref<327680xi32, #tpu.memory_space<hbm>> -> memref<128xi32, #tpu.memory_space<hbm>>
        %dma_start3A_80 = tpu.memref_slice %arg4[%add3A_74] : memref<327680xi32, #tpu.memory_space<hbm>> -> memref<128xi32, #tpu.memory_space<hbm>>
        tpu.enqueue_dma source(%dma_start3A_80 : memref<128xi32, #tpu.memory_space<hbm>>) target(%arg12 : memref<128xi32, #tpu.memory_space<vmem>>) target_semaphore(%run_scoped3A : memref<!tpu.dma_semaphore, #tpu.memory_space<semaphore_mem>>)
        %dma_wait3A = tpu.memref_slice %arg4[%add3A_74] : memref<327680xi32, #tpu.memory_space<hbm>> -> memref<128xi32, #tpu.memory_space<hbm>>
        %dma_wait3A_81 = tpu.memref_slice %arg4[%add3A_74] : memref<327680xi32, #tpu.memory_space<hbm>> -> memref<128xi32, #tpu.memory_space<hbm>>
        tpu.wait_dma2 semaphore(%run_scoped3A : memref<!tpu.dma_semaphore, #tpu.memory_space<semaphore_mem>>) src(%dma_wait3A_81 : memref<128xi32, #tpu.memory_space<hbm>>) dst(%arg12 : memref<128xi32, #tpu.memory_space<vmem>>)
        tpu.yield
      }) : () -> ()
      %scan3A_75 = arith.constant 0 : i32
      %scan3A_76 = arith.constant 8 : i32
      %scan3A_77 = arith.addi %scan3A_75, %scan3A_76 : i32
      %scan3A_78 = arith.constant 1 : i32
      scf.for %scan3A_80 = %scan3A_75 to %scan3A_77 step %scan3A_78  : i32 {
        %mul3A_81 = arith.constant 1 : i32
        %mul3A_82 = arith.muli %scan3A_80, %mul3A_81 : i32
        %add3A_83 = arith.constant 0 : i32
        %add3A_84 = arith.addi %add3A_83, %mul3A_82 : i32
        %mul3A_85 = arith.constant 16 : i32
        %mul3A_86 = arith.muli %add3A_84, %mul3A_85 : i32
        %get3A = arith.index_cast %mul3A_86 : i32 to index
        %get3A_87 = tpu.vector_load %arg12[%get3A] {strides = array<i32>} : memref<128xi32, #tpu.memory_space<vmem>>, vector<16xi32>,
        %get3A_88 = vector.shape_cast %get3A_87 : vector<16xi32> to vector<16xi32>
        %mul3A_89 = arith.constant 5120 : i32
        %mul3A_90 = arith.muli %arg0, %mul3A_89 : i32
        %sub3A = vector.broadcast %mul3A_90 : i32 to vector<16xi32>
        %sub3A_91 = arith.subi %get3A_88, %sub3A : vector<16xi32>
        %lt3A = arith.constant 0 : i32
        %lt3A_92 = vector.broadcast %lt3A : i32 to vector<16xi32>
        %lt3A_93 = arith.cmpi slt, %sub3A_91, %lt3A_92 : vector<16xi32>
        %ge3A = arith.constant 5120 : i32
        %ge3A_94 = vector.broadcast %ge3A : i32 to vector<16xi32>
        %ge3A_95 = arith.cmpi sge, %sub3A_91, %ge3A_94 : vector<16xi32>
        %or3A = arith.ori %lt3A_93, %ge3A_95 : vector<16xi1>
        %jit3A = arith.constant 5120 : i32
        %broadcast_in_dim3A = vector.broadcast %jit3A : i32 to vector<16xi32>
        %select_n3A = arith.select %or3A, %broadcast_in_dim3A, %sub3A_91 : vector<16xi1>, vector<16xi32>
        %mul3A_96 = arith.constant 16 : i32
        %mul3A_97 = arith.muli %add3A_84, %mul3A_96 : i32
        %swap3A = arith.index_cast %mul3A_97 : i32 to index
        %swap3A_98 = tpu.vector_load %arg13[%swap3A] {strides = array<i32>} : memref<128xi32, #tpu.memory_space<vmem>>, vector<16xi32>,
        %swap3A_99 = vector.shape_cast %swap3A_98 : vector<16xi32> to vector<16xi32>
        %swap3A_100 = vector.shape_cast %select_n3A : vector<16xi32> to vector<16xi32>
        tpu.vector_store %arg13[%swap3A], %swap3A_100 {strides = array<i32>} : memref<128xi32, #tpu.memory_space<vmem>>, vector<16xi32>,
      }
      %scan3A_79 = arith.constant 8 : i32
      "tpu.region"() ({
        %run_scoped3A = tpu.sem_alloc : memref<!tpu.dma_semaphore, #tpu.memory_space<semaphore_mem>>
        %dma_start3A = arith.constant 0 : i32
        %dma_start3A_80 = arith.constant 0 : i32
        %dma_start3A_81 = tpu.memref_slice %arg14[%dma_start3A, %dma_start3A_80] : memref<5248x128xf32, #tpu.memory_space<vmem_shared>> -> memref<5248x128xf32, #tpu.memory_space<vmem_shared>>
        tpu.enqueue_indirect_dma source(%arg11 : memref<128x128xf32, #tpu.memory_space<vmem>>) target(%dma_start3A_81 : memref<5248x128xf32, #tpu.memory_space<vmem_shared>>) offsets(%arg13 : memref<128xi32, #tpu.memory_space<vmem>>) semaphore(%run_scoped3A : memref<!tpu.dma_semaphore, #tpu.memory_space<semaphore_mem>>) {add = true}
        %dma_wait3A = arith.constant 0 : i32
        %dma_wait3A_82 = arith.constant 0 : i32
        %dma_wait3A_83 = tpu.memref_slice %arg14[%dma_wait3A, %dma_wait3A_82] : memref<5248x128xf32, #tpu.memory_space<vmem_shared>> -> memref<5248x128xf32, #tpu.memory_space<vmem_shared>>
        tpu.wait_indirect_dma semaphore(%run_scoped3A : memref<!tpu.dma_semaphore, #tpu.memory_space<semaphore_mem>>) src(%arg11 : memref<128x128xf32, #tpu.memory_space<vmem>>) dst(%dma_wait3A_83 : memref<5248x128xf32, #tpu.memory_space<vmem_shared>>)
        tpu.yield
      }) : () -> ()
    }
    %scan3A_66 = arith.constant 160 : i32
    %barrier3A_67 = arith.constant 0 : index
    tpu.barrier barrier_id(%barrier3A_67)
    "tpu.region"() ({
      %run_scoped3A = tpu.sem_alloc : memref<!tpu.dma_semaphore, #tpu.memory_space<semaphore_mem>>
      %dma_start3A = arith.constant 0 : i32
      %dma_start3A_68 = arith.constant 0 : i32
      %dma_start3A_69 = tpu.memref_slice %arg9[%arg0, %dma_start3A, %dma_start3A_68] : memref<2x5120x128xf32, #tpu.memory_space<hbm>> -> memref<1x5120x128xf32, #tpu.memory_space<hbm>>
      %dma_start3A_70 = tpu.memref_squeeze %dma_start3A_69 : memref<1x5120x128xf32, #tpu.memory_space<hbm>> -> memref<5120x128xf32, #tpu.memory_space<hbm>>
      %dma_start3A_71 = arith.constant 0 : i32
      %dma_start3A_72 = tpu.memref_slice %dma_start3A_70[%mul3A_50, %dma_start3A_71] : memref<5120x128xf32, #tpu.memory_space<hbm>> -> memref<320x128xf32, #tpu.memory_space<hbm>>
      %dma_start3A_73 = arith.constant 0 : i32
      %dma_start3A_74 = tpu.memref_slice %arg14[%mul3A_50, %dma_start3A_73] : memref<5248x128xf32, #tpu.memory_space<vmem_shared>> -> memref<320x128xf32, #tpu.memory_space<vmem_shared>>
      tpu.enqueue_dma source(%dma_start3A_74 : memref<320x128xf32, #tpu.memory_space<vmem_shared>>) target(%dma_start3A_72 : memref<320x128xf32, #tpu.memory_space<hbm>>) target_semaphore(%run_scoped3A : memref<!tpu.dma_semaphore, #tpu.memory_space<semaphore_mem>>)
      %dma_wait3A = arith.constant 0 : i32
      %dma_wait3A_75 = arith.constant 0 : i32
      %dma_wait3A_76 = tpu.memref_slice %arg9[%arg0, %dma_wait3A, %dma_wait3A_75] : memref<2x5120x128xf32, #tpu.memory_space<hbm>> -> memref<1x5120x128xf32, #tpu.memory_space<hbm>>
      %dma_wait3A_77 = tpu.memref_squeeze %dma_wait3A_76 : memref<1x5120x128xf32, #tpu.memory_space<hbm>> -> memref<5120x128xf32, #tpu.memory_space<hbm>>
      %dma_wait3A_78 = arith.constant 0 : i32
      %dma_wait3A_79 = tpu.memref_slice %dma_wait3A_77[%mul3A_50, %dma_wait3A_78] : memref<5120x128xf32, #tpu.memory_space<hbm>> -> memref<320x128xf32, #tpu.memory_space<hbm>>
      %dma_wait3A_80 = arith.constant 0 : i32
      %dma_wait3A_81 = tpu.memref_slice %arg14[%mul3A_50, %dma_wait3A_80] : memref<5248x128xf32, #tpu.memory_space<vmem_shared>> -> memref<320x128xf32, #tpu.memory_space<vmem_shared>>
      tpu.wait_dma2 semaphore(%run_scoped3A : memref<!tpu.dma_semaphore, #tpu.memory_space<semaphore_mem>>) src(%dma_wait3A_81 : memref<320x128xf32, #tpu.memory_space<vmem_shared>>) dst(%dma_wait3A_79 : memref<320x128xf32, #tpu.memory_space<hbm>>)
      tpu.yield
    }) : () -> ()
    return
  }
}

#map = affine_map<(d0, d1) -> (0, 0)>
module attributes {stable_mosaic.version = 14 : i64} {
  func.func @kern(%arg0: i32, %arg1: i32, %arg2: memref<20480x128xf32, #tpu.memory_space<hbm>>, %arg3: memref<20480x128xf32, #tpu.memory_space<hbm>>, %arg4: memref<1x655360xi32, #tpu.memory_space<hbm>>, %arg5: memref<1x655360xi32, #tpu.memory_space<hbm>>, %arg6: memref<655360x128xf32, #tpu.memory_space<hbm>>, %arg7: memref<655360x128xf32, #tpu.memory_space<hbm>>, %arg8: memref<!tpu.dma_semaphore, #tpu.memory_space<semaphore_mem>>, %arg9: memref<!tpu.dma_semaphore, #tpu.memory_space<semaphore_mem>>) attributes {dimension_semantics = [#tpu.dimension_semantics<core_parallel>, #tpu.dimension_semantics<subcore_parallel>], iteration_bounds = array<i64: 2, 16>, scalar_prefetch = 0 : i64, scratch_operands = 2 : i64, tpu.core_type = #tpu.core_type<sc_vector_subcore>, window_params = [{transform_indices = #map}, {transform_indices = #map}, {transform_indices = #map}, {transform_indices = #map}, {transform_indices = #map}, {transform_indices = #map}]} {
    %mul3A = arith.constant 1 : i32
    %mul3A_0 = arith.muli %arg1, %mul3A : i32
    %add3A = arith.constant 0 : i32
    %add3A_1 = arith.addi %add3A, %mul3A_0 : i32
    %mul3A_2 = arith.constant 16 : i32
    %mul3A_3 = arith.muli %arg0, %mul3A_2 : i32
    %add3A_4 = arith.addi %add3A_1, %mul3A_3 : i32
    %mul3A_5 = arith.constant 160 : i32
    %mul3A_6 = arith.muli %add3A_4, %mul3A_5 : i32
    "tpu.region"() ({
      %run_scoped3A = memref.alloca() : memref<2x1x128xi32, #tpu.memory_space<vmem>>
      %run_scoped3A_7 = tpu.sem_alloc : memref<2x!tpu.dma_semaphore, #tpu.memory_space<semaphore_mem>>
      %run_scoped3A_8 = memref.alloca() : memref<2x1x128xi32, #tpu.memory_space<vmem>>
      %run_scoped3A_9 = tpu.sem_alloc : memref<2x!tpu.dma_semaphore, #tpu.memory_space<semaphore_mem>>
      %run_scoped3A_10 = memref.alloca() : memref<2x128x128xf32, #tpu.memory_space<vmem>>
      %run_scoped3A_11 = tpu.sem_alloc : memref<2x!tpu.dma_semaphore, #tpu.memory_space<semaphore_mem>>
      %run_scoped3A_12 = memref.alloca() : memref<2x128x128xf32, #tpu.memory_space<vmem>>
      %run_scoped3A_13 = tpu.sem_alloc : memref<2x!tpu.dma_semaphore, #tpu.memory_space<semaphore_mem>>
      %add3A_14 = arith.constant 0 : i32
      %add3A_15 = arith.addi %add3A_14, %mul3A_6 : i32
      %select_n3A = arith.constant true
      %select_n3A_16 = arith.constant 0 : i32
      %select_n3A_17 = arith.constant -1 : i32
      %select_n3A_18 = arith.select %select_n3A, %select_n3A_17, %select_n3A_16 : i32
      %eq3A = arith.constant -1 : i32
      %eq3A_19 = arith.cmpi eq, %select_n3A_18, %eq3A : i32
      %select_n3A_20 = arith.constant 159 : i32
      %select_n3A_21 = arith.select %eq3A_19, %select_n3A_20, %select_n3A_18 : i32
      %add3A_22 = arith.addi %select_n3A_21, %mul3A_6 : i32
      %select_n3A_23 = arith.constant true
      %select_n3A_24 = arith.constant 0 : i32
      %select_n3A_25 = arith.constant 1 : i32
      %select_n3A_26 = arith.select %select_n3A_23, %select_n3A_25, %select_n3A_24 : i32
      %eq3A_27 = arith.constant 160 : i32
      %eq3A_28 = arith.cmpi eq, %select_n3A_26, %eq3A_27 : i32
      %select_n3A_29 = arith.constant 0 : i32
      %select_n3A_30 = arith.select %eq3A_28, %select_n3A_29, %select_n3A_26 : i32
      %add3A_31 = arith.addi %select_n3A_30, %mul3A_6 : i32
      %add3A_32 = arith.constant 1 : i32
      %add3A_33 = arith.addi %select_n3A_30, %add3A_32 : i32
      %select_n3A_34 = arith.constant true
      %select_n3A_35 = arith.select %select_n3A_34, %add3A_33, %select_n3A_30 : i32
      %eq3A_36 = arith.constant 160 : i32
      %eq3A_37 = arith.cmpi eq, %select_n3A_35, %eq3A_36 : i32
      %select_n3A_38 = arith.constant 0 : i32
      %select_n3A_39 = arith.select %eq3A_37, %select_n3A_38, %select_n3A_35 : i32
      %add3A_40 = arith.addi %select_n3A_39, %mul3A_6 : i32
      "tpu.trace_start"() <{level = 10 : i32, message = "ep_initialize_0"}> : () -> ()
      %rem3A = arith.constant 0 : i32
      %rem3A_41 = arith.constant 2 : i32
      %rem3A_42 = arith.remui %rem3A, %rem3A_41 : i32
      %mul3A_43 = arith.constant 128 : i32
      %mul3A_44 = arith.muli %mul3A_43, %add3A_15 : i32
      %dma_start3A = arith.constant 0 : i32
      %dma_start3A_45 = arith.constant 0 : i32
      %dma_start3A_46 = tpu.memref_slice %run_scoped3A[%rem3A_42, %dma_start3A, %dma_start3A_45] : memref<2x1x128xi32, #tpu.memory_space<vmem>> -> memref<1x1x128xi32, #tpu.memory_space<vmem>>
      %dma_start3A_47 = tpu.memref_squeeze %dma_start3A_46 : memref<1x1x128xi32, #tpu.memory_space<vmem>> -> memref<1x128xi32, #tpu.memory_space<vmem>>
      %dma_start3A_48 = arith.constant 0 : i32
      %dma_start3A_49 = tpu.memref_slice %arg4[%dma_start3A_48, %mul3A_44] : memref<1x655360xi32, #tpu.memory_space<hbm>> -> memref<1x128xi32, #tpu.memory_space<hbm>>
      %dma_start3A_50 = tpu.memref_slice %run_scoped3A_7[%rem3A_42] : memref<2x!tpu.dma_semaphore, #tpu.memory_space<semaphore_mem>> -> memref<1x!tpu.dma_semaphore, #tpu.memory_space<semaphore_mem>>
      %dma_start3A_51 = tpu.memref_squeeze %dma_start3A_50 : memref<1x!tpu.dma_semaphore, #tpu.memory_space<semaphore_mem>> -> memref<!tpu.dma_semaphore, #tpu.memory_space<semaphore_mem>>
      %dma_start3A_52 = arith.constant 0 : i32
      %dma_start3A_53 = arith.constant 0 : i32
      %dma_start3A_54 = tpu.memref_slice %run_scoped3A[%rem3A_42, %dma_start3A_52, %dma_start3A_53] : memref<2x1x128xi32, #tpu.memory_space<vmem>> -> memref<1x1x128xi32, #tpu.memory_space<vmem>>
      %dma_start3A_55 = tpu.memref_squeeze %dma_start3A_54 : memref<1x1x128xi32, #tpu.memory_space<vmem>> -> memref<1x128xi32, #tpu.memory_space<vmem>>
      %dma_start3A_56 = arith.constant 0 : i32
      %dma_start3A_57 = tpu.memref_slice %arg4[%dma_start3A_56, %mul3A_44] : memref<1x655360xi32, #tpu.memory_space<hbm>> -> memref<1x128xi32, #tpu.memory_space<hbm>>
      tpu.enqueue_dma source(%dma_start3A_57 : memref<1x128xi32, #tpu.memory_space<hbm>>) target(%dma_start3A_55 : memref<1x128xi32, #tpu.memory_space<vmem>>) target_semaphore(%dma_start3A_51 : memref<!tpu.dma_semaphore, #tpu.memory_space<semaphore_mem>>)
      %add3A_58 = arith.constant 0 : i32
      %add3A_59 = arith.constant 1 : i32
      %add3A_60 = arith.addi %add3A_58, %add3A_59 : i32
      %select_n3A_61 = arith.constant true
      %select_n3A_62 = arith.constant 0 : i32
      %select_n3A_63 = arith.select %select_n3A_61, %add3A_60, %select_n3A_62 : i32
      %rem3A_64 = arith.constant 0 : i32
      %rem3A_65 = arith.constant 2 : i32
      %rem3A_66 = arith.remui %rem3A_64, %rem3A_65 : i32
      %mul3A_67 = arith.constant 128 : i32
      %mul3A_68 = arith.muli %mul3A_67, %add3A_15 : i32
      %dma_start3A_69 = arith.constant 0 : i32
      %dma_start3A_70 = arith.constant 0 : i32
      %dma_start3A_71 = tpu.memref_slice %run_scoped3A_8[%rem3A_66, %dma_start3A_69, %dma_start3A_70] : memref<2x1x128xi32, #tpu.memory_space<vmem>> -> memref<1x1x128xi32, #tpu.memory_space<vmem>>
      %dma_start3A_72 = tpu.memref_squeeze %dma_start3A_71 : memref<1x1x128xi32, #tpu.memory_space<vmem>> -> memref<1x128xi32, #tpu.memory_space<vmem>>
      %dma_start3A_73 = arith.constant 0 : i32
      %dma_start3A_74 = tpu.memref_slice %arg5[%dma_start3A_73, %mul3A_68] : memref<1x655360xi32, #tpu.memory_space<hbm>> -> memref<1x128xi32, #tpu.memory_space<hbm>>
      %dma_start3A_75 = tpu.memref_slice %run_scoped3A_9[%rem3A_66] : memref<2x!tpu.dma_semaphore, #tpu.memory_space<semaphore_mem>> -> memref<1x!tpu.dma_semaphore, #tpu.memory_space<semaphore_mem>>
      %dma_start3A_76 = tpu.memref_squeeze %dma_start3A_75 : memref<1x!tpu.dma_semaphore, #tpu.memory_space<semaphore_mem>> -> memref<!tpu.dma_semaphore, #tpu.memory_space<semaphore_mem>>
      %dma_start3A_77 = arith.constant 0 : i32
      %dma_start3A_78 = arith.constant 0 : i32
      %dma_start3A_79 = tpu.memref_slice %run_scoped3A_8[%rem3A_66, %dma_start3A_77, %dma_start3A_78] : memref<2x1x128xi32, #tpu.memory_space<vmem>> -> memref<1x1x128xi32, #tpu.memory_space<vmem>>
      %dma_start3A_80 = tpu.memref_squeeze %dma_start3A_79 : memref<1x1x128xi32, #tpu.memory_space<vmem>> -> memref<1x128xi32, #tpu.memory_space<vmem>>
      %dma_start3A_81 = arith.constant 0 : i32
      %dma_start3A_82 = tpu.memref_slice %arg5[%dma_start3A_81, %mul3A_68] : memref<1x655360xi32, #tpu.memory_space<hbm>> -> memref<1x128xi32, #tpu.memory_space<hbm>>
      tpu.enqueue_dma source(%dma_start3A_82 : memref<1x128xi32, #tpu.memory_space<hbm>>) target(%dma_start3A_80 : memref<1x128xi32, #tpu.memory_space<vmem>>) target_semaphore(%dma_start3A_76 : memref<!tpu.dma_semaphore, #tpu.memory_space<semaphore_mem>>)
      %add3A_83 = arith.constant 0 : i32
      %add3A_84 = arith.constant 1 : i32
      %add3A_85 = arith.addi %add3A_83, %add3A_84 : i32
      %select_n3A_86 = arith.constant true
      %select_n3A_87 = arith.constant 0 : i32
      %select_n3A_88 = arith.select %select_n3A_86, %add3A_85, %select_n3A_87 : i32
      "tpu.trace_stop"() : () -> ()
      %scan3A = arith.constant 0 : i32
      %scan3A_89 = arith.constant 0 : i32
      %scan3A_90 = arith.constant 0 : i32
      %scan3A_91 = arith.constant 0 : i32
      %scan3A_92 = arith.constant 0 : i32
      %scan3A_93 = arith.constant 0 : i32
      %scan3A_94 = arith.constant 0 : i32
      %scan3A_95 = arith.constant 0 : i32
      %scan3A_96 = arith.constant 160 : i32
      %scan3A_97 = arith.addi %scan3A_95, %scan3A_96 : i32
      %scan3A_98 = arith.constant 1 : i32
      %scan3A_99:9 = scf.for %scan3A_171 = %scan3A_95 to %scan3A_97 step %scan3A_98 iter_args(%scan3A_172 = %select_n3A_63, %scan3A_173 = %scan3A, %scan3A_174 = %select_n3A_88, %scan3A_175 = %scan3A_89, %scan3A_176 = %scan3A_90, %scan3A_177 = %scan3A_91, %scan3A_178 = %scan3A_92, %scan3A_179 = %scan3A_93, %scan3A_180 = %scan3A_94) -> (i32, i32, i32, i32, i32, i32, i32, i32, i32)  : i32 {
        %eq3A_181 = arith.constant 0 : i32
        %eq3A_182 = arith.cmpi eq, %scan3A_171, %eq3A_181 : i32
        %eq3A_183 = arith.constant 159 : i32
        %eq3A_184 = arith.cmpi eq, %scan3A_171, %eq3A_183 : i32
        %add3A_185 = arith.addi %scan3A_180, %mul3A_6 : i32
        %sub3A_186 = arith.constant 1 : i32
        %sub3A_187 = arith.subi %scan3A_180, %sub3A_186 : i32
        %select_n3A_188 = arith.constant true
        %select_n3A_189 = arith.select %select_n3A_188, %sub3A_187, %scan3A_180 : i32
        %eq3A_190 = arith.constant -1 : i32
        %eq3A_191 = arith.cmpi eq, %select_n3A_189, %eq3A_190 : i32
        %select_n3A_192 = arith.constant 159 : i32
        %select_n3A_193 = arith.select %eq3A_191, %select_n3A_192, %select_n3A_189 : i32
        %add3A_194 = arith.addi %select_n3A_193, %mul3A_6 : i32
        %add3A_195 = arith.constant 1 : i32
        %add3A_196 = arith.addi %scan3A_180, %add3A_195 : i32
        %select_n3A_197 = arith.constant true
        %select_n3A_198 = arith.select %select_n3A_197, %add3A_196, %scan3A_180 : i32
        %eq3A_199 = arith.constant 160 : i32
        %eq3A_200 = arith.cmpi eq, %select_n3A_198, %eq3A_199 : i32
        %select_n3A_201 = arith.constant 0 : i32
        %select_n3A_202 = arith.select %eq3A_200, %select_n3A_201, %select_n3A_198 : i32
        %add3A_203 = arith.addi %select_n3A_202, %mul3A_6 : i32
        %add3A_204 = arith.constant 1 : i32
        %add3A_205 = arith.addi %select_n3A_202, %add3A_204 : i32
        %select_n3A_206 = arith.constant true
        %select_n3A_207 = arith.select %select_n3A_206, %add3A_205, %select_n3A_202 : i32
        %eq3A_208 = arith.constant 160 : i32
        %eq3A_209 = arith.cmpi eq, %select_n3A_207, %eq3A_208 : i32
        %select_n3A_210 = arith.constant 0 : i32
        %select_n3A_211 = arith.select %eq3A_209, %select_n3A_210, %select_n3A_207 : i32
        %add3A_212 = arith.addi %select_n3A_211, %mul3A_6 : i32
        %ne3A = arith.cmpi ne, %add3A_185, %add3A_203 : i32
        %or3A = arith.constant false
        %or3A_213 = arith.ori %or3A, %ne3A : i1
        %ge3A = arith.constant 159 : i32
        %ge3A_214 = arith.cmpi sge, %scan3A_171, %ge3A : i32
        %not3A = arith.constant true
        %not3A_215 = arith.xori %ge3A_214, %not3A : i1
        %and3A = arith.andi %or3A_213, %not3A_215 : i1
        %convert_element_type3A = arith.extui %and3A : i1 to i32
        %cond3A = arith.constant 0 : i32
        %cond3A_216 = arith.cmpi ne, %convert_element_type3A, %cond3A : i32
        scf.if %cond3A_216 {
          "tpu.trace_start"() <{level = 10 : i32, message = "ep_copy_in"}> : () -> ()
          %rem3A_480 = arith.constant 2 : i32
          %rem3A_481 = arith.remui %scan3A_172, %rem3A_480 : i32
          %mul3A_482 = arith.constant 128 : i32
          %mul3A_483 = arith.muli %mul3A_482, %add3A_203 : i32
          %dma_start3A_484 = arith.constant 0 : i32
          %dma_start3A_485 = arith.constant 0 : i32
          %dma_start3A_486 = tpu.memref_slice %run_scoped3A[%rem3A_481, %dma_start3A_484, %dma_start3A_485] : memref<2x1x128xi32, #tpu.memory_space<vmem>> -> memref<1x1x128xi32, #tpu.memory_space<vmem>>
          %dma_start3A_487 = tpu.memref_squeeze %dma_start3A_486 : memref<1x1x128xi32, #tpu.memory_space<vmem>> -> memref<1x128xi32, #tpu.memory_space<vmem>>
          %dma_start3A_488 = arith.constant 0 : i32
          %dma_start3A_489 = tpu.memref_slice %arg4[%dma_start3A_488, %mul3A_483] : memref<1x655360xi32, #tpu.memory_space<hbm>> -> memref<1x128xi32, #tpu.memory_space<hbm>>
          %dma_start3A_490 = tpu.memref_slice %run_scoped3A_7[%rem3A_481] : memref<2x!tpu.dma_semaphore, #tpu.memory_space<semaphore_mem>> -> memref<1x!tpu.dma_semaphore, #tpu.memory_space<semaphore_mem>>
          %dma_start3A_491 = tpu.memref_squeeze %dma_start3A_490 : memref<1x!tpu.dma_semaphore, #tpu.memory_space<semaphore_mem>> -> memref<!tpu.dma_semaphore, #tpu.memory_space<semaphore_mem>>
          %dma_start3A_492 = arith.constant 0 : i32
          %dma_start3A_493 = arith.constant 0 : i32
          %dma_start3A_494 = tpu.memref_slice %run_scoped3A[%rem3A_481, %dma_start3A_492, %dma_start3A_493] : memref<2x1x128xi32, #tpu.memory_space<vmem>> -> memref<1x1x128xi32, #tpu.memory_space<vmem>>
          %dma_start3A_495 = tpu.memref_squeeze %dma_start3A_494 : memref<1x1x128xi32, #tpu.memory_space<vmem>> -> memref<1x128xi32, #tpu.memory_space<vmem>>
          %dma_start3A_496 = arith.constant 0 : i32
          %dma_start3A_497 = tpu.memref_slice %arg4[%dma_start3A_496, %mul3A_483] : memref<1x655360xi32, #tpu.memory_space<hbm>> -> memref<1x128xi32, #tpu.memory_space<hbm>>
          tpu.enqueue_dma source(%dma_start3A_497 : memref<1x128xi32, #tpu.memory_space<hbm>>) target(%dma_start3A_495 : memref<1x128xi32, #tpu.memory_space<vmem>>) target_semaphore(%dma_start3A_491 : memref<!tpu.dma_semaphore, #tpu.memory_space<semaphore_mem>>)
          "tpu.trace_stop"() : () -> ()
        } else {
        }
        %and3A_217 = arith.constant true
        %and3A_218 = arith.andi %and3A, %and3A_217 : i1
        %add3A_219 = arith.constant 1 : i32
        %add3A_220 = arith.addi %scan3A_172, %add3A_219 : i32
        %select_n3A_221 = arith.select %and3A_218, %add3A_220, %scan3A_172 : i32
        %ne3A_222 = arith.cmpi ne, %add3A_185, %add3A_203 : i32
        %or3A_223 = arith.constant false
        %or3A_224 = arith.ori %or3A_223, %ne3A_222 : i1
        %ge3A_225 = arith.constant 159 : i32
        %ge3A_226 = arith.cmpi sge, %scan3A_171, %ge3A_225 : i32
        %not3A_227 = arith.constant true
        %not3A_228 = arith.xori %ge3A_226, %not3A_227 : i1
        %and3A_229 = arith.andi %or3A_224, %not3A_228 : i1
        %convert_element_type3A_230 = arith.extui %and3A_229 : i1 to i32
        %cond3A_231 = arith.constant 0 : i32
        %cond3A_232 = arith.cmpi ne, %convert_element_type3A_230, %cond3A_231 : i32
        scf.if %cond3A_232 {
          "tpu.trace_start"() <{level = 10 : i32, message = "ep_copy_in"}> : () -> ()
          %rem3A_480 = arith.constant 2 : i32
          %rem3A_481 = arith.remui %scan3A_174, %rem3A_480 : i32
          %mul3A_482 = arith.constant 128 : i32
          %mul3A_483 = arith.muli %mul3A_482, %add3A_203 : i32
          %dma_start3A_484 = arith.constant 0 : i32
          %dma_start3A_485 = arith.constant 0 : i32
          %dma_start3A_486 = tpu.memref_slice %run_scoped3A_8[%rem3A_481, %dma_start3A_484, %dma_start3A_485] : memref<2x1x128xi32, #tpu.memory_space<vmem>> -> memref<1x1x128xi32, #tpu.memory_space<vmem>>
          %dma_start3A_487 = tpu.memref_squeeze %dma_start3A_486 : memref<1x1x128xi32, #tpu.memory_space<vmem>> -> memref<1x128xi32, #tpu.memory_space<vmem>>
          %dma_start3A_488 = arith.constant 0 : i32
          %dma_start3A_489 = tpu.memref_slice %arg5[%dma_start3A_488, %mul3A_483] : memref<1x655360xi32, #tpu.memory_space<hbm>> -> memref<1x128xi32, #tpu.memory_space<hbm>>
          %dma_start3A_490 = tpu.memref_slice %run_scoped3A_9[%rem3A_481] : memref<2x!tpu.dma_semaphore, #tpu.memory_space<semaphore_mem>> -> memref<1x!tpu.dma_semaphore, #tpu.memory_space<semaphore_mem>>
          %dma_start3A_491 = tpu.memref_squeeze %dma_start3A_490 : memref<1x!tpu.dma_semaphore, #tpu.memory_space<semaphore_mem>> -> memref<!tpu.dma_semaphore, #tpu.memory_space<semaphore_mem>>
          %dma_start3A_492 = arith.constant 0 : i32
          %dma_start3A_493 = arith.constant 0 : i32
          %dma_start3A_494 = tpu.memref_slice %run_scoped3A_8[%rem3A_481, %dma_start3A_492, %dma_start3A_493] : memref<2x1x128xi32, #tpu.memory_space<vmem>> -> memref<1x1x128xi32, #tpu.memory_space<vmem>>
          %dma_start3A_495 = tpu.memref_squeeze %dma_start3A_494 : memref<1x1x128xi32, #tpu.memory_space<vmem>> -> memref<1x128xi32, #tpu.memory_space<vmem>>
          %dma_start3A_496 = arith.constant 0 : i32
          %dma_start3A_497 = tpu.memref_slice %arg5[%dma_start3A_496, %mul3A_483] : memref<1x655360xi32, #tpu.memory_space<hbm>> -> memref<1x128xi32, #tpu.memory_space<hbm>>
          tpu.enqueue_dma source(%dma_start3A_497 : memref<1x128xi32, #tpu.memory_space<hbm>>) target(%dma_start3A_495 : memref<1x128xi32, #tpu.memory_space<vmem>>) target_semaphore(%dma_start3A_491 : memref<!tpu.dma_semaphore, #tpu.memory_space<semaphore_mem>>)
          "tpu.trace_stop"() : () -> ()
        } else {
        }
        %and3A_233 = arith.constant true
        %and3A_234 = arith.andi %and3A_229, %and3A_233 : i1
        %add3A_235 = arith.constant 1 : i32
        %add3A_236 = arith.addi %scan3A_174, %add3A_235 : i32
        %select_n3A_237 = arith.select %and3A_234, %add3A_236, %scan3A_174 : i32
        %ne3A_238 = arith.cmpi ne, %add3A_185, %add3A_203 : i32
        %or3A_239 = arith.constant false
        %or3A_240 = arith.ori %or3A_239, %ne3A_238 : i1
        %or3A_241 = arith.constant false
        %or3A_242 = arith.ori %or3A_240, %or3A_241 : i1
        %ge3A_243 = arith.constant 159 : i32
        %ge3A_244 = arith.cmpi sge, %scan3A_171, %ge3A_243 : i32
        %not3A_245 = arith.constant true
        %not3A_246 = arith.xori %ge3A_244, %not3A_245 : i1
        %and3A_247 = arith.andi %or3A_242, %not3A_246 : i1
        %ne3A_248 = arith.cmpi ne, %add3A_185, %add3A_203 : i32
        %or3A_249 = arith.constant false
        %or3A_250 = arith.ori %or3A_249, %ne3A_248 : i1
        %or3A_251 = arith.constant false
        %or3A_252 = arith.ori %or3A_250, %or3A_251 : i1
        %ge3A_253 = arith.constant 159 : i32
        %ge3A_254 = arith.cmpi sge, %scan3A_171, %ge3A_253 : i32
        %not3A_255 = arith.constant true
        %not3A_256 = arith.xori %ge3A_254, %not3A_255 : i1
        %and3A_257 = arith.andi %or3A_252, %not3A_256 : i1
        %ne3A_258 = arith.cmpi ne, %add3A_185, %add3A_194 : i32
        %or3A_259 = arith.constant false
        %or3A_260 = arith.ori %or3A_259, %ne3A_258 : i1
        %or3A_261 = arith.ori %or3A_260, %eq3A_182 : i1
        %convert_element_type3A_262 = arith.extui %or3A_261 : i1 to i32
        %cond3A_263 = arith.constant 0 : i32
        %cond3A_264 = arith.cmpi ne, %convert_element_type3A_262, %cond3A_263 : i32
        scf.if %cond3A_264 {
          "tpu.trace_start"() <{level = 10 : i32, message = "ep_wait_in"}> : () -> ()
          %mul3A_480 = arith.constant 128 : i32
          %mul3A_481 = arith.muli %mul3A_480, %add3A_185 : i32
          %rem3A_482 = arith.constant 2 : i32
          %rem3A_483 = arith.remui %scan3A_173, %rem3A_482 : i32
          %dma_wait3A_484 = arith.constant 0 : i32
          %dma_wait3A_485 = arith.constant 0 : i32
          %dma_wait3A_486 = tpu.memref_slice %run_scoped3A[%rem3A_483, %dma_wait3A_484, %dma_wait3A_485] : memref<2x1x128xi32, #tpu.memory_space<vmem>> -> memref<1x1x128xi32, #tpu.memory_space<vmem>>
          %dma_wait3A_487 = tpu.memref_squeeze %dma_wait3A_486 : memref<1x1x128xi32, #tpu.memory_space<vmem>> -> memref<1x128xi32, #tpu.memory_space<vmem>>
          %dma_wait3A_488 = arith.constant 0 : i32
          %dma_wait3A_489 = tpu.memref_slice %arg4[%dma_wait3A_488, %mul3A_481] : memref<1x655360xi32, #tpu.memory_space<hbm>> -> memref<1x128xi32, #tpu.memory_space<hbm>>
          %dma_wait3A_490 = tpu.memref_slice %run_scoped3A_7[%rem3A_483] : memref<2x!tpu.dma_semaphore, #tpu.memory_space<semaphore_mem>> -> memref<1x!tpu.dma_semaphore, #tpu.memory_space<semaphore_mem>>
          %dma_wait3A_491 = tpu.memref_squeeze %dma_wait3A_490 : memref<1x!tpu.dma_semaphore, #tpu.memory_space<semaphore_mem>> -> memref<!tpu.dma_semaphore, #tpu.memory_space<semaphore_mem>>
          %dma_wait3A_492 = arith.constant 0 : i32
          %dma_wait3A_493 = arith.constant 0 : i32
          %dma_wait3A_494 = tpu.memref_slice %run_scoped3A[%rem3A_483, %dma_wait3A_492, %dma_wait3A_493] : memref<2x1x128xi32, #tpu.memory_space<vmem>> -> memref<1x1x128xi32, #tpu.memory_space<vmem>>
          %dma_wait3A_495 = tpu.memref_squeeze %dma_wait3A_494 : memref<1x1x128xi32, #tpu.memory_space<vmem>> -> memref<1x128xi32, #tpu.memory_space<vmem>>
          %dma_wait3A_496 = arith.constant 0 : i32
          %dma_wait3A_497 = tpu.memref_slice %arg4[%dma_wait3A_496, %mul3A_481] : memref<1x655360xi32, #tpu.memory_space<hbm>> -> memref<1x128xi32, #tpu.memory_space<hbm>>
          tpu.wait_dma2 semaphore(%dma_wait3A_491 : memref<!tpu.dma_semaphore, #tpu.memory_space<semaphore_mem>>) src(%dma_wait3A_497 : memref<1x128xi32, #tpu.memory_space<hbm>>) dst(%dma_wait3A_495 : memref<1x128xi32, #tpu.memory_space<vmem>>)
          "tpu.trace_stop"() : () -> ()
        } else {
        }
        %ne3A_265 = arith.cmpi ne, %add3A_185, %add3A_194 : i32
        %or3A_266 = arith.constant false
        %or3A_267 = arith.ori %or3A_266, %ne3A_265 : i1
        %or3A_268 = arith.ori %or3A_267, %eq3A_182 : i1
        %convert_element_type3A_269 = arith.extui %or3A_268 : i1 to i32
        %cond3A_270 = arith.constant 0 : i32
        %cond3A_271 = arith.cmpi ne, %convert_element_type3A_269, %cond3A_270 : i32
        scf.if %cond3A_271 {
          "tpu.trace_start"() <{level = 10 : i32, message = "ep_wait_in"}> : () -> ()
          %mul3A_480 = arith.constant 128 : i32
          %mul3A_481 = arith.muli %mul3A_480, %add3A_185 : i32
          %rem3A_482 = arith.constant 2 : i32
          %rem3A_483 = arith.remui %scan3A_175, %rem3A_482 : i32
          %dma_wait3A_484 = arith.constant 0 : i32
          %dma_wait3A_485 = arith.constant 0 : i32
          %dma_wait3A_486 = tpu.memref_slice %run_scoped3A_8[%rem3A_483, %dma_wait3A_484, %dma_wait3A_485] : memref<2x1x128xi32, #tpu.memory_space<vmem>> -> memref<1x1x128xi32, #tpu.memory_space<vmem>>
          %dma_wait3A_487 = tpu.memref_squeeze %dma_wait3A_486 : memref<1x1x128xi32, #tpu.memory_space<vmem>> -> memref<1x128xi32, #tpu.memory_space<vmem>>
          %dma_wait3A_488 = arith.constant 0 : i32
          %dma_wait3A_489 = tpu.memref_slice %arg5[%dma_wait3A_488, %mul3A_481] : memref<1x655360xi32, #tpu.memory_space<hbm>> -> memref<1x128xi32, #tpu.memory_space<hbm>>
          %dma_wait3A_490 = tpu.memref_slice %run_scoped3A_9[%rem3A_483] : memref<2x!tpu.dma_semaphore, #tpu.memory_space<semaphore_mem>> -> memref<1x!tpu.dma_semaphore, #tpu.memory_space<semaphore_mem>>
          %dma_wait3A_491 = tpu.memref_squeeze %dma_wait3A_490 : memref<1x!tpu.dma_semaphore, #tpu.memory_space<semaphore_mem>> -> memref<!tpu.dma_semaphore, #tpu.memory_space<semaphore_mem>>
          %dma_wait3A_492 = arith.constant 0 : i32
          %dma_wait3A_493 = arith.constant 0 : i32
          %dma_wait3A_494 = tpu.memref_slice %run_scoped3A_8[%rem3A_483, %dma_wait3A_492, %dma_wait3A_493] : memref<2x1x128xi32, #tpu.memory_space<vmem>> -> memref<1x1x128xi32, #tpu.memory_space<vmem>>
          %dma_wait3A_495 = tpu.memref_squeeze %dma_wait3A_494 : memref<1x1x128xi32, #tpu.memory_space<vmem>> -> memref<1x128xi32, #tpu.memory_space<vmem>>
          %dma_wait3A_496 = arith.constant 0 : i32
          %dma_wait3A_497 = tpu.memref_slice %arg5[%dma_wait3A_496, %mul3A_481] : memref<1x655360xi32, #tpu.memory_space<hbm>> -> memref<1x128xi32, #tpu.memory_space<hbm>>
          tpu.wait_dma2 semaphore(%dma_wait3A_491 : memref<!tpu.dma_semaphore, #tpu.memory_space<semaphore_mem>>) src(%dma_wait3A_497 : memref<1x128xi32, #tpu.memory_space<hbm>>) dst(%dma_wait3A_495 : memref<1x128xi32, #tpu.memory_space<vmem>>)
          "tpu.trace_stop"() : () -> ()
        } else {
        }
        %ne3A_272 = arith.cmpi ne, %add3A_185, %add3A_194 : i32
        %or3A_273 = arith.constant false
        %or3A_274 = arith.ori %or3A_273, %ne3A_272 : i1
        %or3A_275 = arith.constant false
        %or3A_276 = arith.ori %or3A_274, %or3A_275 : i1
        %or3A_277 = arith.ori %or3A_276, %eq3A_182 : i1
        %convert_element_type3A_278 = arith.extui %or3A_277 : i1 to i32
        %cond3A_279 = arith.constant 0 : i32
        %cond3A_280 = arith.cmpi ne, %convert_element_type3A_278, %cond3A_279 : i32
        scf.if %cond3A_280 {
        } else {
        }
        %ne3A_281 = arith.cmpi ne, %add3A_185, %add3A_194 : i32
        %or3A_282 = arith.constant false
        %or3A_283 = arith.ori %or3A_282, %ne3A_281 : i1
        %or3A_284 = arith.constant false
        %or3A_285 = arith.ori %or3A_283, %or3A_284 : i1
        %or3A_286 = arith.ori %or3A_285, %eq3A_182 : i1
        %convert_element_type3A_287 = arith.extui %or3A_286 : i1 to i32
        %cond3A_288 = arith.constant 0 : i32
        %cond3A_289 = arith.cmpi ne, %convert_element_type3A_287, %cond3A_288 : i32
        scf.if %cond3A_289 {
        } else {
        }
        %rem3A_290 = arith.constant 2 : i32
        %rem3A_291 = arith.remui %scan3A_173, %rem3A_290 : i32
        %rem3A_292 = arith.constant 2 : i32
        %rem3A_293 = arith.remui %scan3A_175, %rem3A_292 : i32
        %rem3A_294 = arith.constant 2 : i32
        %rem3A_295 = arith.remui %scan3A_176, %rem3A_294 : i32
        %rem3A_296 = arith.constant 2 : i32
        %rem3A_297 = arith.remui %scan3A_178, %rem3A_296 : i32
        %dma_start3A_298 = arith.constant 0 : i32
        "tpu.trace_start"() <{level = 10 : i32, message = "ep_run_kernel"}> : () -> ()
        %dma_start3A_299 = arith.constant 0 : i32
        %dma_start3A_300 = arith.constant 0 : i32
        %dma_start3A_301 = tpu.memref_slice %run_scoped3A_10[%rem3A_295, %dma_start3A_299, %dma_start3A_300] : memref<2x128x128xf32, #tpu.memory_space<vmem>> -> memref<1x128x128xf32, #tpu.memory_space<vmem>>
        %dma_start3A_302 = tpu.memref_squeeze %dma_start3A_301 : memref<1x128x128xf32, #tpu.memory_space<vmem>> -> memref<128x128xf32, #tpu.memory_space<vmem>>
        %dma_start3A_303 = arith.constant 0 : i32
        %dma_start3A_304 = arith.constant 0 : i32
        %dma_start3A_305 = tpu.memref_slice %run_scoped3A[%rem3A_291, %dma_start3A_303, %dma_start3A_304] : memref<2x1x128xi32, #tpu.memory_space<vmem>> -> memref<1x1x128xi32, #tpu.memory_space<vmem>>
        %dma_start3A_306 = tpu.memref_squeeze %dma_start3A_305 : memref<1x1x128xi32, #tpu.memory_space<vmem>> -> memref<1x128xi32, #tpu.memory_space<vmem>>
        %dma_start3A_307 = arith.constant 0 : i32
        %dma_start3A_308 = tpu.memref_slice %dma_start3A_306[%dma_start3A_298, %dma_start3A_307] : memref<1x128xi32, #tpu.memory_space<vmem>> -> memref<1x128xi32, #tpu.memory_space<vmem>>
        %dma_start3A_309 = tpu.memref_squeeze %dma_start3A_308 : memref<1x128xi32, #tpu.memory_space<vmem>> -> memref<128xi32, #tpu.memory_space<vmem>>
        %dma_start3A_310 = arith.constant 0 : i32
        %dma_start3A_311 = arith.constant 0 : i32
        %dma_start3A_312 = tpu.memref_slice %arg2[%dma_start3A_310, %dma_start3A_311] : memref<20480x128xf32, #tpu.memory_space<hbm>> -> memref<20480x128xf32, #tpu.memory_space<hbm>>
        tpu.enqueue_indirect_dma source(%dma_start3A_312 : memref<20480x128xf32, #tpu.memory_space<hbm>>) target(%dma_start3A_302 : memref<128x128xf32, #tpu.memory_space<vmem>>) offsets(%dma_start3A_309 : memref<128xi32, #tpu.memory_space<vmem>>) semaphore(%arg8 : memref<!tpu.dma_semaphore, #tpu.memory_space<semaphore_mem>>)
        %dma_start3A_313 = arith.constant 0 : i32
        %dma_start3A_314 = arith.constant 0 : i32
        %dma_start3A_315 = arith.constant 0 : i32
        %dma_start3A_316 = tpu.memref_slice %run_scoped3A_12[%rem3A_297, %dma_start3A_314, %dma_start3A_315] : memref<2x128x128xf32, #tpu.memory_space<vmem>> -> memref<1x128x128xf32, #tpu.memory_space<vmem>>
        %dma_start3A_317 = tpu.memref_squeeze %dma_start3A_316 : memref<1x128x128xf32, #tpu.memory_space<vmem>> -> memref<128x128xf32, #tpu.memory_space<vmem>>
        %dma_start3A_318 = arith.constant 0 : i32
        %dma_start3A_319 = arith.constant 0 : i32
        %dma_start3A_320 = tpu.memref_slice %run_scoped3A_8[%rem3A_293, %dma_start3A_318, %dma_start3A_319] : memref<2x1x128xi32, #tpu.memory_space<vmem>> -> memref<1x1x128xi32, #tpu.memory_space<vmem>>
        %dma_start3A_321 = tpu.memref_squeeze %dma_start3A_320 : memref<1x1x128xi32, #tpu.memory_space<vmem>> -> memref<1x128xi32, #tpu.memory_space<vmem>>
        %dma_start3A_322 = arith.constant 0 : i32
        %dma_start3A_323 = tpu.memref_slice %dma_start3A_321[%dma_start3A_313, %dma_start3A_322] : memref<1x128xi32, #tpu.memory_space<vmem>> -> memref<1x128xi32, #tpu.memory_space<vmem>>
        %dma_start3A_324 = tpu.memref_squeeze %dma_start3A_323 : memref<1x128xi32, #tpu.memory_space<vmem>> -> memref<128xi32, #tpu.memory_space<vmem>>
        %dma_start3A_325 = arith.constant 0 : i32
        %dma_start3A_326 = arith.constant 0 : i32
        %dma_start3A_327 = tpu.memref_slice %arg3[%dma_start3A_325, %dma_start3A_326] : memref<20480x128xf32, #tpu.memory_space<hbm>> -> memref<20480x128xf32, #tpu.memory_space<hbm>>
        tpu.enqueue_indirect_dma source(%dma_start3A_327 : memref<20480x128xf32, #tpu.memory_space<hbm>>) target(%dma_start3A_317 : memref<128x128xf32, #tpu.memory_space<vmem>>) offsets(%dma_start3A_324 : memref<128xi32, #tpu.memory_space<vmem>>) semaphore(%arg9 : memref<!tpu.dma_semaphore, #tpu.memory_space<semaphore_mem>>)
        %dma_wait3A_328 = arith.constant 0 : i32
        %dma_wait3A_329 = arith.constant 0 : i32
        %dma_wait3A_330 = arith.constant 0 : i32
        %dma_wait3A_331 = tpu.memref_slice %run_scoped3A_10[%rem3A_295, %dma_wait3A_329, %dma_wait3A_330] : memref<2x128x128xf32, #tpu.memory_space<vmem>> -> memref<1x128x128xf32, #tpu.memory_space<vmem>>
        %dma_wait3A_332 = tpu.memref_squeeze %dma_wait3A_331 : memref<1x128x128xf32, #tpu.memory_space<vmem>> -> memref<128x128xf32, #tpu.memory_space<vmem>>
        %dma_wait3A_333 = arith.constant 0 : i32
        %dma_wait3A_334 = arith.constant 0 : i32
        %dma_wait3A_335 = tpu.memref_slice %run_scoped3A[%rem3A_291, %dma_wait3A_333, %dma_wait3A_334] : memref<2x1x128xi32, #tpu.memory_space<vmem>> -> memref<1x1x128xi32, #tpu.memory_space<vmem>>
        %dma_wait3A_336 = tpu.memref_squeeze %dma_wait3A_335 : memref<1x1x128xi32, #tpu.memory_space<vmem>> -> memref<1x128xi32, #tpu.memory_space<vmem>>
        %dma_wait3A_337 = arith.constant 0 : i32
        %dma_wait3A_338 = tpu.memref_slice %dma_wait3A_336[%dma_wait3A_328, %dma_wait3A_337] : memref<1x128xi32, #tpu.memory_space<vmem>> -> memref<1x128xi32, #tpu.memory_space<vmem>>
        %dma_wait3A_339 = tpu.memref_squeeze %dma_wait3A_338 : memref<1x128xi32, #tpu.memory_space<vmem>> -> memref<128xi32, #tpu.memory_space<vmem>>
        %dma_wait3A_340 = arith.constant 0 : i32
        %dma_wait3A_341 = arith.constant 0 : i32
        %dma_wait3A_342 = tpu.memref_slice %arg2[%dma_wait3A_340, %dma_wait3A_341] : memref<20480x128xf32, #tpu.memory_space<hbm>> -> memref<20480x128xf32, #tpu.memory_space<hbm>>
        tpu.wait_indirect_dma semaphore(%arg8 : memref<!tpu.dma_semaphore, #tpu.memory_space<semaphore_mem>>) src(%dma_wait3A_342 : memref<20480x128xf32, #tpu.memory_space<hbm>>) dst(%dma_wait3A_332 : memref<128x128xf32, #tpu.memory_space<vmem>>)
        %dma_wait3A_343 = arith.constant 0 : i32
        %dma_wait3A_344 = arith.constant 0 : i32
        %dma_wait3A_345 = arith.constant 0 : i32
        %dma_wait3A_346 = tpu.memref_slice %run_scoped3A_12[%rem3A_297, %dma_wait3A_344, %dma_wait3A_345] : memref<2x128x128xf32, #tpu.memory_space<vmem>> -> memref<1x128x128xf32, #tpu.memory_space<vmem>>
        %dma_wait3A_347 = tpu.memref_squeeze %dma_wait3A_346 : memref<1x128x128xf32, #tpu.memory_space<vmem>> -> memref<128x128xf32, #tpu.memory_space<vmem>>
        %dma_wait3A_348 = arith.constant 0 : i32
        %dma_wait3A_349 = arith.constant 0 : i32
        %dma_wait3A_350 = tpu.memref_slice %run_scoped3A_8[%rem3A_293, %dma_wait3A_348, %dma_wait3A_349] : memref<2x1x128xi32, #tpu.memory_space<vmem>> -> memref<1x1x128xi32, #tpu.memory_space<vmem>>
        %dma_wait3A_351 = tpu.memref_squeeze %dma_wait3A_350 : memref<1x1x128xi32, #tpu.memory_space<vmem>> -> memref<1x128xi32, #tpu.memory_space<vmem>>
        %dma_wait3A_352 = arith.constant 0 : i32
        %dma_wait3A_353 = tpu.memref_slice %dma_wait3A_351[%dma_wait3A_343, %dma_wait3A_352] : memref<1x128xi32, #tpu.memory_space<vmem>> -> memref<1x128xi32, #tpu.memory_space<vmem>>
        %dma_wait3A_354 = tpu.memref_squeeze %dma_wait3A_353 : memref<1x128xi32, #tpu.memory_space<vmem>> -> memref<128xi32, #tpu.memory_space<vmem>>
        %dma_wait3A_355 = arith.constant 0 : i32
        %dma_wait3A_356 = arith.constant 0 : i32
        %dma_wait3A_357 = tpu.memref_slice %arg3[%dma_wait3A_355, %dma_wait3A_356] : memref<20480x128xf32, #tpu.memory_space<hbm>> -> memref<20480x128xf32, #tpu.memory_space<hbm>>
        tpu.wait_indirect_dma semaphore(%arg9 : memref<!tpu.dma_semaphore, #tpu.memory_space<semaphore_mem>>) src(%dma_wait3A_357 : memref<20480x128xf32, #tpu.memory_space<hbm>>) dst(%dma_wait3A_347 : memref<128x128xf32, #tpu.memory_space<vmem>>)
        "tpu.trace_stop"() : () -> ()
        %ne3A_358 = arith.cmpi ne, %add3A_185, %add3A_203 : i32
        %or3A_359 = arith.constant false
        %or3A_360 = arith.ori %or3A_359, %ne3A_358 : i1
        %or3A_361 = arith.ori %or3A_360, %eq3A_184 : i1
        %convert_element_type3A_362 = arith.extui %or3A_361 : i1 to i32
        %cond3A_363 = arith.constant 0 : i32
        %cond3A_364 = arith.cmpi ne, %convert_element_type3A_362, %cond3A_363 : i32
        scf.if %cond3A_364 {
        } else {
        }
        %and3A_365 = arith.constant false
        %and3A_366 = arith.andi %or3A_361, %and3A_365 : i1
        %ne3A_367 = arith.cmpi ne, %add3A_185, %add3A_203 : i32
        %or3A_368 = arith.constant false
        %or3A_369 = arith.ori %or3A_368, %ne3A_367 : i1
        %or3A_370 = arith.ori %or3A_369, %eq3A_184 : i1
        %convert_element_type3A_371 = arith.extui %or3A_370 : i1 to i32
        %cond3A_372 = arith.constant 0 : i32
        %cond3A_373 = arith.cmpi ne, %convert_element_type3A_371, %cond3A_372 : i32
        scf.if %cond3A_373 {
        } else {
        }
        %and3A_374 = arith.constant false
        %and3A_375 = arith.andi %or3A_370, %and3A_374 : i1
        %ne3A_376 = arith.cmpi ne, %add3A_185, %add3A_203 : i32
        %or3A_377 = arith.constant false
        %or3A_378 = arith.ori %or3A_377, %ne3A_376 : i1
        %or3A_379 = arith.constant false
        %or3A_380 = arith.ori %or3A_378, %or3A_379 : i1
        %or3A_381 = arith.ori %or3A_380, %eq3A_184 : i1
        %convert_element_type3A_382 = arith.extui %or3A_381 : i1 to i32
        %cond3A_383 = arith.constant 0 : i32
        %cond3A_384 = arith.cmpi ne, %convert_element_type3A_382, %cond3A_383 : i32
        scf.if %cond3A_384 {
          "tpu.trace_start"() <{level = 10 : i32, message = "ep_copy_out"}> : () -> ()
          %rem3A_480 = arith.constant 2 : i32
          %rem3A_481 = arith.remui %scan3A_176, %rem3A_480 : i32
          %mul3A_482 = arith.constant 128 : i32
          %mul3A_483 = arith.muli %mul3A_482, %add3A_185 : i32
          %dma_start3A_484 = arith.constant 0 : i32
          %dma_start3A_485 = arith.constant 0 : i32
          %dma_start3A_486 = tpu.memref_slice %run_scoped3A_10[%rem3A_481, %dma_start3A_484, %dma_start3A_485] : memref<2x128x128xf32, #tpu.memory_space<vmem>> -> memref<1x128x128xf32, #tpu.memory_space<vmem>>
          %dma_start3A_487 = tpu.memref_squeeze %dma_start3A_486 : memref<1x128x128xf32, #tpu.memory_space<vmem>> -> memref<128x128xf32, #tpu.memory_space<vmem>>
          %dma_start3A_488 = arith.constant 0 : i32
          %dma_start3A_489 = tpu.memref_slice %arg6[%mul3A_483, %dma_start3A_488] : memref<655360x128xf32, #tpu.memory_space<hbm>> -> memref<128x128xf32, #tpu.memory_space<hbm>>
          %dma_start3A_490 = tpu.memref_slice %run_scoped3A_11[%rem3A_481] : memref<2x!tpu.dma_semaphore, #tpu.memory_space<semaphore_mem>> -> memref<1x!tpu.dma_semaphore, #tpu.memory_space<semaphore_mem>>
          %dma_start3A_491 = tpu.memref_squeeze %dma_start3A_490 : memref<1x!tpu.dma_semaphore, #tpu.memory_space<semaphore_mem>> -> memref<!tpu.dma_semaphore, #tpu.memory_space<semaphore_mem>>
          %dma_start3A_492 = arith.constant 0 : i32
          %dma_start3A_493 = tpu.memref_slice %arg6[%mul3A_483, %dma_start3A_492] : memref<655360x128xf32, #tpu.memory_space<hbm>> -> memref<128x128xf32, #tpu.memory_space<hbm>>
          %dma_start3A_494 = arith.constant 0 : i32
          %dma_start3A_495 = arith.constant 0 : i32
          %dma_start3A_496 = tpu.memref_slice %run_scoped3A_10[%rem3A_481, %dma_start3A_494, %dma_start3A_495] : memref<2x128x128xf32, #tpu.memory_space<vmem>> -> memref<1x128x128xf32, #tpu.memory_space<vmem>>
          %dma_start3A_497 = tpu.memref_squeeze %dma_start3A_496 : memref<1x128x128xf32, #tpu.memory_space<vmem>> -> memref<128x128xf32, #tpu.memory_space<vmem>>
          tpu.enqueue_dma source(%dma_start3A_497 : memref<128x128xf32, #tpu.memory_space<vmem>>) target(%dma_start3A_493 : memref<128x128xf32, #tpu.memory_space<hbm>>) target_semaphore(%dma_start3A_491 : memref<!tpu.dma_semaphore, #tpu.memory_space<semaphore_mem>>)
          "tpu.trace_stop"() : () -> ()
        } else {
        }
        %and3A_385 = arith.constant true
        %and3A_386 = arith.andi %or3A_381, %and3A_385 : i1
        %add3A_387 = arith.constant 1 : i32
        %add3A_388 = arith.addi %scan3A_176, %add3A_387 : i32
        %select_n3A_389 = arith.select %and3A_386, %add3A_388, %scan3A_176 : i32
        %ne3A_390 = arith.cmpi ne, %add3A_185, %add3A_203 : i32
        %or3A_391 = arith.constant false
        %or3A_392 = arith.ori %or3A_391, %ne3A_390 : i1
        %or3A_393 = arith.constant false
        %or3A_394 = arith.ori %or3A_392, %or3A_393 : i1
        %or3A_395 = arith.ori %or3A_394, %eq3A_184 : i1
        %convert_element_type3A_396 = arith.extui %or3A_395 : i1 to i32
        %cond3A_397 = arith.constant 0 : i32
        %cond3A_398 = arith.cmpi ne, %convert_element_type3A_396, %cond3A_397 : i32
        scf.if %cond3A_398 {
          "tpu.trace_start"() <{level = 10 : i32, message = "ep_copy_out"}> : () -> ()
          %rem3A_480 = arith.constant 2 : i32
          %rem3A_481 = arith.remui %scan3A_178, %rem3A_480 : i32
          %mul3A_482 = arith.constant 128 : i32
          %mul3A_483 = arith.muli %mul3A_482, %add3A_185 : i32
          %dma_start3A_484 = arith.constant 0 : i32
          %dma_start3A_485 = arith.constant 0 : i32
          %dma_start3A_486 = tpu.memref_slice %run_scoped3A_12[%rem3A_481, %dma_start3A_484, %dma_start3A_485] : memref<2x128x128xf32, #tpu.memory_space<vmem>> -> memref<1x128x128xf32, #tpu.memory_space<vmem>>
          %dma_start3A_487 = tpu.memref_squeeze %dma_start3A_486 : memref<1x128x128xf32, #tpu.memory_space<vmem>> -> memref<128x128xf32, #tpu.memory_space<vmem>>
          %dma_start3A_488 = arith.constant 0 : i32
          %dma_start3A_489 = tpu.memref_slice %arg7[%mul3A_483, %dma_start3A_488] : memref<655360x128xf32, #tpu.memory_space<hbm>> -> memref<128x128xf32, #tpu.memory_space<hbm>>
          %dma_start3A_490 = tpu.memref_slice %run_scoped3A_13[%rem3A_481] : memref<2x!tpu.dma_semaphore, #tpu.memory_space<semaphore_mem>> -> memref<1x!tpu.dma_semaphore, #tpu.memory_space<semaphore_mem>>
          %dma_start3A_491 = tpu.memref_squeeze %dma_start3A_490 : memref<1x!tpu.dma_semaphore, #tpu.memory_space<semaphore_mem>> -> memref<!tpu.dma_semaphore, #tpu.memory_space<semaphore_mem>>
          %dma_start3A_492 = arith.constant 0 : i32
          %dma_start3A_493 = tpu.memref_slice %arg7[%mul3A_483, %dma_start3A_492] : memref<655360x128xf32, #tpu.memory_space<hbm>> -> memref<128x128xf32, #tpu.memory_space<hbm>>
          %dma_start3A_494 = arith.constant 0 : i32
          %dma_start3A_495 = arith.constant 0 : i32
          %dma_start3A_496 = tpu.memref_slice %run_scoped3A_12[%rem3A_481, %dma_start3A_494, %dma_start3A_495] : memref<2x128x128xf32, #tpu.memory_space<vmem>> -> memref<1x128x128xf32, #tpu.memory_space<vmem>>
          %dma_start3A_497 = tpu.memref_squeeze %dma_start3A_496 : memref<1x128x128xf32, #tpu.memory_space<vmem>> -> memref<128x128xf32, #tpu.memory_space<vmem>>
          tpu.enqueue_dma source(%dma_start3A_497 : memref<128x128xf32, #tpu.memory_space<vmem>>) target(%dma_start3A_493 : memref<128x128xf32, #tpu.memory_space<hbm>>) target_semaphore(%dma_start3A_491 : memref<!tpu.dma_semaphore, #tpu.memory_space<semaphore_mem>>)
          "tpu.trace_stop"() : () -> ()
        } else {
        }
        %and3A_399 = arith.constant true
        %and3A_400 = arith.andi %or3A_395, %and3A_399 : i1
        %add3A_401 = arith.constant 1 : i32
        %add3A_402 = arith.addi %scan3A_178, %add3A_401 : i32
        %select_n3A_403 = arith.select %and3A_400, %add3A_402, %scan3A_178 : i32
        %ne3A_404 = arith.cmpi ne, %add3A_185, %add3A_194 : i32
        %or3A_405 = arith.constant false
        %or3A_406 = arith.ori %or3A_405, %ne3A_404 : i1
        %not3A_407 = arith.constant true
        %not3A_408 = arith.xori %eq3A_182, %not3A_407 : i1
        %and3A_409 = arith.andi %or3A_406, %not3A_408 : i1
        %convert_element_type3A_410 = arith.extui %and3A_409 : i1 to i32
        %cond3A_411 = arith.constant 0 : i32
        %cond3A_412 = arith.cmpi ne, %convert_element_type3A_410, %cond3A_411 : i32
        scf.if %cond3A_412 {
        } else {
        }
        %and3A_413 = arith.constant false
        %and3A_414 = arith.andi %and3A_409, %and3A_413 : i1
        %ne3A_415 = arith.cmpi ne, %add3A_185, %add3A_194 : i32
        %or3A_416 = arith.constant false
        %or3A_417 = arith.ori %or3A_416, %ne3A_415 : i1
        %not3A_418 = arith.constant true
        %not3A_419 = arith.xori %eq3A_182, %not3A_418 : i1
        %and3A_420 = arith.andi %or3A_417, %not3A_419 : i1
        %convert_element_type3A_421 = arith.extui %and3A_420 : i1 to i32
        %cond3A_422 = arith.constant 0 : i32
        %cond3A_423 = arith.cmpi ne, %convert_element_type3A_421, %cond3A_422 : i32
        scf.if %cond3A_423 {
        } else {
        }
        %and3A_424 = arith.constant false
        %and3A_425 = arith.andi %and3A_420, %and3A_424 : i1
        %ne3A_426 = arith.cmpi ne, %add3A_185, %add3A_194 : i32
        %or3A_427 = arith.constant false
        %or3A_428 = arith.ori %or3A_427, %ne3A_426 : i1
        %or3A_429 = arith.constant false
        %or3A_430 = arith.ori %or3A_428, %or3A_429 : i1
        %not3A_431 = arith.constant true
        %not3A_432 = arith.xori %eq3A_182, %not3A_431 : i1
        %and3A_433 = arith.andi %or3A_430, %not3A_432 : i1
        %convert_element_type3A_434 = arith.extui %and3A_433 : i1 to i32
        %cond3A_435 = arith.constant 0 : i32
        %cond3A_436 = arith.cmpi ne, %convert_element_type3A_434, %cond3A_435 : i32
        scf.if %cond3A_436 {
          "tpu.trace_start"() <{level = 10 : i32, message = "ep_wait_out"}> : () -> ()
          %rem3A_480 = arith.constant 2 : i32
          %rem3A_481 = arith.remui %scan3A_177, %rem3A_480 : i32
          %mul3A_482 = arith.constant 128 : i32
          %mul3A_483 = arith.muli %mul3A_482, %add3A_194 : i32
          %dma_wait3A_484 = arith.constant 0 : i32
          %dma_wait3A_485 = arith.constant 0 : i32
          %dma_wait3A_486 = tpu.memref_slice %run_scoped3A_10[%rem3A_481, %dma_wait3A_484, %dma_wait3A_485] : memref<2x128x128xf32, #tpu.memory_space<vmem>> -> memref<1x128x128xf32, #tpu.memory_space<vmem>>
          %dma_wait3A_487 = tpu.memref_squeeze %dma_wait3A_486 : memref<1x128x128xf32, #tpu.memory_space<vmem>> -> memref<128x128xf32, #tpu.memory_space<vmem>>
          %dma_wait3A_488 = arith.constant 0 : i32
          %dma_wait3A_489 = tpu.memref_slice %arg6[%mul3A_483, %dma_wait3A_488] : memref<655360x128xf32, #tpu.memory_space<hbm>> -> memref<128x128xf32, #tpu.memory_space<hbm>>
          %dma_wait3A_490 = tpu.memref_slice %run_scoped3A_11[%rem3A_481] : memref<2x!tpu.dma_semaphore, #tpu.memory_space<semaphore_mem>> -> memref<1x!tpu.dma_semaphore, #tpu.memory_space<semaphore_mem>>
          %dma_wait3A_491 = tpu.memref_squeeze %dma_wait3A_490 : memref<1x!tpu.dma_semaphore, #tpu.memory_space<semaphore_mem>> -> memref<!tpu.dma_semaphore, #tpu.memory_space<semaphore_mem>>
          %dma_wait3A_492 = arith.constant 0 : i32
          %dma_wait3A_493 = tpu.memref_slice %arg6[%mul3A_483, %dma_wait3A_492] : memref<655360x128xf32, #tpu.memory_space<hbm>> -> memref<128x128xf32, #tpu.memory_space<hbm>>
          %dma_wait3A_494 = arith.constant 0 : i32
          %dma_wait3A_495 = arith.constant 0 : i32
          %dma_wait3A_496 = tpu.memref_slice %run_scoped3A_10[%rem3A_481, %dma_wait3A_494, %dma_wait3A_495] : memref<2x128x128xf32, #tpu.memory_space<vmem>> -> memref<1x128x128xf32, #tpu.memory_space<vmem>>
          %dma_wait3A_497 = tpu.memref_squeeze %dma_wait3A_496 : memref<1x128x128xf32, #tpu.memory_space<vmem>> -> memref<128x128xf32, #tpu.memory_space<vmem>>
          tpu.wait_dma2 semaphore(%dma_wait3A_491 : memref<!tpu.dma_semaphore, #tpu.memory_space<semaphore_mem>>) src(%dma_wait3A_497 : memref<128x128xf32, #tpu.memory_space<vmem>>) dst(%dma_wait3A_493 : memref<128x128xf32, #tpu.memory_space<hbm>>)
          "tpu.trace_stop"() : () -> ()
        } else {
        }
        %and3A_437 = arith.constant true
        %and3A_438 = arith.andi %and3A_433, %and3A_437 : i1
        %add3A_439 = arith.constant 1 : i32
        %add3A_440 = arith.addi %scan3A_177, %add3A_439 : i32
        %select_n3A_441 = arith.select %and3A_438, %add3A_440, %scan3A_177 : i32
        %ne3A_442 = arith.cmpi ne, %add3A_185, %add3A_194 : i32
        %or3A_443 = arith.constant false
        %or3A_444 = arith.ori %or3A_443, %ne3A_442 : i1
        %or3A_445 = arith.constant false
        %or3A_446 = arith.ori %or3A_444, %or3A_445 : i1
        %not3A_447 = arith.constant true
        %not3A_448 = arith.xori %eq3A_182, %not3A_447 : i1
        %and3A_449 = arith.andi %or3A_446, %not3A_448 : i1
        %convert_element_type3A_450 = arith.extui %and3A_449 : i1 to i32
        %cond3A_451 = arith.constant 0 : i32
        %cond3A_452 = arith.cmpi ne, %convert_element_type3A_450, %cond3A_451 : i32
        scf.if %cond3A_452 {
          "tpu.trace_start"() <{level = 10 : i32, message = "ep_wait_out"}> : () -> ()
          %rem3A_480 = arith.constant 2 : i32
          %rem3A_481 = arith.remui %scan3A_179, %rem3A_480 : i32
          %mul3A_482 = arith.constant 128 : i32
          %mul3A_483 = arith.muli %mul3A_482, %add3A_194 : i32
          %dma_wait3A_484 = arith.constant 0 : i32
          %dma_wait3A_485 = arith.constant 0 : i32
          %dma_wait3A_486 = tpu.memref_slice %run_scoped3A_12[%rem3A_481, %dma_wait3A_484, %dma_wait3A_485] : memref<2x128x128xf32, #tpu.memory_space<vmem>> -> memref<1x128x128xf32, #tpu.memory_space<vmem>>
          %dma_wait3A_487 = tpu.memref_squeeze %dma_wait3A_486 : memref<1x128x128xf32, #tpu.memory_space<vmem>> -> memref<128x128xf32, #tpu.memory_space<vmem>>
          %dma_wait3A_488 = arith.constant 0 : i32
          %dma_wait3A_489 = tpu.memref_slice %arg7[%mul3A_483, %dma_wait3A_488] : memref<655360x128xf32, #tpu.memory_space<hbm>> -> memref<128x128xf32, #tpu.memory_space<hbm>>
          %dma_wait3A_490 = tpu.memref_slice %run_scoped3A_13[%rem3A_481] : memref<2x!tpu.dma_semaphore, #tpu.memory_space<semaphore_mem>> -> memref<1x!tpu.dma_semaphore, #tpu.memory_space<semaphore_mem>>
          %dma_wait3A_491 = tpu.memref_squeeze %dma_wait3A_490 : memref<1x!tpu.dma_semaphore, #tpu.memory_space<semaphore_mem>> -> memref<!tpu.dma_semaphore, #tpu.memory_space<semaphore_mem>>
          %dma_wait3A_492 = arith.constant 0 : i32
          %dma_wait3A_493 = tpu.memref_slice %arg7[%mul3A_483, %dma_wait3A_492] : memref<655360x128xf32, #tpu.memory_space<hbm>> -> memref<128x128xf32, #tpu.memory_space<hbm>>
          %dma_wait3A_494 = arith.constant 0 : i32
          %dma_wait3A_495 = arith.constant 0 : i32
          %dma_wait3A_496 = tpu.memref_slice %run_scoped3A_12[%rem3A_481, %dma_wait3A_494, %dma_wait3A_495] : memref<2x128x128xf32, #tpu.memory_space<vmem>> -> memref<1x128x128xf32, #tpu.memory_space<vmem>>
          %dma_wait3A_497 = tpu.memref_squeeze %dma_wait3A_496 : memref<1x128x128xf32, #tpu.memory_space<vmem>> -> memref<128x128xf32, #tpu.memory_space<vmem>>
          tpu.wait_dma2 semaphore(%dma_wait3A_491 : memref<!tpu.dma_semaphore, #tpu.memory_space<semaphore_mem>>) src(%dma_wait3A_497 : memref<128x128xf32, #tpu.memory_space<vmem>>) dst(%dma_wait3A_493 : memref<128x128xf32, #tpu.memory_space<hbm>>)
          "tpu.trace_stop"() : () -> ()
        } else {
        }
        %and3A_453 = arith.constant true
        %and3A_454 = arith.andi %and3A_449, %and3A_453 : i1
        %add3A_455 = arith.constant 1 : i32
        %add3A_456 = arith.addi %scan3A_179, %add3A_455 : i32
        %select_n3A_457 = arith.select %and3A_454, %add3A_456, %scan3A_179 : i32
        %ne3A_458 = arith.cmpi ne, %add3A_185, %add3A_203 : i32
        %or3A_459 = arith.constant false
        %or3A_460 = arith.ori %or3A_459, %ne3A_458 : i1
        %or3A_461 = arith.ori %or3A_460, %eq3A_184 : i1
        %add3A_462 = arith.constant 1 : i32
        %add3A_463 = arith.addi %scan3A_173, %add3A_462 : i32
        %select_n3A_464 = arith.select %or3A_461, %add3A_463, %scan3A_173 : i32
        %ne3A_465 = arith.cmpi ne, %add3A_185, %add3A_203 : i32
        %or3A_466 = arith.constant false
        %or3A_467 = arith.ori %or3A_466, %ne3A_465 : i1
        %or3A_468 = arith.ori %or3A_467, %eq3A_184 : i1
        %add3A_469 = arith.constant 1 : i32
        %add3A_470 = arith.addi %scan3A_175, %add3A_469 : i32
        %select_n3A_471 = arith.select %or3A_468, %add3A_470, %scan3A_175 : i32
        %add3A_472 = arith.constant 1 : i32
        %add3A_473 = arith.addi %scan3A_180, %add3A_472 : i32
        %select_n3A_474 = arith.constant true
        %select_n3A_475 = arith.select %select_n3A_474, %add3A_473, %scan3A_180 : i32
        %eq3A_476 = arith.constant 160 : i32
        %eq3A_477 = arith.cmpi eq, %select_n3A_475, %eq3A_476 : i32
        %select_n3A_478 = arith.constant 0 : i32
        %select_n3A_479 = arith.select %eq3A_477, %select_n3A_478, %select_n3A_475 : i32
        scf.yield %select_n3A_221, %select_n3A_464, %select_n3A_237, %select_n3A_471, %select_n3A_389, %select_n3A_441, %select_n3A_403, %select_n3A_457, %select_n3A_479 : i32, i32, i32, i32, i32, i32, i32, i32, i32
      }
      %scan3A_100 = arith.constant 160 : i32
      %sub3A = arith.constant 1 : i32
      %sub3A_101 = arith.subi %scan3A_99#8, %sub3A : i32
      %select_n3A_102 = arith.constant true
      %select_n3A_103 = arith.select %select_n3A_102, %sub3A_101, %scan3A_99#8 : i32
      %eq3A_104 = arith.constant -1 : i32
      %eq3A_105 = arith.cmpi eq, %select_n3A_103, %eq3A_104 : i32
      %select_n3A_106 = arith.constant 159 : i32
      %select_n3A_107 = arith.select %eq3A_105, %select_n3A_106, %select_n3A_103 : i32
      %add3A_108 = arith.addi %select_n3A_107, %mul3A_6 : i32
      %sub3A_109 = arith.constant 1 : i32
      %sub3A_110 = arith.subi %select_n3A_107, %sub3A_109 : i32
      %select_n3A_111 = arith.constant true
      %select_n3A_112 = arith.select %select_n3A_111, %sub3A_110, %select_n3A_107 : i32
      %eq3A_113 = arith.constant -1 : i32
      %eq3A_114 = arith.cmpi eq, %select_n3A_112, %eq3A_113 : i32
      %select_n3A_115 = arith.constant 159 : i32
      %select_n3A_116 = arith.select %eq3A_114, %select_n3A_115, %select_n3A_112 : i32
      %add3A_117 = arith.addi %select_n3A_116, %mul3A_6 : i32
      %add3A_118 = arith.constant 1 : i32
      %add3A_119 = arith.addi %select_n3A_107, %add3A_118 : i32
      %select_n3A_120 = arith.constant true
      %select_n3A_121 = arith.select %select_n3A_120, %add3A_119, %select_n3A_107 : i32
      %eq3A_122 = arith.constant 160 : i32
      %eq3A_123 = arith.cmpi eq, %select_n3A_121, %eq3A_122 : i32
      %select_n3A_124 = arith.constant 0 : i32
      %select_n3A_125 = arith.select %eq3A_123, %select_n3A_124, %select_n3A_121 : i32
      %add3A_126 = arith.addi %select_n3A_125, %mul3A_6 : i32
      %add3A_127 = arith.constant 1 : i32
      %add3A_128 = arith.addi %select_n3A_125, %add3A_127 : i32
      %select_n3A_129 = arith.constant true
      %select_n3A_130 = arith.select %select_n3A_129, %add3A_128, %select_n3A_125 : i32
      %eq3A_131 = arith.constant 160 : i32
      %eq3A_132 = arith.cmpi eq, %select_n3A_130, %eq3A_131 : i32
      %select_n3A_133 = arith.constant 0 : i32
      %select_n3A_134 = arith.select %eq3A_132, %select_n3A_133, %select_n3A_130 : i32
      %add3A_135 = arith.addi %select_n3A_134, %mul3A_6 : i32
      "tpu.trace_start"() <{level = 10 : i32, message = "ep_finalize"}> : () -> ()
      %rem3A_136 = arith.constant 2 : i32
      %rem3A_137 = arith.remui %scan3A_99#5, %rem3A_136 : i32
      %mul3A_138 = arith.constant 128 : i32
      %mul3A_139 = arith.muli %mul3A_138, %add3A_108 : i32
      %dma_wait3A = arith.constant 0 : i32
      %dma_wait3A_140 = arith.constant 0 : i32
      %dma_wait3A_141 = tpu.memref_slice %run_scoped3A_10[%rem3A_137, %dma_wait3A, %dma_wait3A_140] : memref<2x128x128xf32, #tpu.memory_space<vmem>> -> memref<1x128x128xf32, #tpu.memory_space<vmem>>
      %dma_wait3A_142 = tpu.memref_squeeze %dma_wait3A_141 : memref<1x128x128xf32, #tpu.memory_space<vmem>> -> memref<128x128xf32, #tpu.memory_space<vmem>>
      %dma_wait3A_143 = arith.constant 0 : i32
      %dma_wait3A_144 = tpu.memref_slice %arg6[%mul3A_139, %dma_wait3A_143] : memref<655360x128xf32, #tpu.memory_space<hbm>> -> memref<128x128xf32, #tpu.memory_space<hbm>>
      %dma_wait3A_145 = tpu.memref_slice %run_scoped3A_11[%rem3A_137] : memref<2x!tpu.dma_semaphore, #tpu.memory_space<semaphore_mem>> -> memref<1x!tpu.dma_semaphore, #tpu.memory_space<semaphore_mem>>
      %dma_wait3A_146 = tpu.memref_squeeze %dma_wait3A_145 : memref<1x!tpu.dma_semaphore, #tpu.memory_space<semaphore_mem>> -> memref<!tpu.dma_semaphore, #tpu.memory_space<semaphore_mem>>
      %dma_wait3A_147 = arith.constant 0 : i32
      %dma_wait3A_148 = tpu.memref_slice %arg6[%mul3A_139, %dma_wait3A_147] : memref<655360x128xf32, #tpu.memory_space<hbm>> -> memref<128x128xf32, #tpu.memory_space<hbm>>
      %dma_wait3A_149 = arith.constant 0 : i32
      %dma_wait3A_150 = arith.constant 0 : i32
      %dma_wait3A_151 = tpu.memref_slice %run_scoped3A_10[%rem3A_137, %dma_wait3A_149, %dma_wait3A_150] : memref<2x128x128xf32, #tpu.memory_space<vmem>> -> memref<1x128x128xf32, #tpu.memory_space<vmem>>
      %dma_wait3A_152 = tpu.memref_squeeze %dma_wait3A_151 : memref<1x128x128xf32, #tpu.memory_space<vmem>> -> memref<128x128xf32, #tpu.memory_space<vmem>>
      tpu.wait_dma2 semaphore(%dma_wait3A_146 : memref<!tpu.dma_semaphore, #tpu.memory_space<semaphore_mem>>) src(%dma_wait3A_152 : memref<128x128xf32, #tpu.memory_space<vmem>>) dst(%dma_wait3A_148 : memref<128x128xf32, #tpu.memory_space<hbm>>)
      %rem3A_153 = arith.constant 2 : i32
      %rem3A_154 = arith.remui %scan3A_99#7, %rem3A_153 : i32
      %mul3A_155 = arith.constant 128 : i32
      %mul3A_156 = arith.muli %mul3A_155, %add3A_108 : i32
      %dma_wait3A_157 = arith.constant 0 : i32
      %dma_wait3A_158 = arith.constant 0 : i32
      %dma_wait3A_159 = tpu.memref_slice %run_scoped3A_12[%rem3A_154, %dma_wait3A_157, %dma_wait3A_158] : memref<2x128x128xf32, #tpu.memory_space<vmem>> -> memref<1x128x128xf32, #tpu.memory_space<vmem>>
      %dma_wait3A_160 = tpu.memref_squeeze %dma_wait3A_159 : memref<1x128x128xf32, #tpu.memory_space<vmem>> -> memref<128x128xf32, #tpu.memory_space<vmem>>
      %dma_wait3A_161 = arith.constant 0 : i32
      %dma_wait3A_162 = tpu.memref_slice %arg7[%mul3A_156, %dma_wait3A_161] : memref<655360x128xf32, #tpu.memory_space<hbm>> -> memref<128x128xf32, #tpu.memory_space<hbm>>
      %dma_wait3A_163 = tpu.memref_slice %run_scoped3A_13[%rem3A_154] : memref<2x!tpu.dma_semaphore, #tpu.memory_space<semaphore_mem>> -> memref<1x!tpu.dma_semaphore, #tpu.memory_space<semaphore_mem>>
      %dma_wait3A_164 = tpu.memref_squeeze %dma_wait3A_163 : memref<1x!tpu.dma_semaphore, #tpu.memory_space<semaphore_mem>> -> memref<!tpu.dma_semaphore, #tpu.memory_space<semaphore_mem>>
      %dma_wait3A_165 = arith.constant 0 : i32
      %dma_wait3A_166 = tpu.memref_slice %arg7[%mul3A_156, %dma_wait3A_165] : memref<655360x128xf32, #tpu.memory_space<hbm>> -> memref<128x128xf32, #tpu.memory_space<hbm>>
      %dma_wait3A_167 = arith.constant 0 : i32
      %dma_wait3A_168 = arith.constant 0 : i32
      %dma_wait3A_169 = tpu.memref_slice %run_scoped3A_12[%rem3A_154, %dma_wait3A_167, %dma_wait3A_168] : memref<2x128x128xf32, #tpu.memory_space<vmem>> -> memref<1x128x128xf32, #tpu.memory_space<vmem>>
      %dma_wait3A_170 = tpu.memref_squeeze %dma_wait3A_169 : memref<1x128x128xf32, #tpu.memory_space<vmem>> -> memref<128x128xf32, #tpu.memory_space<vmem>>
      tpu.wait_dma2 semaphore(%dma_wait3A_164 : memref<!tpu.dma_semaphore, #tpu.memory_space<semaphore_mem>>) src(%dma_wait3A_170 : memref<128x128xf32, #tpu.memory_space<vmem>>) dst(%dma_wait3A_166 : memref<128x128xf32, #tpu.memory_space<hbm>>)
      "tpu.trace_stop"() : () -> ()
      tpu.yield
    }) : () -> ()
    return
  }
}

module attributes {stable_mosaic.version = 14 : i64} {
  func.func @_prep_body(%arg0: i32, %arg1: memref<1024x128xf32, #tpu.memory_space<vmem>>, %arg2: memref<1024x1xi32, #tpu.memory_space<vmem>>, %arg3: memref<8x128xf32, #tpu.memory_space<vmem>>, %arg4: memref<128x128xbf16, #tpu.memory_space<vmem>>, %arg5: memref<128x128xbf16, #tpu.memory_space<vmem>>, %arg6: memref<128x128xbf16, #tpu.memory_space<vmem>>, %arg7: memref<1x128xf32, #tpu.memory_space<vmem>>, %arg8: memref<1024x128xf32, #tpu.memory_space<vmem>>, %arg9: memref<1024x128xf32, #tpu.memory_space<vmem>>) attributes {dimension_semantics = [#tpu.dimension_semantics<arbitrary>], iteration_bounds = array<i64: 10>, scalar_prefetch = 0 : i64, scratch_operands = 0 : i64, tpu.core_type = #tpu.core_type<tc>, window_params = [{transform_indices = @transform_0, window_bounds = array<i64: 1024, 128>}, {transform_indices = @transform_1, window_bounds = array<i64: 1024, 1>}, {pipeline_mode = #tpu.pipeline_mode<synchronous>, transform_indices = @transform_2, window_bounds = array<i64: 8, 128>}, {pipeline_mode = #tpu.pipeline_mode<synchronous>, transform_indices = @transform_3, window_bounds = array<i64: 128, 128>}, {pipeline_mode = #tpu.pipeline_mode<synchronous>, transform_indices = @transform_4, window_bounds = array<i64: 128, 128>}, {pipeline_mode = #tpu.pipeline_mode<synchronous>, transform_indices = @transform_5, window_bounds = array<i64: 128, 128>}, {pipeline_mode = #tpu.pipeline_mode<synchronous>, transform_indices = @transform_6, window_bounds = array<i64: 1, 128>}, {transform_indices = @transform_7, window_bounds = array<i64: 1024, 128>}, {transform_indices = @transform_8, window_bounds = array<i64: 1024, 128>}]} {
    %get3A = arith.constant 0 : index
    %get3A_0 = arith.constant 0 : index
    %get3A_1 = vector.load %arg1[%get3A, %get3A_0] : memref<1024x128xf32, #tpu.memory_space<vmem>>, vector<1024x128xf32>
    %iota3A = tpu.iota {dimensions = array<i32: 1>} : vector<1024x8xi32>
    %get3A_2 = arith.constant 0 : index
    %get3A_3 = arith.constant 0 : index
    %get3A_4 = vector.load %arg2[%get3A_2, %get3A_3] : memref<1024x1xi32, #tpu.memory_space<vmem>>, vector<1024x1xi32>
    %eq3A = vector.broadcast %get3A_4 : vector<1024x1xi32> to vector<1024x8xi32>
    %eq3A_5 = arith.cmpi eq, %iota3A, %eq3A : vector<1024x8xi32>
    %convert_element_type3A = arith.extui %eq3A_5 : vector<1024x8xi1> to vector<1024x8xi32>
    %convert_element_type3A_6 = arith.sitofp %convert_element_type3A : vector<1024x8xi32> to vector<1024x8xf32>
    %convert_element_type3A_7 = arith.truncf %convert_element_type3A_6 : vector<1024x8xf32> to vector<1024x8xbf16>
    %get3A_8 = arith.constant 0 : index
    %get3A_9 = arith.constant 0 : index
    %get3A_10 = vector.load %arg3[%get3A_8, %get3A_9] : memref<8x128xf32, #tpu.memory_space<vmem>>, vector<8x128xf32>
    %get3A_11 = arith.constant 0 : index
    %get3A_12 = arith.constant 0 : index
    %get3A_13 = vector.load %arg6[%get3A_11, %get3A_12] : memref<128x128xbf16, #tpu.memory_space<vmem>>, vector<128x128xbf16>
    %convert_element_type3A_14 = arith.truncf %get3A_10 : vector<8x128xf32> to vector<8x128xbf16>
    %dot_general3A = arith.constant dense<0.000000e+00> : vector<8x128xf32>
    %dot_general3A_15 = tpu.matmul %convert_element_type3A_14, %get3A_13, %dot_general3A {dimension_numbers = #tpu.dot_dimension_numbers<[1], [0], [0], [1], [0, 0, 1, 1], [], []>, transpose_lhs_hint = false} : vector<8x128xbf16>, vector<128x128xbf16>, vector<8x128xf32> -> vector<8x128xf32>
    %get3A_16 = arith.constant 0 : index
    %get3A_17 = arith.constant 0 : index
    %get3A_18 = vector.load %arg4[%get3A_16, %get3A_17] : memref<128x128xbf16, #tpu.memory_space<vmem>>, vector<128x128xbf16>
    %convert_element_type3A_19 = arith.truncf %get3A_1 : vector<1024x128xf32> to vector<1024x128xbf16>
    %dot_general3A_20 = arith.constant dense<0.000000e+00> : vector<1024x128xf32>
    %dot_general3A_21 = tpu.matmul %convert_element_type3A_19, %get3A_18, %dot_general3A_20 {dimension_numbers = #tpu.dot_dimension_numbers<[1], [0], [0], [1], [0, 0, 1, 1], [], []>, transpose_lhs_hint = false} : vector<1024x128xbf16>, vector<128x128xbf16>, vector<1024x128xf32> -> vector<1024x128xf32>
    %convert_element_type3A_22 = arith.truncf %dot_general3A_15 : vector<8x128xf32> to vector<8x128xbf16>
    %dot_general3A_23 = arith.constant dense<0.000000e+00> : vector<1024x128xf32>
    %dot_general3A_24 = tpu.matmul %convert_element_type3A_7, %convert_element_type3A_22, %dot_general3A_23 {dimension_numbers = #tpu.dot_dimension_numbers<[1], [0], [0], [1], [0, 0, 1, 1], [], []>, transpose_lhs_hint = false} : vector<1024x8xbf16>, vector<8x128xbf16>, vector<1024x128xf32> -> vector<1024x128xf32>
    %add3A = arith.addf %dot_general3A_21, %dot_general3A_24 : vector<1024x128xf32>
    %get3A_25 = arith.constant 0 : index
    %get3A_26 = arith.constant 0 : index
    %get3A_27 = vector.load %arg7[%get3A_25, %get3A_26] : memref<1x128xf32, #tpu.memory_space<vmem>>, vector<1x128xf32>
    %add3A_28 = vector.broadcast %get3A_27 : vector<1x128xf32> to vector<1024x128xf32>
    %add3A_29 = arith.addf %add3A, %add3A_28 : vector<1024x128xf32>
    %swap3A = arith.constant 0 : index
    %swap3A_30 = arith.constant 0 : index
    %swap3A_31 = vector.load %arg8[%swap3A, %swap3A_30] : memref<1024x128xf32, #tpu.memory_space<vmem>>, vector<1024x128xf32>
    tpu.vector_store %arg8[%swap3A, %swap3A_30], %add3A_29 {strides = array<i32>} : memref<1024x128xf32, #tpu.memory_space<vmem>>, vector<1024x128xf32>,
    %get3A_32 = arith.constant 0 : index
    %get3A_33 = arith.constant 0 : index
    %get3A_34 = vector.load %arg5[%get3A_32, %get3A_33] : memref<128x128xbf16, #tpu.memory_space<vmem>>, vector<128x128xbf16>
    %convert_element_type3A_35 = arith.truncf %get3A_1 : vector<1024x128xf32> to vector<1024x128xbf16>
    %dot_general3A_36 = arith.constant dense<0.000000e+00> : vector<1024x128xf32>
    %dot_general3A_37 = tpu.matmul %convert_element_type3A_35, %get3A_34, %dot_general3A_36 {dimension_numbers = #tpu.dot_dimension_numbers<[1], [0], [0], [1], [0, 0, 1, 1], [], []>, transpose_lhs_hint = false} : vector<1024x128xbf16>, vector<128x128xbf16>, vector<1024x128xf32> -> vector<1024x128xf32>
    %swap3A_38 = arith.constant 0 : index
    %swap3A_39 = arith.constant 0 : index
    %swap3A_40 = vector.load %arg9[%swap3A_38, %swap3A_39] : memref<1024x128xf32, #tpu.memory_space<vmem>>, vector<1024x128xf32>
    tpu.vector_store %arg9[%swap3A_38, %swap3A_39], %dot_general3A_37 {strides = array<i32>} : memref<1024x128xf32, #tpu.memory_space<vmem>>, vector<1024x128xf32>,
    return
  }
  func.func @transform_0(%arg0: i32) -> (i32, i32) {
    %c0_i32 = arith.constant 0 : i32
    %c0_i32_0 = arith.constant 0 : i32
    return %arg0, %c0_i32 : i32, i32
  }
  func.func @transform_1(%arg0: i32) -> (i32, i32) {
    %c0_i32 = arith.constant 0 : i32
    %c0_i32_0 = arith.constant 0 : i32
    return %arg0, %c0_i32 : i32, i32
  }
  func.func @transform_2(%arg0: i32) -> (i32, i32) {
    %c0_i32 = arith.constant 0 : i32
    %c0_i32_0 = arith.constant 0 : i32
    %c0_i32_1 = arith.constant 0 : i32
    return %c0_i32, %c0_i32_0 : i32, i32
  }
  func.func @transform_3(%arg0: i32) -> (i32, i32) {
    %c0_i32 = arith.constant 0 : i32
    %c0_i32_0 = arith.constant 0 : i32
    %c0_i32_1 = arith.constant 0 : i32
    return %c0_i32, %c0_i32_0 : i32, i32
  }
  func.func @transform_4(%arg0: i32) -> (i32, i32) {
    %c0_i32 = arith.constant 0 : i32
    %c0_i32_0 = arith.constant 0 : i32
    %c0_i32_1 = arith.constant 0 : i32
    return %c0_i32, %c0_i32_0 : i32, i32
  }
  func.func @transform_5(%arg0: i32) -> (i32, i32) {
    %c0_i32 = arith.constant 0 : i32
    %c0_i32_0 = arith.constant 0 : i32
    %c0_i32_1 = arith.constant 0 : i32
    return %c0_i32, %c0_i32_0 : i32, i32
  }
  func.func @transform_6(%arg0: i32) -> (i32, i32) {
    %c0_i32 = arith.constant 0 : i32
    %c0_i32_0 = arith.constant 0 : i32
    %c0_i32_1 = arith.constant 0 : i32
    return %c0_i32, %c0_i32_0 : i32, i32
  }
  func.func @transform_7(%arg0: i32) -> (i32, i32) {
    %c0_i32 = arith.constant 0 : i32
    %c0_i32_0 = arith.constant 0 : i32
    return %arg0, %c0_i32 : i32, i32
  }
  func.func @transform_8(%arg0: i32) -> (i32, i32) {
    %c0_i32 = arith.constant 0 : i32
    %c0_i32_0 = arith.constant 0 : i32
    return %arg0, %c0_i32 : i32, i32
  }
}

module attributes {stable_mosaic.version = 14 : i64} {
  func.func @_edge_body(%arg0: i32, %arg1: memref<2048x128xf32, #tpu.memory_space<vmem>>, %arg2: memref<2048x128xf32, #tpu.memory_space<vmem>>, %arg3: memref<2048x16xf32, #tpu.memory_space<vmem>>, %arg4: memref<16x128xbf16, #tpu.memory_space<vmem>>, %arg5: memref<128x128xbf16, #tpu.memory_space<vmem>>, %arg6: memref<1x128xf32, #tpu.memory_space<vmem>>, %arg7: memref<128x128xbf16, #tpu.memory_space<vmem>>, %arg8: memref<1x128xf32, #tpu.memory_space<vmem>>, %arg9: memref<2048x128xf32, #tpu.memory_space<vmem>>) attributes {dimension_semantics = [#tpu.dimension_semantics<arbitrary>], iteration_bounds = array<i64: 160>, scalar_prefetch = 0 : i64, scratch_operands = 0 : i64, tpu.core_type = #tpu.core_type<tc>, window_params = [{transform_indices = @transform_0, window_bounds = array<i64: 2048, 128>}, {transform_indices = @transform_1, window_bounds = array<i64: 2048, 128>}, {transform_indices = @transform_2, window_bounds = array<i64: 2048, 16>}, {pipeline_mode = #tpu.pipeline_mode<synchronous>, transform_indices = @transform_3, window_bounds = array<i64: 16, 128>}, {pipeline_mode = #tpu.pipeline_mode<synchronous>, transform_indices = @transform_4, window_bounds = array<i64: 128, 128>}, {pipeline_mode = #tpu.pipeline_mode<synchronous>, transform_indices = @transform_5, window_bounds = array<i64: 1, 128>}, {pipeline_mode = #tpu.pipeline_mode<synchronous>, transform_indices = @transform_6, window_bounds = array<i64: 128, 128>}, {pipeline_mode = #tpu.pipeline_mode<synchronous>, transform_indices = @transform_7, window_bounds = array<i64: 1, 128>}, {transform_indices = @transform_8, window_bounds = array<i64: 2048, 128>}]} {
    %get3A = arith.constant 0 : index
    %get3A_0 = arith.constant 0 : index
    %get3A_1 = vector.load %arg1[%get3A, %get3A_0] : memref<2048x128xf32, #tpu.memory_space<vmem>>, vector<2048x128xf32>
    %get3A_2 = arith.constant 0 : index
    %get3A_3 = arith.constant 0 : index
    %get3A_4 = vector.load %arg2[%get3A_2, %get3A_3] : memref<2048x128xf32, #tpu.memory_space<vmem>>, vector<2048x128xf32>
    %add3A = arith.addf %get3A_1, %get3A_4 : vector<2048x128xf32>
    %get3A_5 = arith.constant 0 : index
    %get3A_6 = arith.constant 0 : index
    %get3A_7 = vector.load %arg3[%get3A_5, %get3A_6] : memref<2048x16xf32, #tpu.memory_space<vmem>>, vector<2048x16xf32>
    %get3A_8 = arith.constant 0 : index
    %get3A_9 = arith.constant 0 : index
    %get3A_10 = vector.load %arg4[%get3A_8, %get3A_9] : memref<16x128xbf16, #tpu.memory_space<vmem>>, vector<16x128xbf16>
    %convert_element_type3A = arith.truncf %get3A_7 : vector<2048x16xf32> to vector<2048x16xbf16>
    %dot_general3A = arith.constant dense<0.000000e+00> : vector<2048x128xf32>
    %dot_general3A_11 = tpu.matmul %convert_element_type3A, %get3A_10, %dot_general3A {dimension_numbers = #tpu.dot_dimension_numbers<[1], [0], [0], [1], [0, 0, 1, 1], [], []>, transpose_lhs_hint = false} : vector<2048x16xbf16>, vector<16x128xbf16>, vector<2048x128xf32> -> vector<2048x128xf32>
    %add3A_12 = arith.addf %add3A, %dot_general3A_11 : vector<2048x128xf32>
    %max3A = arith.constant 0.000000e+00 : f32
    %max3A_13 = vector.broadcast %max3A : f32 to vector<2048x128xf32>
    %max3A_14 = arith.maximumf %add3A_12, %max3A_13 : vector<2048x128xf32>
    %get3A_15 = arith.constant 0 : index
    %get3A_16 = arith.constant 0 : index
    %get3A_17 = vector.load %arg5[%get3A_15, %get3A_16] : memref<128x128xbf16, #tpu.memory_space<vmem>>, vector<128x128xbf16>
    %convert_element_type3A_18 = arith.truncf %max3A_14 : vector<2048x128xf32> to vector<2048x128xbf16>
    %dot_general3A_19 = arith.constant dense<0.000000e+00> : vector<2048x128xf32>
    %dot_general3A_20 = tpu.matmul %convert_element_type3A_18, %get3A_17, %dot_general3A_19 {dimension_numbers = #tpu.dot_dimension_numbers<[1], [0], [0], [1], [0, 0, 1, 1], [], []>, transpose_lhs_hint = false} : vector<2048x128xbf16>, vector<128x128xbf16>, vector<2048x128xf32> -> vector<2048x128xf32>
    %get3A_21 = arith.constant 0 : index
    %get3A_22 = arith.constant 0 : index
    %get3A_23 = vector.load %arg6[%get3A_21, %get3A_22] : memref<1x128xf32, #tpu.memory_space<vmem>>, vector<1x128xf32>
    %add3A_24 = vector.broadcast %get3A_23 : vector<1x128xf32> to vector<2048x128xf32>
    %add3A_25 = arith.addf %dot_general3A_20, %add3A_24 : vector<2048x128xf32>
    %max3A_26 = arith.constant 0.000000e+00 : f32
    %max3A_27 = vector.broadcast %max3A_26 : f32 to vector<2048x128xf32>
    %max3A_28 = arith.maximumf %add3A_25, %max3A_27 : vector<2048x128xf32>
    %get3A_29 = arith.constant 0 : index
    %get3A_30 = arith.constant 0 : index
    %get3A_31 = vector.load %arg7[%get3A_29, %get3A_30] : memref<128x128xbf16, #tpu.memory_space<vmem>>, vector<128x128xbf16>
    %convert_element_type3A_32 = arith.truncf %max3A_28 : vector<2048x128xf32> to vector<2048x128xbf16>
    %dot_general3A_33 = arith.constant dense<0.000000e+00> : vector<2048x128xf32>
    %dot_general3A_34 = tpu.matmul %convert_element_type3A_32, %get3A_31, %dot_general3A_33 {dimension_numbers = #tpu.dot_dimension_numbers<[1], [0], [0], [1], [0, 0, 1, 1], [], []>, transpose_lhs_hint = false} : vector<2048x128xbf16>, vector<128x128xbf16>, vector<2048x128xf32> -> vector<2048x128xf32>
    %get3A_35 = arith.constant 0 : index
    %get3A_36 = arith.constant 0 : index
    %get3A_37 = vector.load %arg8[%get3A_35, %get3A_36] : memref<1x128xf32, #tpu.memory_space<vmem>>, vector<1x128xf32>
    %add3A_38 = vector.broadcast %get3A_37 : vector<1x128xf32> to vector<2048x128xf32>
    %add3A_39 = arith.addf %dot_general3A_34, %add3A_38 : vector<2048x128xf32>
    %swap3A = arith.constant 0 : index
    %swap3A_40 = arith.constant 0 : index
    %swap3A_41 = vector.load %arg9[%swap3A, %swap3A_40] : memref<2048x128xf32, #tpu.memory_space<vmem>>, vector<2048x128xf32>
    tpu.vector_store %arg9[%swap3A, %swap3A_40], %add3A_39 {strides = array<i32>} : memref<2048x128xf32, #tpu.memory_space<vmem>>, vector<2048x128xf32>,
    return
  }
  func.func @transform_0(%arg0: i32) -> (i32, i32) {
    %add3A = arith.constant 0 : i32
    %add3A_0 = arith.addi %arg0, %add3A : i32
    %c0_i32 = arith.constant 0 : i32
    %c0_i32_1 = arith.constant 0 : i32
    return %add3A_0, %c0_i32 : i32, i32
  }
  func.func @transform_1(%arg0: i32) -> (i32, i32) {
    %add3A = arith.constant 0 : i32
    %add3A_0 = arith.addi %arg0, %add3A : i32
    %c0_i32 = arith.constant 0 : i32
    %c0_i32_1 = arith.constant 0 : i32
    return %add3A_0, %c0_i32 : i32, i32
  }
  func.func @transform_2(%arg0: i32) -> (i32, i32) {
    %c0_i32 = arith.constant 0 : i32
    %c0_i32_0 = arith.constant 0 : i32
    return %arg0, %c0_i32 : i32, i32
  }
  func.func @transform_3(%arg0: i32) -> (i32, i32) {
    %c0_i32 = arith.constant 0 : i32
    %c0_i32_0 = arith.constant 0 : i32
    %c0_i32_1 = arith.constant 0 : i32
    return %c0_i32, %c0_i32_0 : i32, i32
  }
  func.func @transform_4(%arg0: i32) -> (i32, i32) {
    %c0_i32 = arith.constant 0 : i32
    %c0_i32_0 = arith.constant 0 : i32
    %c0_i32_1 = arith.constant 0 : i32
    return %c0_i32, %c0_i32_0 : i32, i32
  }
  func.func @transform_5(%arg0: i32) -> (i32, i32) {
    %c0_i32 = arith.constant 0 : i32
    %c0_i32_0 = arith.constant 0 : i32
    %c0_i32_1 = arith.constant 0 : i32
    return %c0_i32, %c0_i32_0 : i32, i32
  }
  func.func @transform_6(%arg0: i32) -> (i32, i32) {
    %c0_i32 = arith.constant 0 : i32
    %c0_i32_0 = arith.constant 0 : i32
    %c0_i32_1 = arith.constant 0 : i32
    return %c0_i32, %c0_i32_0 : i32, i32
  }
  func.func @transform_7(%arg0: i32) -> (i32, i32) {
    %c0_i32 = arith.constant 0 : i32
    %c0_i32_0 = arith.constant 0 : i32
    %c0_i32_1 = arith.constant 0 : i32
    return %c0_i32, %c0_i32_0 : i32, i32
  }
  func.func @transform_8(%arg0: i32) -> (i32, i32) {
    %c0_i32 = arith.constant 0 : i32
    %c0_i32_0 = arith.constant 0 : i32
    return %arg0, %c0_i32 : i32, i32
  }
}

module attributes {stable_mosaic.version = 14 : i64} {
  func.func @_edge_body(%arg0: i32, %arg1: memref<2048x128xf32, #tpu.memory_space<vmem>>, %arg2: memref<2048x128xf32, #tpu.memory_space<vmem>>, %arg3: memref<2048x16xf32, #tpu.memory_space<vmem>>, %arg4: memref<16x128xbf16, #tpu.memory_space<vmem>>, %arg5: memref<128x128xbf16, #tpu.memory_space<vmem>>, %arg6: memref<1x128xf32, #tpu.memory_space<vmem>>, %arg7: memref<128x128xbf16, #tpu.memory_space<vmem>>, %arg8: memref<1x128xf32, #tpu.memory_space<vmem>>, %arg9: memref<2048x128xf32, #tpu.memory_space<vmem>>) attributes {dimension_semantics = [#tpu.dimension_semantics<arbitrary>], iteration_bounds = array<i64: 160>, scalar_prefetch = 0 : i64, scratch_operands = 0 : i64, tpu.core_type = #tpu.core_type<tc>, window_params = [{transform_indices = @transform_0, window_bounds = array<i64: 2048, 128>}, {transform_indices = @transform_1, window_bounds = array<i64: 2048, 128>}, {transform_indices = @transform_2, window_bounds = array<i64: 2048, 16>}, {pipeline_mode = #tpu.pipeline_mode<synchronous>, transform_indices = @transform_3, window_bounds = array<i64: 16, 128>}, {pipeline_mode = #tpu.pipeline_mode<synchronous>, transform_indices = @transform_4, window_bounds = array<i64: 128, 128>}, {pipeline_mode = #tpu.pipeline_mode<synchronous>, transform_indices = @transform_5, window_bounds = array<i64: 1, 128>}, {pipeline_mode = #tpu.pipeline_mode<synchronous>, transform_indices = @transform_6, window_bounds = array<i64: 128, 128>}, {pipeline_mode = #tpu.pipeline_mode<synchronous>, transform_indices = @transform_7, window_bounds = array<i64: 1, 128>}, {transform_indices = @transform_8, window_bounds = array<i64: 2048, 128>}]} {
    %get3A = arith.constant 0 : index
    %get3A_0 = arith.constant 0 : index
    %get3A_1 = vector.load %arg1[%get3A, %get3A_0] : memref<2048x128xf32, #tpu.memory_space<vmem>>, vector<2048x128xf32>
    %get3A_2 = arith.constant 0 : index
    %get3A_3 = arith.constant 0 : index
    %get3A_4 = vector.load %arg2[%get3A_2, %get3A_3] : memref<2048x128xf32, #tpu.memory_space<vmem>>, vector<2048x128xf32>
    %add3A = arith.addf %get3A_1, %get3A_4 : vector<2048x128xf32>
    %get3A_5 = arith.constant 0 : index
    %get3A_6 = arith.constant 0 : index
    %get3A_7 = vector.load %arg3[%get3A_5, %get3A_6] : memref<2048x16xf32, #tpu.memory_space<vmem>>, vector<2048x16xf32>
    %get3A_8 = arith.constant 0 : index
    %get3A_9 = arith.constant 0 : index
    %get3A_10 = vector.load %arg4[%get3A_8, %get3A_9] : memref<16x128xbf16, #tpu.memory_space<vmem>>, vector<16x128xbf16>
    %convert_element_type3A = arith.truncf %get3A_7 : vector<2048x16xf32> to vector<2048x16xbf16>
    %dot_general3A = arith.constant dense<0.000000e+00> : vector<2048x128xf32>
    %dot_general3A_11 = tpu.matmul %convert_element_type3A, %get3A_10, %dot_general3A {dimension_numbers = #tpu.dot_dimension_numbers<[1], [0], [0], [1], [0, 0, 1, 1], [], []>, transpose_lhs_hint = false} : vector<2048x16xbf16>, vector<16x128xbf16>, vector<2048x128xf32> -> vector<2048x128xf32>
    %add3A_12 = arith.addf %add3A, %dot_general3A_11 : vector<2048x128xf32>
    %max3A = arith.constant 0.000000e+00 : f32
    %max3A_13 = vector.broadcast %max3A : f32 to vector<2048x128xf32>
    %max3A_14 = arith.maximumf %add3A_12, %max3A_13 : vector<2048x128xf32>
    %get3A_15 = arith.constant 0 : index
    %get3A_16 = arith.constant 0 : index
    %get3A_17 = vector.load %arg5[%get3A_15, %get3A_16] : memref<128x128xbf16, #tpu.memory_space<vmem>>, vector<128x128xbf16>
    %convert_element_type3A_18 = arith.truncf %max3A_14 : vector<2048x128xf32> to vector<2048x128xbf16>
    %dot_general3A_19 = arith.constant dense<0.000000e+00> : vector<2048x128xf32>
    %dot_general3A_20 = tpu.matmul %convert_element_type3A_18, %get3A_17, %dot_general3A_19 {dimension_numbers = #tpu.dot_dimension_numbers<[1], [0], [0], [1], [0, 0, 1, 1], [], []>, transpose_lhs_hint = false} : vector<2048x128xbf16>, vector<128x128xbf16>, vector<2048x128xf32> -> vector<2048x128xf32>
    %get3A_21 = arith.constant 0 : index
    %get3A_22 = arith.constant 0 : index
    %get3A_23 = vector.load %arg6[%get3A_21, %get3A_22] : memref<1x128xf32, #tpu.memory_space<vmem>>, vector<1x128xf32>
    %add3A_24 = vector.broadcast %get3A_23 : vector<1x128xf32> to vector<2048x128xf32>
    %add3A_25 = arith.addf %dot_general3A_20, %add3A_24 : vector<2048x128xf32>
    %max3A_26 = arith.constant 0.000000e+00 : f32
    %max3A_27 = vector.broadcast %max3A_26 : f32 to vector<2048x128xf32>
    %max3A_28 = arith.maximumf %add3A_25, %max3A_27 : vector<2048x128xf32>
    %get3A_29 = arith.constant 0 : index
    %get3A_30 = arith.constant 0 : index
    %get3A_31 = vector.load %arg7[%get3A_29, %get3A_30] : memref<128x128xbf16, #tpu.memory_space<vmem>>, vector<128x128xbf16>
    %convert_element_type3A_32 = arith.truncf %max3A_28 : vector<2048x128xf32> to vector<2048x128xbf16>
    %dot_general3A_33 = arith.constant dense<0.000000e+00> : vector<2048x128xf32>
    %dot_general3A_34 = tpu.matmul %convert_element_type3A_32, %get3A_31, %dot_general3A_33 {dimension_numbers = #tpu.dot_dimension_numbers<[1], [0], [0], [1], [0, 0, 1, 1], [], []>, transpose_lhs_hint = false} : vector<2048x128xbf16>, vector<128x128xbf16>, vector<2048x128xf32> -> vector<2048x128xf32>
    %get3A_35 = arith.constant 0 : index
    %get3A_36 = arith.constant 0 : index
    %get3A_37 = vector.load %arg8[%get3A_35, %get3A_36] : memref<1x128xf32, #tpu.memory_space<vmem>>, vector<1x128xf32>
    %add3A_38 = vector.broadcast %get3A_37 : vector<1x128xf32> to vector<2048x128xf32>
    %add3A_39 = arith.addf %dot_general3A_34, %add3A_38 : vector<2048x128xf32>
    %swap3A = arith.constant 0 : index
    %swap3A_40 = arith.constant 0 : index
    %swap3A_41 = vector.load %arg9[%swap3A, %swap3A_40] : memref<2048x128xf32, #tpu.memory_space<vmem>>, vector<2048x128xf32>
    tpu.vector_store %arg9[%swap3A, %swap3A_40], %add3A_39 {strides = array<i32>} : memref<2048x128xf32, #tpu.memory_space<vmem>>, vector<2048x128xf32>,
    return
  }
  func.func @transform_0(%arg0: i32) -> (i32, i32) {
    %add3A = arith.constant 160 : i32
    %add3A_0 = arith.addi %arg0, %add3A : i32
    %c0_i32 = arith.constant 0 : i32
    %c0_i32_1 = arith.constant 0 : i32
    return %add3A_0, %c0_i32 : i32, i32
  }
  func.func @transform_1(%arg0: i32) -> (i32, i32) {
    %add3A = arith.constant 160 : i32
    %add3A_0 = arith.addi %arg0, %add3A : i32
    %c0_i32 = arith.constant 0 : i32
    %c0_i32_1 = arith.constant 0 : i32
    return %add3A_0, %c0_i32 : i32, i32
  }
  func.func @transform_2(%arg0: i32) -> (i32, i32) {
    %c0_i32 = arith.constant 0 : i32
    %c0_i32_0 = arith.constant 0 : i32
    return %arg0, %c0_i32 : i32, i32
  }
  func.func @transform_3(%arg0: i32) -> (i32, i32) {
    %c0_i32 = arith.constant 0 : i32
    %c0_i32_0 = arith.constant 0 : i32
    %c0_i32_1 = arith.constant 0 : i32
    return %c0_i32, %c0_i32_0 : i32, i32
  }
  func.func @transform_4(%arg0: i32) -> (i32, i32) {
    %c0_i32 = arith.constant 0 : i32
    %c0_i32_0 = arith.constant 0 : i32
    %c0_i32_1 = arith.constant 0 : i32
    return %c0_i32, %c0_i32_0 : i32, i32
  }
  func.func @transform_5(%arg0: i32) -> (i32, i32) {
    %c0_i32 = arith.constant 0 : i32
    %c0_i32_0 = arith.constant 0 : i32
    %c0_i32_1 = arith.constant 0 : i32
    return %c0_i32, %c0_i32_0 : i32, i32
  }
  func.func @transform_6(%arg0: i32) -> (i32, i32) {
    %c0_i32 = arith.constant 0 : i32
    %c0_i32_0 = arith.constant 0 : i32
    %c0_i32_1 = arith.constant 0 : i32
    return %c0_i32, %c0_i32_0 : i32, i32
  }
  func.func @transform_7(%arg0: i32) -> (i32, i32) {
    %c0_i32 = arith.constant 0 : i32
    %c0_i32_0 = arith.constant 0 : i32
    %c0_i32_1 = arith.constant 0 : i32
    return %c0_i32, %c0_i32_0 : i32, i32
  }
  func.func @transform_8(%arg0: i32) -> (i32, i32) {
    %c0_i32 = arith.constant 0 : i32
    %c0_i32_0 = arith.constant 0 : i32
    return %arg0, %c0_i32 : i32, i32
  }
}

module attributes {stable_mosaic.version = 14 : i64} {
  func.func @_node_body(%arg0: i32, %arg1: memref<1024x128xf32, #tpu.memory_space<vmem>>, %arg2: memref<1024x128xf32, #tpu.memory_space<vmem>>, %arg3: memref<1024x128xf32, #tpu.memory_space<vmem>>, %arg4: memref<1024x1xi32, #tpu.memory_space<vmem>>, %arg5: memref<1x1024xi32, #tpu.memory_space<vmem>>, %arg6: memref<8x128xf32, #tpu.memory_space<vmem>>, %arg7: memref<128x128xbf16, #tpu.memory_space<vmem>>, %arg8: memref<128x128xbf16, #tpu.memory_space<vmem>>, %arg9: memref<128x128xbf16, #tpu.memory_space<vmem>>, %arg10: memref<1x128xf32, #tpu.memory_space<vmem>>, %arg11: memref<128x128xbf16, #tpu.memory_space<vmem>>, %arg12: memref<1x128xf32, #tpu.memory_space<vmem>>, %arg13: memref<128x128xbf16, #tpu.memory_space<vmem>>, %arg14: memref<1x128xf32, #tpu.memory_space<vmem>>, %arg15: memref<128x128xbf16, #tpu.memory_space<vmem>>, %arg16: memref<1x128xf32, #tpu.memory_space<vmem>>, %arg17: memref<128x128xbf16, #tpu.memory_space<vmem>>, %arg18: memref<1x128xf32, #tpu.memory_space<vmem>>, %arg19: memref<128x128xbf16, #tpu.memory_space<vmem>>, %arg20: memref<1x128xf32, #tpu.memory_space<vmem>>, %arg21: memref<8x128xf32, #tpu.memory_space<vmem>>) attributes {dimension_semantics = [#tpu.dimension_semantics<arbitrary>], iteration_bounds = array<i64: 10>, scalar_prefetch = 0 : i64, scratch_operands = 0 : i64, tpu.core_type = #tpu.core_type<tc>, window_params = [{transform_indices = @transform_0, window_bounds = array<i64: 1024, 128>}, {transform_indices = @transform_1, window_bounds = array<i64: 1024, 128>}, {transform_indices = @transform_2, window_bounds = array<i64: 1024, 128>}, {transform_indices = @transform_3, window_bounds = array<i64: 1024, 1>}, {transform_indices = @transform_4, window_bounds = array<i64: 1, 1024>}, {pipeline_mode = #tpu.pipeline_mode<synchronous>, transform_indices = @transform_5, window_bounds = array<i64: 8, 128>}, {pipeline_mode = #tpu.pipeline_mode<synchronous>, transform_indices = @transform_6, window_bounds = array<i64: 128, 128>}, {pipeline_mode = #tpu.pipeline_mode<synchronous>, transform_indices = @transform_7, window_bounds = array<i64: 128, 128>}, {pipeline_mode = #tpu.pipeline_mode<synchronous>, transform_indices = @transform_8, window_bounds = array<i64: 128, 128>}, {pipeline_mode = #tpu.pipeline_mode<synchronous>, transform_indices = @transform_9, window_bounds = array<i64: 1, 128>}, {pipeline_mode = #tpu.pipeline_mode<synchronous>, transform_indices = @transform_10, window_bounds = array<i64: 128, 128>}, {pipeline_mode = #tpu.pipeline_mode<synchronous>, transform_indices = @transform_11, window_bounds = array<i64: 1, 128>}, {pipeline_mode = #tpu.pipeline_mode<synchronous>, transform_indices = @transform_12, window_bounds = array<i64: 128, 128>}, {pipeline_mode = #tpu.pipeline_mode<synchronous>, transform_indices = @transform_13, window_bounds = array<i64: 1, 128>}, {pipeline_mode = #tpu.pipeline_mode<synchronous>, transform_indices = @transform_14, window_bounds = array<i64: 128, 128>}, {pipeline_mode = #tpu.pipeline_mode<synchronous>, transform_indices = @transform_15, window_bounds = array<i64: 1, 128>}, {pipeline_mode = #tpu.pipeline_mode<synchronous>, transform_indices = @transform_16, window_bounds = array<i64: 128, 128>}, {pipeline_mode = #tpu.pipeline_mode<synchronous>, transform_indices = @transform_17, window_bounds = array<i64: 1, 128>}, {pipeline_mode = #tpu.pipeline_mode<synchronous>, transform_indices = @transform_18, window_bounds = array<i64: 128, 128>}, {pipeline_mode = #tpu.pipeline_mode<synchronous>, transform_indices = @transform_19, window_bounds = array<i64: 1, 128>}, {pipeline_mode = #tpu.pipeline_mode<synchronous>, transform_indices = @transform_20, window_bounds = array<i64: 8, 128>}]} {
    %get3A = arith.constant 0 : index
    %get3A_0 = arith.constant 0 : index
    %get3A_1 = vector.load %arg3[%get3A, %get3A_0] : memref<1024x128xf32, #tpu.memory_space<vmem>>, vector<1024x1xf32>
    %get3A_2 = arith.constant 0 : index
    %get3A_3 = arith.constant 0 : index
    %get3A_4 = vector.load %arg2[%get3A_2, %get3A_3] : memref<1024x128xf32, #tpu.memory_space<vmem>>, vector<1024x128xf32>
    %max3A = arith.constant 1.000000e+00 : f32
    %max3A_5 = vector.broadcast %max3A : f32 to vector<1024x1xf32>
    %max3A_6 = arith.maximumf %get3A_1, %max3A_5 : vector<1024x1xf32>
    %div3A = vector.broadcast %max3A_6 : vector<1024x1xf32> to vector<1024x128xf32>
    %div3A_7 = arith.divf %get3A_4, %div3A : vector<1024x128xf32>
    %iota3A = tpu.iota {dimensions = array<i32: 1>} : vector<1024x8xi32>
    %get3A_8 = arith.constant 0 : index
    %get3A_9 = arith.constant 0 : index
    %get3A_10 = vector.load %arg4[%get3A_8, %get3A_9] : memref<1024x1xi32, #tpu.memory_space<vmem>>, vector<1024x1xi32>
    %eq3A = vector.broadcast %get3A_10 : vector<1024x1xi32> to vector<1024x8xi32>
    %eq3A_11 = arith.cmpi eq, %iota3A, %eq3A : vector<1024x8xi32>
    %convert_element_type3A = arith.extui %eq3A_11 : vector<1024x8xi1> to vector<1024x8xi32>
    %convert_element_type3A_12 = arith.sitofp %convert_element_type3A : vector<1024x8xi32> to vector<1024x8xf32>
    %convert_element_type3A_13 = arith.truncf %convert_element_type3A_12 : vector<1024x8xf32> to vector<1024x8xbf16>
    %get3A_14 = arith.constant 0 : index
    %get3A_15 = arith.constant 0 : index
    %get3A_16 = vector.load %arg6[%get3A_14, %get3A_15] : memref<8x128xf32, #tpu.memory_space<vmem>>, vector<8x128xf32>
    %get3A_17 = arith.constant 0 : index
    %get3A_18 = arith.constant 0 : index
    %get3A_19 = vector.load %arg9[%get3A_17, %get3A_18] : memref<128x128xbf16, #tpu.memory_space<vmem>>, vector<128x128xbf16>
    %convert_element_type3A_20 = arith.truncf %get3A_16 : vector<8x128xf32> to vector<8x128xbf16>
    %dot_general3A = arith.constant dense<0.000000e+00> : vector<8x128xf32>
    %dot_general3A_21 = tpu.matmul %convert_element_type3A_20, %get3A_19, %dot_general3A {dimension_numbers = #tpu.dot_dimension_numbers<[1], [0], [0], [1], [0, 0, 1, 1], [], []>, transpose_lhs_hint = false} : vector<8x128xbf16>, vector<128x128xbf16>, vector<8x128xf32> -> vector<8x128xf32>
    %get3A_22 = arith.constant 0 : index
    %get3A_23 = arith.constant 0 : index
    %get3A_24 = vector.load %arg1[%get3A_22, %get3A_23] : memref<1024x128xf32, #tpu.memory_space<vmem>>, vector<1024x128xf32>
    %get3A_25 = arith.constant 0 : index
    %get3A_26 = arith.constant 0 : index
    %get3A_27 = vector.load %arg7[%get3A_25, %get3A_26] : memref<128x128xbf16, #tpu.memory_space<vmem>>, vector<128x128xbf16>
    %convert_element_type3A_28 = arith.truncf %get3A_24 : vector<1024x128xf32> to vector<1024x128xbf16>
    %dot_general3A_29 = arith.constant dense<0.000000e+00> : vector<1024x128xf32>
    %dot_general3A_30 = tpu.matmul %convert_element_type3A_28, %get3A_27, %dot_general3A_29 {dimension_numbers = #tpu.dot_dimension_numbers<[1], [0], [0], [1], [0, 0, 1, 1], [], []>, transpose_lhs_hint = false} : vector<1024x128xbf16>, vector<128x128xbf16>, vector<1024x128xf32> -> vector<1024x128xf32>
    %get3A_31 = arith.constant 0 : index
    %get3A_32 = arith.constant 0 : index
    %get3A_33 = vector.load %arg8[%get3A_31, %get3A_32] : memref<128x128xbf16, #tpu.memory_space<vmem>>, vector<128x128xbf16>
    %convert_element_type3A_34 = arith.truncf %div3A_7 : vector<1024x128xf32> to vector<1024x128xbf16>
    %dot_general3A_35 = arith.constant dense<0.000000e+00> : vector<1024x128xf32>
    %dot_general3A_36 = tpu.matmul %convert_element_type3A_34, %get3A_33, %dot_general3A_35 {dimension_numbers = #tpu.dot_dimension_numbers<[1], [0], [0], [1], [0, 0, 1, 1], [], []>, transpose_lhs_hint = false} : vector<1024x128xbf16>, vector<128x128xbf16>, vector<1024x128xf32> -> vector<1024x128xf32>
    %add3A = arith.addf %dot_general3A_30, %dot_general3A_36 : vector<1024x128xf32>
    %convert_element_type3A_37 = arith.truncf %dot_general3A_21 : vector<8x128xf32> to vector<8x128xbf16>
    %dot_general3A_38 = arith.constant dense<0.000000e+00> : vector<1024x128xf32>
    %dot_general3A_39 = tpu.matmul %convert_element_type3A_13, %convert_element_type3A_37, %dot_general3A_38 {dimension_numbers = #tpu.dot_dimension_numbers<[1], [0], [0], [1], [0, 0, 1, 1], [], []>, transpose_lhs_hint = false} : vector<1024x8xbf16>, vector<8x128xbf16>, vector<1024x128xf32> -> vector<1024x128xf32>
    %add3A_40 = arith.addf %add3A, %dot_general3A_39 : vector<1024x128xf32>
    %get3A_41 = arith.constant 0 : index
    %get3A_42 = arith.constant 0 : index
    %get3A_43 = vector.load %arg10[%get3A_41, %get3A_42] : memref<1x128xf32, #tpu.memory_space<vmem>>, vector<1x128xf32>
    %add3A_44 = vector.broadcast %get3A_43 : vector<1x128xf32> to vector<1024x128xf32>
    %add3A_45 = arith.addf %add3A_40, %add3A_44 : vector<1024x128xf32>
    %max3A_46 = arith.constant 0.000000e+00 : f32
    %max3A_47 = vector.broadcast %max3A_46 : f32 to vector<1024x128xf32>
    %max3A_48 = arith.maximumf %add3A_45, %max3A_47 : vector<1024x128xf32>
    %get3A_49 = arith.constant 0 : index
    %get3A_50 = arith.constant 0 : index
    %get3A_51 = vector.load %arg11[%get3A_49, %get3A_50] : memref<128x128xbf16, #tpu.memory_space<vmem>>, vector<128x128xbf16>
    %convert_element_type3A_52 = arith.truncf %max3A_48 : vector<1024x128xf32> to vector<1024x128xbf16>
    %dot_general3A_53 = arith.constant dense<0.000000e+00> : vector<1024x128xf32>
    %dot_general3A_54 = tpu.matmul %convert_element_type3A_52, %get3A_51, %dot_general3A_53 {dimension_numbers = #tpu.dot_dimension_numbers<[1], [0], [0], [1], [0, 0, 1, 1], [], []>, transpose_lhs_hint = false} : vector<1024x128xbf16>, vector<128x128xbf16>, vector<1024x128xf32> -> vector<1024x128xf32>
    %get3A_55 = arith.constant 0 : index
    %get3A_56 = arith.constant 0 : index
    %get3A_57 = vector.load %arg12[%get3A_55, %get3A_56] : memref<1x128xf32, #tpu.memory_space<vmem>>, vector<1x128xf32>
    %add3A_58 = vector.broadcast %get3A_57 : vector<1x128xf32> to vector<1024x128xf32>
    %add3A_59 = arith.addf %dot_general3A_54, %add3A_58 : vector<1024x128xf32>
    %max3A_60 = arith.constant 0.000000e+00 : f32
    %max3A_61 = vector.broadcast %max3A_60 : f32 to vector<1024x128xf32>
    %max3A_62 = arith.maximumf %add3A_59, %max3A_61 : vector<1024x128xf32>
    %get3A_63 = arith.constant 0 : index
    %get3A_64 = arith.constant 0 : index
    %get3A_65 = vector.load %arg13[%get3A_63, %get3A_64] : memref<128x128xbf16, #tpu.memory_space<vmem>>, vector<128x128xbf16>
    %convert_element_type3A_66 = arith.truncf %max3A_62 : vector<1024x128xf32> to vector<1024x128xbf16>
    %dot_general3A_67 = arith.constant dense<0.000000e+00> : vector<1024x128xf32>
    %dot_general3A_68 = tpu.matmul %convert_element_type3A_66, %get3A_65, %dot_general3A_67 {dimension_numbers = #tpu.dot_dimension_numbers<[1], [0], [0], [1], [0, 0, 1, 1], [], []>, transpose_lhs_hint = false} : vector<1024x128xbf16>, vector<128x128xbf16>, vector<1024x128xf32> -> vector<1024x128xf32>
    %get3A_69 = arith.constant 0 : index
    %get3A_70 = arith.constant 0 : index
    %get3A_71 = vector.load %arg14[%get3A_69, %get3A_70] : memref<1x128xf32, #tpu.memory_space<vmem>>, vector<1x128xf32>
    %add3A_72 = vector.broadcast %get3A_71 : vector<1x128xf32> to vector<1024x128xf32>
    %add3A_73 = arith.addf %dot_general3A_68, %add3A_72 : vector<1024x128xf32>
    %get3A_74 = arith.constant 0 : index
    %get3A_75 = arith.constant 0 : index
    %get3A_76 = vector.load %arg15[%get3A_74, %get3A_75] : memref<128x128xbf16, #tpu.memory_space<vmem>>, vector<128x128xbf16>
    %convert_element_type3A_77 = arith.truncf %add3A_73 : vector<1024x128xf32> to vector<1024x128xbf16>
    %dot_general3A_78 = arith.constant dense<0.000000e+00> : vector<1024x128xf32>
    %dot_general3A_79 = tpu.matmul %convert_element_type3A_77, %get3A_76, %dot_general3A_78 {dimension_numbers = #tpu.dot_dimension_numbers<[1], [0], [0], [1], [0, 0, 1, 1], [], []>, transpose_lhs_hint = false} : vector<1024x128xbf16>, vector<128x128xbf16>, vector<1024x128xf32> -> vector<1024x128xf32>
    %get3A_80 = arith.constant 0 : index
    %get3A_81 = arith.constant 0 : index
    %get3A_82 = vector.load %arg16[%get3A_80, %get3A_81] : memref<1x128xf32, #tpu.memory_space<vmem>>, vector<1x128xf32>
    %add3A_83 = vector.broadcast %get3A_82 : vector<1x128xf32> to vector<1024x128xf32>
    %add3A_84 = arith.addf %dot_general3A_79, %add3A_83 : vector<1024x128xf32>
    %max3A_85 = arith.constant 0.000000e+00 : f32
    %max3A_86 = vector.broadcast %max3A_85 : f32 to vector<1024x128xf32>
    %max3A_87 = arith.maximumf %add3A_84, %max3A_86 : vector<1024x128xf32>
    %get3A_88 = arith.constant 0 : index
    %get3A_89 = arith.constant 0 : index
    %get3A_90 = vector.load %arg17[%get3A_88, %get3A_89] : memref<128x128xbf16, #tpu.memory_space<vmem>>, vector<128x128xbf16>
    %convert_element_type3A_91 = arith.truncf %max3A_87 : vector<1024x128xf32> to vector<1024x128xbf16>
    %dot_general3A_92 = arith.constant dense<0.000000e+00> : vector<1024x128xf32>
    %dot_general3A_93 = tpu.matmul %convert_element_type3A_91, %get3A_90, %dot_general3A_92 {dimension_numbers = #tpu.dot_dimension_numbers<[1], [0], [0], [1], [0, 0, 1, 1], [], []>, transpose_lhs_hint = false} : vector<1024x128xbf16>, vector<128x128xbf16>, vector<1024x128xf32> -> vector<1024x128xf32>
    %get3A_94 = arith.constant 0 : index
    %get3A_95 = arith.constant 0 : index
    %get3A_96 = vector.load %arg18[%get3A_94, %get3A_95] : memref<1x128xf32, #tpu.memory_space<vmem>>, vector<1x128xf32>
    %add3A_97 = vector.broadcast %get3A_96 : vector<1x128xf32> to vector<1024x128xf32>
    %add3A_98 = arith.addf %dot_general3A_93, %add3A_97 : vector<1024x128xf32>
    %max3A_99 = arith.constant 0.000000e+00 : f32
    %max3A_100 = vector.broadcast %max3A_99 : f32 to vector<1024x128xf32>
    %max3A_101 = arith.maximumf %add3A_98, %max3A_100 : vector<1024x128xf32>
    %get3A_102 = arith.constant 0 : index
    %get3A_103 = arith.constant 0 : index
    %get3A_104 = vector.load %arg19[%get3A_102, %get3A_103] : memref<128x128xbf16, #tpu.memory_space<vmem>>, vector<128x128xbf16>
    %convert_element_type3A_105 = arith.truncf %max3A_101 : vector<1024x128xf32> to vector<1024x128xbf16>
    %dot_general3A_106 = arith.constant dense<0.000000e+00> : vector<1024x128xf32>
    %dot_general3A_107 = tpu.matmul %convert_element_type3A_105, %get3A_104, %dot_general3A_106 {dimension_numbers = #tpu.dot_dimension_numbers<[1], [0], [0], [1], [0, 0, 1, 1], [], []>, transpose_lhs_hint = false} : vector<1024x128xbf16>, vector<128x128xbf16>, vector<1024x128xf32> -> vector<1024x128xf32>
    %get3A_108 = arith.constant 0 : index
    %get3A_109 = arith.constant 0 : index
    %get3A_110 = vector.load %arg20[%get3A_108, %get3A_109] : memref<1x128xf32, #tpu.memory_space<vmem>>, vector<1x128xf32>
    %add3A_111 = vector.broadcast %get3A_110 : vector<1x128xf32> to vector<1024x128xf32>
    %add3A_112 = arith.addf %dot_general3A_107, %add3A_111 : vector<1024x128xf32>
    %logistic3A = arith.negf %add3A_112 : vector<1024x128xf32>
    %logistic3A_113 = math.exp %logistic3A : vector<1024x128xf32>
    %logistic3A_114 = arith.constant 1.000000e+00 : f32
    %logistic3A_115 = vector.broadcast %logistic3A_114 : f32 to vector<1024x128xf32>
    %logistic3A_116 = arith.addf %logistic3A_115, %logistic3A_113 : vector<1024x128xf32>
    %logistic3A_117 = arith.divf %logistic3A_115, %logistic3A_116 : vector<1024x128xf32>
    %mul3A = arith.mulf %logistic3A_117, %add3A_73 : vector<1024x128xf32>
    %iota3A_118 = tpu.iota {dimensions = array<i32: 0>} : vector<8x1024xi32>
    %get3A_119 = arith.constant 0 : index
    %get3A_120 = arith.constant 0 : index
    %get3A_121 = vector.load %arg5[%get3A_119, %get3A_120] : memref<1x1024xi32, #tpu.memory_space<vmem>>, vector<1x1024xi32>
    %eq3A_122 = vector.broadcast %get3A_121 : vector<1x1024xi32> to vector<8x1024xi32>
    %eq3A_123 = arith.cmpi eq, %iota3A_118, %eq3A_122 : vector<8x1024xi32>
    %convert_element_type3A_124 = arith.extui %eq3A_123 : vector<8x1024xi1> to vector<8x1024xi32>
    %convert_element_type3A_125 = arith.sitofp %convert_element_type3A_124 : vector<8x1024xi32> to vector<8x1024xf32>
    %convert_element_type3A_126 = arith.truncf %convert_element_type3A_125 : vector<8x1024xf32> to vector<8x1024xbf16>
    %convert_element_type3A_127 = arith.truncf %mul3A : vector<1024x128xf32> to vector<1024x128xbf16>
    %dot_general3A_128 = arith.constant dense<0.000000e+00> : vector<8x128xf32>
    %dot_general3A_129 = tpu.matmul %convert_element_type3A_126, %convert_element_type3A_127, %dot_general3A_128 {dimension_numbers = #tpu.dot_dimension_numbers<[1], [0], [0], [1], [0, 0, 1, 1], [], []>, transpose_lhs_hint = false} : vector<8x1024xbf16>, vector<1024x128xbf16>, vector<8x128xf32> -> vector<8x128xf32>
    %eq3A_130 = arith.constant 0 : i32
    %eq3A_131 = arith.cmpi eq, %arg0, %eq3A_130 : i32
    %convert_element_type3A_132 = arith.extui %eq3A_131 : i1 to i32
    %cond3A = arith.constant 0 : i32
    %cond3A_133 = arith.cmpi ne, %convert_element_type3A_132, %cond3A : i32
    scf.if %cond3A_133 {
      %swap3A = arith.constant 0 : index
      %swap3A_138 = arith.constant 0 : index
      %swap3A_139 = vector.load %arg21[%swap3A, %swap3A_138] : memref<8x128xf32, #tpu.memory_space<vmem>>, vector<8x128xf32>
      tpu.vector_store %arg21[%swap3A, %swap3A_138], %dot_general3A_129 {strides = array<i32>} : memref<8x128xf32, #tpu.memory_space<vmem>>, vector<8x128xf32>,
    } else {
    }
    %gt3A = arith.constant 0 : i32
    %gt3A_134 = arith.cmpi sgt, %arg0, %gt3A : i32
    %convert_element_type3A_135 = arith.extui %gt3A_134 : i1 to i32
    %cond3A_136 = arith.constant 0 : i32
    %cond3A_137 = arith.cmpi ne, %convert_element_type3A_135, %cond3A_136 : i32
    scf.if %cond3A_137 {
      %get3A_138 = arith.constant 0 : index
      %get3A_139 = arith.constant 0 : index
      %get3A_140 = vector.load %arg21[%get3A_138, %get3A_139] : memref<8x128xf32, #tpu.memory_space<vmem>>, vector<8x128xf32>
      %add3A_141 = arith.addf %get3A_140, %dot_general3A_129 : vector<8x128xf32>
      %swap3A = arith.constant 0 : index
      %swap3A_142 = arith.constant 0 : index
      %swap3A_143 = vector.load %arg21[%swap3A, %swap3A_142] : memref<8x128xf32, #tpu.memory_space<vmem>>, vector<8x128xf32>
      tpu.vector_store %arg21[%swap3A, %swap3A_142], %add3A_141 {strides = array<i32>} : memref<8x128xf32, #tpu.memory_space<vmem>>, vector<8x128xf32>,
    } else {
    }
    return
  }
  func.func @transform_0(%arg0: i32) -> (i32, i32) {
    %c0_i32 = arith.constant 0 : i32
    %c0_i32_0 = arith.constant 0 : i32
    return %arg0, %c0_i32 : i32, i32
  }
  func.func @transform_1(%arg0: i32) -> (i32, i32) {
    %c0_i32 = arith.constant 0 : i32
    %c0_i32_0 = arith.constant 0 : i32
    return %arg0, %c0_i32 : i32, i32
  }
  func.func @transform_2(%arg0: i32) -> (i32, i32) {
    %c0_i32 = arith.constant 0 : i32
    %c0_i32_0 = arith.constant 0 : i32
    return %arg0, %c0_i32 : i32, i32
  }
  func.func @transform_3(%arg0: i32) -> (i32, i32) {
    %c0_i32 = arith.constant 0 : i32
    %c0_i32_0 = arith.constant 0 : i32
    return %arg0, %c0_i32 : i32, i32
  }
  func.func @transform_4(%arg0: i32) -> (i32, i32) {
    %c0_i32 = arith.constant 0 : i32
    %c0_i32_0 = arith.constant 0 : i32
    return %c0_i32, %arg0 : i32, i32
  }
  func.func @transform_5(%arg0: i32) -> (i32, i32) {
    %c0_i32 = arith.constant 0 : i32
    %c0_i32_0 = arith.constant 0 : i32
    %c0_i32_1 = arith.constant 0 : i32
    return %c0_i32, %c0_i32_0 : i32, i32
  }
  func.func @transform_6(%arg0: i32) -> (i32, i32) {
    %c0_i32 = arith.constant 0 : i32
    %c0_i32_0 = arith.constant 0 : i32
    %c0_i32_1 = arith.constant 0 : i32
    return %c0_i32, %c0_i32_0 : i32, i32
  }
  func.func @transform_7(%arg0: i32) -> (i32, i32) {
    %c0_i32 = arith.constant 0 : i32
    %c0_i32_0 = arith.constant 0 : i32
    %c0_i32_1 = arith.constant 0 : i32
    return %c0_i32, %c0_i32_0 : i32, i32
  }
  func.func @transform_8(%arg0: i32) -> (i32, i32) {
    %c0_i32 = arith.constant 0 : i32
    %c0_i32_0 = arith.constant 0 : i32
    %c0_i32_1 = arith.constant 0 : i32
    return %c0_i32, %c0_i32_0 : i32, i32
  }
  func.func @transform_9(%arg0: i32) -> (i32, i32) {
    %c0_i32 = arith.constant 0 : i32
    %c0_i32_0 = arith.constant 0 : i32
    %c0_i32_1 = arith.constant 0 : i32
    return %c0_i32, %c0_i32_0 : i32, i32
  }
  func.func @transform_10(%arg0: i32) -> (i32, i32) {
    %c0_i32 = arith.constant 0 : i32
    %c0_i32_0 = arith.constant 0 : i32
    %c0_i32_1 = arith.constant 0 : i32
    return %c0_i32, %c0_i32_0 : i32, i32
  }
  func.func @transform_11(%arg0: i32) -> (i32, i32) {
    %c0_i32 = arith.constant 0 : i32
    %c0_i32_0 = arith.constant 0 : i32
    %c0_i32_1 = arith.constant 0 : i32
    return %c0_i32, %c0_i32_0 : i32, i32
  }
  func.func @transform_12(%arg0: i32) -> (i32, i32) {
    %c0_i32 = arith.constant 0 : i32
    %c0_i32_0 = arith.constant 0 : i32
    %c0_i32_1 = arith.constant 0 : i32
    return %c0_i32, %c0_i32_0 : i32, i32
  }
  func.func @transform_13(%arg0: i32) -> (i32, i32) {
    %c0_i32 = arith.constant 0 : i32
    %c0_i32_0 = arith.constant 0 : i32
    %c0_i32_1 = arith.constant 0 : i32
    return %c0_i32, %c0_i32_0 : i32, i32
  }
  func.func @transform_14(%arg0: i32) -> (i32, i32) {
    %c0_i32 = arith.constant 0 : i32
    %c0_i32_0 = arith.constant 0 : i32
    %c0_i32_1 = arith.constant 0 : i32
    return %c0_i32, %c0_i32_0 : i32, i32
  }
  func.func @transform_15(%arg0: i32) -> (i32, i32) {
    %c0_i32 = arith.constant 0 : i32
    %c0_i32_0 = arith.constant 0 : i32
    %c0_i32_1 = arith.constant 0 : i32
    return %c0_i32, %c0_i32_0 : i32, i32
  }
  func.func @transform_16(%arg0: i32) -> (i32, i32) {
    %c0_i32 = arith.constant 0 : i32
    %c0_i32_0 = arith.constant 0 : i32
    %c0_i32_1 = arith.constant 0 : i32
    return %c0_i32, %c0_i32_0 : i32, i32
  }
  func.func @transform_17(%arg0: i32) -> (i32, i32) {
    %c0_i32 = arith.constant 0 : i32
    %c0_i32_0 = arith.constant 0 : i32
    %c0_i32_1 = arith.constant 0 : i32
    return %c0_i32, %c0_i32_0 : i32, i32
  }
  func.func @transform_18(%arg0: i32) -> (i32, i32) {
    %c0_i32 = arith.constant 0 : i32
    %c0_i32_0 = arith.constant 0 : i32
    %c0_i32_1 = arith.constant 0 : i32
    return %c0_i32, %c0_i32_0 : i32, i32
  }
  func.func @transform_19(%arg0: i32) -> (i32, i32) {
    %c0_i32 = arith.constant 0 : i32
    %c0_i32_0 = arith.constant 0 : i32
    %c0_i32_1 = arith.constant 0 : i32
    return %c0_i32, %c0_i32_0 : i32, i32
  }
  func.func @transform_20(%arg0: i32) -> (i32, i32) {
    %c0_i32 = arith.constant 0 : i32
    %c0_i32_0 = arith.constant 0 : i32
    %c0_i32_1 = arith.constant 0 : i32
    return %c0_i32, %c0_i32_0 : i32, i32
  }
}

module attributes {stable_mosaic.version = 14 : i64} {
  func.func @_final_body(%arg0: memref<8x128xf32, #tpu.memory_space<vmem>>, %arg1: memref<8x128xf32, #tpu.memory_space<vmem>>, %arg2: memref<8x128xf32, #tpu.memory_space<vmem>>, %arg3: memref<8x128xf32, #tpu.memory_space<vmem>>, %arg4: memref<128x128xbf16, #tpu.memory_space<vmem>>, %arg5: memref<128x128xbf16, #tpu.memory_space<vmem>>, %arg6: memref<1x128xf32, #tpu.memory_space<vmem>>, %arg7: memref<128x128xbf16, #tpu.memory_space<vmem>>, %arg8: memref<1x128xf32, #tpu.memory_space<vmem>>, %arg9: memref<128x128xbf16, #tpu.memory_space<vmem>>, %arg10: memref<1x128xf32, #tpu.memory_space<vmem>>, %arg11: memref<128x128xbf16, #tpu.memory_space<vmem>>, %arg12: memref<128x128xbf16, #tpu.memory_space<vmem>>, %arg13: memref<1x128xf32, #tpu.memory_space<vmem>>, %arg14: memref<128x128xbf16, #tpu.memory_space<vmem>>, %arg15: memref<1x128xf32, #tpu.memory_space<vmem>>, %arg16: memref<128x128xbf16, #tpu.memory_space<vmem>>, %arg17: memref<1x128xf32, #tpu.memory_space<vmem>>, %arg18: memref<8x128xf32, #tpu.memory_space<vmem>>) attributes {dimension_semantics = [], scalar_prefetch = 0 : i64, scratch_operands = 0 : i64, tpu.core_type = #tpu.core_type<tc>} {
    %get3A = arith.constant 0 : index
    %get3A_0 = arith.constant 0 : index
    %get3A_1 = vector.load %arg0[%get3A, %get3A_0] : memref<8x128xf32, #tpu.memory_space<vmem>>, vector<8x128xf32>
    %get3A_2 = arith.constant 0 : index
    %get3A_3 = arith.constant 0 : index
    %get3A_4 = vector.load %arg1[%get3A_2, %get3A_3] : memref<8x128xf32, #tpu.memory_space<vmem>>, vector<8x128xf32>
    %get3A_5 = arith.constant 0 : index
    %get3A_6 = arith.constant 0 : index
    %get3A_7 = vector.load %arg4[%get3A_5, %get3A_6] : memref<128x128xbf16, #tpu.memory_space<vmem>>, vector<128x128xbf16>
    %convert_element_type3A = arith.truncf %get3A_1 : vector<8x128xf32> to vector<8x128xbf16>
    %dot_general3A = arith.constant dense<0.000000e+00> : vector<8x128xf32>
    %dot_general3A_8 = tpu.matmul %convert_element_type3A, %get3A_7, %dot_general3A {dimension_numbers = #tpu.dot_dimension_numbers<[1], [0], [0], [1], [0, 0, 1, 1], [], []>, transpose_lhs_hint = false} : vector<8x128xbf16>, vector<128x128xbf16>, vector<8x128xf32> -> vector<8x128xf32>
    %get3A_9 = arith.constant 0 : index
    %get3A_10 = arith.constant 0 : index
    %get3A_11 = vector.load %arg5[%get3A_9, %get3A_10] : memref<128x128xbf16, #tpu.memory_space<vmem>>, vector<128x128xbf16>
    %convert_element_type3A_12 = arith.truncf %get3A_4 : vector<8x128xf32> to vector<8x128xbf16>
    %dot_general3A_13 = arith.constant dense<0.000000e+00> : vector<8x128xf32>
    %dot_general3A_14 = tpu.matmul %convert_element_type3A_12, %get3A_11, %dot_general3A_13 {dimension_numbers = #tpu.dot_dimension_numbers<[1], [0], [0], [1], [0, 0, 1, 1], [], []>, transpose_lhs_hint = false} : vector<8x128xbf16>, vector<128x128xbf16>, vector<8x128xf32> -> vector<8x128xf32>
    %add3A = arith.addf %dot_general3A_8, %dot_general3A_14 : vector<8x128xf32>
    %get3A_15 = arith.constant 0 : index
    %get3A_16 = arith.constant 0 : index
    %get3A_17 = vector.load %arg6[%get3A_15, %get3A_16] : memref<1x128xf32, #tpu.memory_space<vmem>>, vector<1x128xf32>
    %add3A_18 = vector.broadcast %get3A_17 : vector<1x128xf32> to vector<8x128xf32>
    %add3A_19 = arith.addf %add3A, %add3A_18 : vector<8x128xf32>
    %max3A = arith.constant 0.000000e+00 : f32
    %max3A_20 = vector.broadcast %max3A : f32 to vector<8x128xf32>
    %max3A_21 = arith.maximumf %add3A_19, %max3A_20 : vector<8x128xf32>
    %get3A_22 = arith.constant 0 : index
    %get3A_23 = arith.constant 0 : index
    %get3A_24 = vector.load %arg7[%get3A_22, %get3A_23] : memref<128x128xbf16, #tpu.memory_space<vmem>>, vector<128x128xbf16>
    %convert_element_type3A_25 = arith.truncf %max3A_21 : vector<8x128xf32> to vector<8x128xbf16>
    %dot_general3A_26 = arith.constant dense<0.000000e+00> : vector<8x128xf32>
    %dot_general3A_27 = tpu.matmul %convert_element_type3A_25, %get3A_24, %dot_general3A_26 {dimension_numbers = #tpu.dot_dimension_numbers<[1], [0], [0], [1], [0, 0, 1, 1], [], []>, transpose_lhs_hint = false} : vector<8x128xbf16>, vector<128x128xbf16>, vector<8x128xf32> -> vector<8x128xf32>
    %get3A_28 = arith.constant 0 : index
    %get3A_29 = arith.constant 0 : index
    %get3A_30 = vector.load %arg8[%get3A_28, %get3A_29] : memref<1x128xf32, #tpu.memory_space<vmem>>, vector<1x128xf32>
    %add3A_31 = vector.broadcast %get3A_30 : vector<1x128xf32> to vector<8x128xf32>
    %add3A_32 = arith.addf %dot_general3A_27, %add3A_31 : vector<8x128xf32>
    %max3A_33 = arith.constant 0.000000e+00 : f32
    %max3A_34 = vector.broadcast %max3A_33 : f32 to vector<8x128xf32>
    %max3A_35 = arith.maximumf %add3A_32, %max3A_34 : vector<8x128xf32>
    %get3A_36 = arith.constant 0 : index
    %get3A_37 = arith.constant 0 : index
    %get3A_38 = vector.load %arg9[%get3A_36, %get3A_37] : memref<128x128xbf16, #tpu.memory_space<vmem>>, vector<128x128xbf16>
    %convert_element_type3A_39 = arith.truncf %max3A_35 : vector<8x128xf32> to vector<8x128xbf16>
    %dot_general3A_40 = arith.constant dense<0.000000e+00> : vector<8x128xf32>
    %dot_general3A_41 = tpu.matmul %convert_element_type3A_39, %get3A_38, %dot_general3A_40 {dimension_numbers = #tpu.dot_dimension_numbers<[1], [0], [0], [1], [0, 0, 1, 1], [], []>, transpose_lhs_hint = false} : vector<8x128xbf16>, vector<128x128xbf16>, vector<8x128xf32> -> vector<8x128xf32>
    %get3A_42 = arith.constant 0 : index
    %get3A_43 = arith.constant 0 : index
    %get3A_44 = vector.load %arg10[%get3A_42, %get3A_43] : memref<1x128xf32, #tpu.memory_space<vmem>>, vector<1x128xf32>
    %add3A_45 = vector.broadcast %get3A_44 : vector<1x128xf32> to vector<8x128xf32>
    %add3A_46 = arith.addf %dot_general3A_41, %add3A_45 : vector<8x128xf32>
    %get3A_47 = arith.constant 0 : index
    %get3A_48 = arith.constant 0 : index
    %get3A_49 = vector.load %arg2[%get3A_47, %get3A_48] : memref<8x128xf32, #tpu.memory_space<vmem>>, vector<8x128xf32>
    %get3A_50 = arith.constant 0 : index
    %get3A_51 = arith.constant 0 : index
    %get3A_52 = vector.load %arg3[%get3A_50, %get3A_51] : memref<8x128xf32, #tpu.memory_space<vmem>>, vector<8x128xf32>
    %get3A_53 = arith.constant 0 : index
    %get3A_54 = arith.constant 0 : index
    %get3A_55 = vector.load %arg4[%get3A_53, %get3A_54] : memref<128x128xbf16, #tpu.memory_space<vmem>>, vector<128x128xbf16>
    %convert_element_type3A_56 = arith.truncf %get3A_49 : vector<8x128xf32> to vector<8x128xbf16>
    %dot_general3A_57 = arith.constant dense<0.000000e+00> : vector<8x128xf32>
    %dot_general3A_58 = tpu.matmul %convert_element_type3A_56, %get3A_55, %dot_general3A_57 {dimension_numbers = #tpu.dot_dimension_numbers<[1], [0], [0], [1], [0, 0, 1, 1], [], []>, transpose_lhs_hint = false} : vector<8x128xbf16>, vector<128x128xbf16>, vector<8x128xf32> -> vector<8x128xf32>
    %get3A_59 = arith.constant 0 : index
    %get3A_60 = arith.constant 0 : index
    %get3A_61 = vector.load %arg5[%get3A_59, %get3A_60] : memref<128x128xbf16, #tpu.memory_space<vmem>>, vector<128x128xbf16>
    %convert_element_type3A_62 = arith.truncf %get3A_52 : vector<8x128xf32> to vector<8x128xbf16>
    %dot_general3A_63 = arith.constant dense<0.000000e+00> : vector<8x128xf32>
    %dot_general3A_64 = tpu.matmul %convert_element_type3A_62, %get3A_61, %dot_general3A_63 {dimension_numbers = #tpu.dot_dimension_numbers<[1], [0], [0], [1], [0, 0, 1, 1], [], []>, transpose_lhs_hint = false} : vector<8x128xbf16>, vector<128x128xbf16>, vector<8x128xf32> -> vector<8x128xf32>
    %add3A_65 = arith.addf %dot_general3A_58, %dot_general3A_64 : vector<8x128xf32>
    %get3A_66 = arith.constant 0 : index
    %get3A_67 = arith.constant 0 : index
    %get3A_68 = vector.load %arg6[%get3A_66, %get3A_67] : memref<1x128xf32, #tpu.memory_space<vmem>>, vector<1x128xf32>
    %add3A_69 = vector.broadcast %get3A_68 : vector<1x128xf32> to vector<8x128xf32>
    %add3A_70 = arith.addf %add3A_65, %add3A_69 : vector<8x128xf32>
    %max3A_71 = arith.constant 0.000000e+00 : f32
    %max3A_72 = vector.broadcast %max3A_71 : f32 to vector<8x128xf32>
    %max3A_73 = arith.maximumf %add3A_70, %max3A_72 : vector<8x128xf32>
    %get3A_74 = arith.constant 0 : index
    %get3A_75 = arith.constant 0 : index
    %get3A_76 = vector.load %arg7[%get3A_74, %get3A_75] : memref<128x128xbf16, #tpu.memory_space<vmem>>, vector<128x128xbf16>
    %convert_element_type3A_77 = arith.truncf %max3A_73 : vector<8x128xf32> to vector<8x128xbf16>
    %dot_general3A_78 = arith.constant dense<0.000000e+00> : vector<8x128xf32>
    %dot_general3A_79 = tpu.matmul %convert_element_type3A_77, %get3A_76, %dot_general3A_78 {dimension_numbers = #tpu.dot_dimension_numbers<[1], [0], [0], [1], [0, 0, 1, 1], [], []>, transpose_lhs_hint = false} : vector<8x128xbf16>, vector<128x128xbf16>, vector<8x128xf32> -> vector<8x128xf32>
    %get3A_80 = arith.constant 0 : index
    %get3A_81 = arith.constant 0 : index
    %get3A_82 = vector.load %arg8[%get3A_80, %get3A_81] : memref<1x128xf32, #tpu.memory_space<vmem>>, vector<1x128xf32>
    %add3A_83 = vector.broadcast %get3A_82 : vector<1x128xf32> to vector<8x128xf32>
    %add3A_84 = arith.addf %dot_general3A_79, %add3A_83 : vector<8x128xf32>
    %max3A_85 = arith.constant 0.000000e+00 : f32
    %max3A_86 = vector.broadcast %max3A_85 : f32 to vector<8x128xf32>
    %max3A_87 = arith.maximumf %add3A_84, %max3A_86 : vector<8x128xf32>
    %get3A_88 = arith.constant 0 : index
    %get3A_89 = arith.constant 0 : index
    %get3A_90 = vector.load %arg9[%get3A_88, %get3A_89] : memref<128x128xbf16, #tpu.memory_space<vmem>>, vector<128x128xbf16>
    %convert_element_type3A_91 = arith.truncf %max3A_87 : vector<8x128xf32> to vector<8x128xbf16>
    %dot_general3A_92 = arith.constant dense<0.000000e+00> : vector<8x128xf32>
    %dot_general3A_93 = tpu.matmul %convert_element_type3A_91, %get3A_90, %dot_general3A_92 {dimension_numbers = #tpu.dot_dimension_numbers<[1], [0], [0], [1], [0, 0, 1, 1], [], []>, transpose_lhs_hint = false} : vector<8x128xbf16>, vector<128x128xbf16>, vector<8x128xf32> -> vector<8x128xf32>
    %get3A_94 = arith.constant 0 : index
    %get3A_95 = arith.constant 0 : index
    %get3A_96 = vector.load %arg10[%get3A_94, %get3A_95] : memref<1x128xf32, #tpu.memory_space<vmem>>, vector<1x128xf32>
    %add3A_97 = vector.broadcast %get3A_96 : vector<1x128xf32> to vector<8x128xf32>
    %add3A_98 = arith.addf %dot_general3A_93, %add3A_97 : vector<8x128xf32>
    %get3A_99 = arith.constant 0 : index
    %get3A_100 = arith.constant 0 : index
    %get3A_101 = vector.load %arg11[%get3A_99, %get3A_100] : memref<128x128xbf16, #tpu.memory_space<vmem>>, vector<128x128xbf16>
    %convert_element_type3A_102 = arith.truncf %add3A_46 : vector<8x128xf32> to vector<8x128xbf16>
    %dot_general3A_103 = arith.constant dense<0.000000e+00> : vector<8x128xf32>
    %dot_general3A_104 = tpu.matmul %convert_element_type3A_102, %get3A_101, %dot_general3A_103 {dimension_numbers = #tpu.dot_dimension_numbers<[1], [0], [0], [1], [0, 0, 1, 1], [], []>, transpose_lhs_hint = false} : vector<8x128xbf16>, vector<128x128xbf16>, vector<8x128xf32> -> vector<8x128xf32>
    %get3A_105 = arith.constant 0 : index
    %get3A_106 = arith.constant 0 : index
    %get3A_107 = vector.load %arg12[%get3A_105, %get3A_106] : memref<128x128xbf16, #tpu.memory_space<vmem>>, vector<128x128xbf16>
    %convert_element_type3A_108 = arith.truncf %add3A_98 : vector<8x128xf32> to vector<8x128xbf16>
    %dot_general3A_109 = arith.constant dense<0.000000e+00> : vector<8x128xf32>
    %dot_general3A_110 = tpu.matmul %convert_element_type3A_108, %get3A_107, %dot_general3A_109 {dimension_numbers = #tpu.dot_dimension_numbers<[1], [0], [0], [1], [0, 0, 1, 1], [], []>, transpose_lhs_hint = false} : vector<8x128xbf16>, vector<128x128xbf16>, vector<8x128xf32> -> vector<8x128xf32>
    %add3A_111 = arith.addf %dot_general3A_104, %dot_general3A_110 : vector<8x128xf32>
    %get3A_112 = arith.constant 0 : index
    %get3A_113 = arith.constant 0 : index
    %get3A_114 = vector.load %arg13[%get3A_112, %get3A_113] : memref<1x128xf32, #tpu.memory_space<vmem>>, vector<1x128xf32>
    %add3A_115 = vector.broadcast %get3A_114 : vector<1x128xf32> to vector<8x128xf32>
    %add3A_116 = arith.addf %add3A_111, %add3A_115 : vector<8x128xf32>
    %max3A_117 = arith.constant 0.000000e+00 : f32
    %max3A_118 = vector.broadcast %max3A_117 : f32 to vector<8x128xf32>
    %max3A_119 = arith.maximumf %add3A_116, %max3A_118 : vector<8x128xf32>
    %get3A_120 = arith.constant 0 : index
    %get3A_121 = arith.constant 0 : index
    %get3A_122 = vector.load %arg14[%get3A_120, %get3A_121] : memref<128x128xbf16, #tpu.memory_space<vmem>>, vector<128x128xbf16>
    %convert_element_type3A_123 = arith.truncf %max3A_119 : vector<8x128xf32> to vector<8x128xbf16>
    %dot_general3A_124 = arith.constant dense<0.000000e+00> : vector<8x128xf32>
    %dot_general3A_125 = tpu.matmul %convert_element_type3A_123, %get3A_122, %dot_general3A_124 {dimension_numbers = #tpu.dot_dimension_numbers<[1], [0], [0], [1], [0, 0, 1, 1], [], []>, transpose_lhs_hint = false} : vector<8x128xbf16>, vector<128x128xbf16>, vector<8x128xf32> -> vector<8x128xf32>
    %get3A_126 = arith.constant 0 : index
    %get3A_127 = arith.constant 0 : index
    %get3A_128 = vector.load %arg15[%get3A_126, %get3A_127] : memref<1x128xf32, #tpu.memory_space<vmem>>, vector<1x128xf32>
    %add3A_129 = vector.broadcast %get3A_128 : vector<1x128xf32> to vector<8x128xf32>
    %add3A_130 = arith.addf %dot_general3A_125, %add3A_129 : vector<8x128xf32>
    %max3A_131 = arith.constant 0.000000e+00 : f32
    %max3A_132 = vector.broadcast %max3A_131 : f32 to vector<8x128xf32>
    %max3A_133 = arith.maximumf %add3A_130, %max3A_132 : vector<8x128xf32>
    %get3A_134 = arith.constant 0 : index
    %get3A_135 = arith.constant 0 : index
    %get3A_136 = vector.load %arg16[%get3A_134, %get3A_135] : memref<128x128xbf16, #tpu.memory_space<vmem>>, vector<128x128xbf16>
    %convert_element_type3A_137 = arith.truncf %max3A_133 : vector<8x128xf32> to vector<8x128xbf16>
    %dot_general3A_138 = arith.constant dense<0.000000e+00> : vector<8x128xf32>
    %dot_general3A_139 = tpu.matmul %convert_element_type3A_137, %get3A_136, %dot_general3A_138 {dimension_numbers = #tpu.dot_dimension_numbers<[1], [0], [0], [1], [0, 0, 1, 1], [], []>, transpose_lhs_hint = false} : vector<8x128xbf16>, vector<128x128xbf16>, vector<8x128xf32> -> vector<8x128xf32>
    %get3A_140 = arith.constant 0 : index
    %get3A_141 = arith.constant 0 : index
    %get3A_142 = vector.load %arg17[%get3A_140, %get3A_141] : memref<1x128xf32, #tpu.memory_space<vmem>>, vector<1x128xf32>
    %add3A_143 = vector.broadcast %get3A_142 : vector<1x128xf32> to vector<8x128xf32>
    %add3A_144 = arith.addf %dot_general3A_139, %add3A_143 : vector<8x128xf32>
    %swap3A = arith.constant 0 : index
    %swap3A_145 = arith.constant 0 : index
    %swap3A_146 = vector.load %arg18[%swap3A, %swap3A_145] : memref<8x128xf32, #tpu.memory_space<vmem>>, vector<8x128xf32>
    tpu.vector_store %arg18[%swap3A, %swap3A_145], %add3A_144 {strides = array<i32>} : memref<8x128xf32, #tpu.memory_space<vmem>>, vector<8x128xf32>,
    return
  }
}

</mosaic_0001>

<sc_bundles>
// kernel: kernel.11.cloned.1.call-start
scs
__scs_entry_jumppad:
0x0: {  	(pc) =	sbr.rel $0x88, $3  }
0x1: {  	(tag) =	ssettag $0x0;
	lr =	simm.s32 $0x1  }
0x2: {  	[smem:$0x3F79] =	sst lr;
	_ =	strace $0xD0000000  }
0x3: {  	_ = 	snop  }
0x4: {  	_ = 	snop  }
0x5: {  	_ = 	snop  }
0x6: {  	_ = 	snop  }
0x7: {  	_ = 	snop  }
__scs_overlays_trampoline_lowered:
0x8: {  	[smem:$0x3F88] =	sst s0  }
0x9: {  	[smem:$0x3F89] =	sst s1  }
0xa: {  	[smem:$0x3F8A] =	sst s2  }
0xb: {  	[smem:$0x3F8B] =	sst s3  }
0xc: {  	[smem:$0x3F8C] =	sst s4  }
0xd: {  	[smem:$0x3F8D] =	sst s5  }
0xe: {  	[smem:$0x3F8E] =	sst s6  }
0xf: {  	[smem:$0x3F8F] =	sst s7  }
0x10: {  	[smem:$0x3F90] =	sst s8  }
0x11: {  	[smem:$0x3F91] =	sst s9;
	s0 =	simm.s32 @!p0 $0x0  }
0x12: {  	s1 =	sld [smem:$0x3F77];
	s0 =	simm.s32 @p0 $0x1  }
0x13: {  	[smem:$0x3F92] =	sst s0;
	s0 =	simm.s32 @!p1 $0x0  }
0x14: {  	s2 =	sld [smem:$0x3F76];
	s0 =	simm.s32 @p1 $0x1  }
0x15: {  	[smem:$0x3F93] =	sst s0;
	s0 =	simm.s32 @!p2 $0x0  }
0x16: {  	s3 =	sld [smem:$0x3FDB];
	s0 =	simm.s32 @p2 $0x1  }
0x17: {  	s4 =	simm.s32 $0x1BF5;
	[smem:$0x3F95] =	sst s0  }
0x18: {  	s0 =	sld [smem:$0x3F78];
	_ =	swait.ge [sflag:s4], $0x0  }
0x19: {  	s7 =	sld [smem:$0x3F79]  }
0x1a: {  	s8 =	sadd.s32 $0xFFFFE003, lr  }
0x1b: {  	s9 =	sadd.s32 $0xFFFFFEF7, lr;
	s5 =	simm.s32 $0xFFFFFFFF;
	p2 =	slt.u32 s8, $0xFFFFF086  }
0x1c: {  	p1 =	slt.u32 s9, $0xF7A;
	s5 =	simm.s32 @!p2 $0x0  }
0x1d: {  	s5 =	simm.s32 @p1 $0x1;
	p0 =	seq.s32 s7, s2  }
0x1e: {  	s7 =	smul.u32 @!p0 $0xF7A, s2;
	p2 =	seq.s32 @!p0 s5, $0x0  }
0x1f: {  	s9 =	smul.u32 $0xF7A, s1;
	s8 =	simm.s32 @!p0 $0x1BF5;
	p2 =	por !p2, p0  }
0x20: {  	[sflag:s8] =	ssyncset.s32 @!p0 $0xFFFFF086;
	s6 =	sadd.s32 @!p0 s3, s7;
	s7 =	simm.s32 @!p0 $0x108  }
0x21: {  	s3 =	sadd.s32 s3, s9;
	s6 =	sadd.s32 @!p0 $0x88, s6;
	s7 =	simm.s32 @p2 $0x1082  }
0x22: {  	[simem:s7], [sflag:s8] =	dma.local @!p0 [hbm:s6], $0xF7A  }
0x23: {  	s9 =	sor.u32 $0xD0000000, s2;
	s6 =	simm.s32 $0x108;
	_ =	swait.ge @!p0 [sflag:s8], $0x0  }
0x24: {  	s3 =	sadd.s32 $0x88, s3;
	s6 =	simm.s32 @!p1 $0x1082;
	[sflag:s4] =	ssyncset.s32 $0xFFFFF086  }
0x25: {  	[simem:s6], [sflag:s4] =	dma.local [hbm:s3], $0xF7A  }
0x26: {  	[smem:$0x3F79] =	sst s1;
	(tag) =	ssettag s2;
	_ =	strace s9  }
0x27: {  	s1 =	sld [smem:$0x3F89]  }
0x28: {  	s2 =	sld [smem:$0x3F8A]  }
0x29: {  	s4 =	sld [smem:$0x3F8C]  }
0x2a: {  	p0 =	seq.s32 s5, $0x0;
	s5 =	sld [smem:$0x3F8D]  }
0x2b: {  	s6 =	sld [smem:$0x3F8E]  }
0x2c: {  	s7 =	sld [smem:$0x3F8F]  }
0x2d: {  	s3 =	simm.s32 $0x108;
	s8 =	sld [smem:$0x3F90]  }
0x2e: {  	s3 =	simm.s32 @!p0 $0x1082;
	s9 =	sld [smem:$0x3F91]  }
0x2f: {  	lr =	sadd.s32 s0, s3;
	s0 =	sld [smem:$0x3F88]  }
0x30: {  	s3 =	sld [smem:$0x3F8B]  }
0x31: {  	[smem:$0x3F94] =	sst s10  }
0x32: {  	s10 =	sld [smem:$0x3F92];
	_ =	sdelay $0x3  }
0x33: {  	p0 =	seq.s32 s10, $0x1;
	s10 =	sld [smem:$0x3F94];
	_ =	sdelay $0x3  }
0x34: {  	[smem:$0x3F94] =	sst s10  }
0x35: {  	s10 =	sld [smem:$0x3F93];
	_ =	sdelay $0x3  }
0x36: {  	p1 =	seq.s32 s10, $0x1;
	s10 =	sld [smem:$0x3F94];
	_ =	sdelay $0x3  }
0x37: {  	[smem:$0x3F94] =	sst s10  }
0x38: {  	s10 =	sld [smem:$0x3F95]  }
0x39: {  	_ = 	snop;
	(pc) =	sbr.ind lr, $3  }
0x3a: {  	_ = 	snop  }
0x3b: {  	_ = 	snop  }
0x3c: {  	p2 =	seq.s32 s10, $0x1;
	s10 =	sld [smem:$0x3F94]  }
0x3d: {  	_ =	shalt  }
0x3e: {  	_ =	shalt  }
0x3f: {  	_ =	shalt  }
0x40: {  	_ =	shalt  }
0x41: {  	_ =	shalt  }
0x42: {  	_ =	shalt  }
0x43: {  	_ =	shalt  }
0x44: {  	_ =	shalt  }
0x45: {  	_ =	shalt  }
0x46: {  	_ =	shalt  }
0x47: {  	_ =	shalt  }
0x48: {  	_ =	shalt  }
0x49: {  	_ =	shalt  }
0x4a: {  	_ =	shalt  }
0x4b: {  	_ =	shalt  }
0x4c: {  	_ =	shalt  }
0x4d: {  	_ =	shalt  }
0x4e: {  	_ =	shalt  }
0x4f: {  	_ =	shalt  }
0x50: {  	_ =	shalt  }
0x51: {  	_ =	shalt  }
0x52: {  	_ =	shalt  }
0x53: {  	_ =	shalt  }
0x54: {  	_ =	shalt  }
0x55: {  	_ =	shalt  }
0x56: {  	_ =	shalt  }
0x57: {  	_ =	shalt  }
0x58: {  	_ =	shalt  }
0x59: {  	_ =	shalt  }
0x5a: {  	_ =	shalt  }
0x5b: {  	_ =	shalt  }
0x5c: {  	_ =	shalt  }
0x5d: {  	_ =	shalt  }
0x5e: {  	_ =	shalt  }
0x5f: {  	_ =	shalt  }
0x60: {  	_ =	shalt  }
0x61: {  	_ =	shalt  }
0x62: {  	_ =	shalt  }
0x63: {  	_ =	shalt  }
0x64: {  	_ =	shalt  }
0x65: {  	_ =	shalt  }
0x66: {  	_ =	shalt  }
0x67: {  	_ =	shalt  }
0x68: {  	_ =	shalt  }
0x69: {  	_ =	shalt  }
0x6a: {  	_ =	shalt  }
0x6b: {  	_ =	shalt  }
0x6c: {  	_ =	shalt  }
0x6d: {  	_ =	shalt  }
0x6e: {  	_ =	shalt  }
0x6f: {  	_ =	shalt  }
0x70: {  	_ =	shalt  }
0x71: {  	_ =	shalt  }
0x72: {  	_ =	shalt  }
0x73: {  	_ =	shalt  }
0x74: {  	_ =	shalt  }
0x75: {  	_ =	shalt  }
0x76: {  	_ =	shalt  }
0x77: {  	_ =	shalt  }
0x78: {  	_ =	shalt  }
0x79: {  	_ =	shalt  }
0x7a: {  	_ =	shalt  }
0x7b: {  	_ =	shalt  }
0x7c: {  	_ =	shalt  }
0x7d: {  	_ =	shalt  }
0x7e: {  	_ =	shalt  }
0x7f: {  	_ =	shalt  }
0x80: {  	_ =	shalt  }
0x81: {  	_ =	shalt  }
0x82: {  	_ =	shalt  }
0x83: {  	_ =	shalt  }
0x84: {  	_ =	shalt  }
0x85: {  	_ =	shalt  }
0x86: {  	_ =	shalt  }
0x87: {  	_ =	shalt  }
.Lfunc_end0:
.L_simem_size_0:
called_computation_lowered:
.L_overlay_start_0:
0x88: {  	s2 =	sld [smem:$0x3FD9]  }
0x89: {  	s3 =	sld [smem:$0x3FFE];
	_ =	sdelay $0x1  }
0x8a: {  	s1 =	srdreg.scid  }
0x8b: {  	s0 =	sand.u32 $0x1, s1  }
0x8c: {  	s16 =	sshll.u32 s0, $0xA;
	s2 =	sadd.s32 s3, s2  }
0x8d: {  	s2 =	sadd.s32 s2, s16  }
0x8e: {  	[smem:$0x3FA0] =	sst s2  }
0x8f: {  	_ = 	snop  }
0x90: {  	(tm) =	ssettm $0x1  }
0x91: {  	s17 =	sld [smem:$0x3FFB];
	_ =	sdelay $0x3  }
0x92: {  	_ =	strace s17  }
0x93: {  	s2 =	sld [smem:$0x3FFC];
	_ =	sdelay $0x3  }
0x94: {  	_ =	strace s2  }
0x95: {  	s2 =	sld [smem:$0x3FFD];
	_ =	sdelay $0x3  }
0x96: {  	_ =	strace s2  }
0x97: {  	_ =	strace $0x8FFFFFFF  }
0x98: {  	s18 =	sld [smem:$0x3FDB];
	_ =	sdelay $0x1  }
0x99: {  	s19 =	simm.s32 $_scs_section_size  }
0x9a: {  	s4 =	simm.s32 $_size__tile_overlayer_lowered;
	s5 =	simm.s32 $_tile_overlayer_lowered  }
0x9b: {  	s22 =	simm.s32 $0x1BFF;
	s21 =	sshll.u32 s5, $0x1;
	s2 =	sadd.s32 s19, s18  }
0x9c: {  	s6 =	simm.s32 $0x0;
	s20 =	sshll.u32 s4, $0x1;
	s4 =	sadd.s32 s21, s2  }
0x9d: {  	[timem:s6], [sflag:s22] =	dma.local [hbm:s4], s20  }
0x9e: {  	_ =	swait.ge [sflag:s22], s20  }
0x9f: {  	s3 =	ssub.s32 $0x0, s20;
	[sflag:s22] =	ssyncset.done $0x0  }
0xa0: {  	[sflag:s22] =	ssyncadd.s32 s3;
	_ =	sdelay $0x1  }
0xa1: {  	s23 =	simm.s32 $0x1B8B  }
0xa2: {  	_ =	swait.ge [sflag:s23], $0x1  }
0xa3: {  	[sflag:s23] =	ssyncset.done $0x0  }
0xa4: {  	s25 =	simm.s32 $0x1B8E;
	s24 =	sld [smem:$0x3FFE];
	[sflag:s23] =	ssyncadd.s32 $0xFFFFFFFF  }
0xa5: {  	s26 =	simm.s32 $execute0_lowered;
	[smem:$0x3FD2] =	sst s25  }
0xa6: {  	s4 =	sshll.u32 s26, $0x1;
	_ =	strace $0x80000046;
	[dreg:$0x1] =	wrdreg $0xFFFFFFFF  }
0xa7: {  	s28 =	simm.s32 $_size_execute0_lowered;
	s2 =	sadd.s32 s2, s4;
	[dreg:$0x0] =	wrdreg $0x0  }
0xa8: {  	s4 =	sshll.u32 s28, $0x1;
	[dreg:$0x2] =	wrdreg s2  }
0xa9: {  	[dreg:$0x3] =	wrdreg s4  }
0xaa: {  	[dreg:$0x4] =	wrdreg $0xC0  }
0xab: {  	_ =	task [dreg:s6], $0x5FFFF  }
0xac: {  	[dreg:$0x1] =	wrdreg $0xFFFFFFFF  }
0xad: {  	[dreg:$0x0] =	wrdreg $0x60  }
0xae: {  	[dreg:$0x2] =	wrdreg s24  }
0xaf: {  	[dreg:$0x3] =	wrdreg $0x9  }
0xb0: {  	_ =	task.clear_ibuf [dreg:s6], $0x4FFFF;
	_ =	strace $0x90000046  }
0xb1: {  	s29 =	simm.s32 $0x9;
	_ =	strace $0x80000053  }
0xb2: {  	_ =	swait.ge [sflag:s29], $0x1  }
0xb3: {  	[sflag:s29] =	ssyncadd.s32 $0xFFFFFFFF  }
0xb4: {  	_ =	strace $0x90000053  }
0xb5: {  	_ =	sfence  }
0xb6: {  	s30 =	sld [smem:$0x0];
	_ =	sdelay $0x2  }
0xb7: {  	s31 =	sshll.u32 s1, $0xD;
	s1 =	sshrl.u32 s1, $0x2  }
0xb8: {  	s3 =	sand.u32 $0x4000, s31;
	s1 =	sadd.s32 s1, s30  }
0xb9: {  	s0 =	sor.u32 s3, s0;
	s1 =	sshll.u32 s1, $0x11  }
0xba: {  	s0 =	sor.u32 s1, s0  }
0xbb: {  	s0 =	sadd.s32 $0x8F2B, s0  }
0xbc: {  	[sflag:s0] =	ssyncadd.remote.s32 $0x1  }
0xbd: {  	_ =	sfence.sel $0xFFFF  }
0xbe: {  	[dreg:$0x0] =	wrdreg $0xFFFFFFFF;
	(pc) =	sbr.abs _section_cstart, $3  }
0xbf: {  	[dreg:$0x1] =	wrdreg $0xFFFFFFFF  }
0xc0: {  	_ =	task.clear_ibuf [dreg:s6], $0x2FFFF;
	_ =	strace $0x9FFFFFFF  }
0xc1: {  	(tm) =	ssettm $0x7FFFFFFF  }
tec
execute0_lowered:
.L_overlay_start_1:
0x0: {  	(tag) =	ssettag $0x1  }
0x1: {  	s0 =	rddreg [dreg:$0x0]  }
0x2: {  	s1 =	simm.s32 $0x0;
	s2 =	srdreg.scid;
	s7 =	stileid.u32  }
0x3: {  	s14 =	simm.s32 $0x80;
	s15 =	simm.s32 $0x1;
	s16 =	simm.s32 $0x2  }
0x4: {  	s17 =	simm.s32 $0x0;
	[smem:$0x7FF] =	sst s1;
	s2 =	sand.u32 $0x1, s2  }
0x5: {  	s3 =	sadd.s32 $0x138800, s0;
	s4 =	sadd.s32 $0x188800, s0;
	s6 =	sshll.u32 s2, $0x4  }
0x6: {  	s5 =	sadd.s32 $0xC0800, s0;
	s8 =	sadd.s32 $0xBD8800, s0;
	s9 =	sor.u32 s7, s6  }
0x7: {  	_ =	strace $0x80000047;
	s2 =	ssub.s32 $0x2, s2;
	s11 =	smul.u32 $0xA00, s9  }
0x8: {  	s6 =	sadd.s32 $0xD4800, s0;
	s10 =	sshrl.u32 s2, $0x1;
	s7 =	sadd.s32 $0x1D8800, s0  }
0x9: {  	s30 =	ssub.s32 s2, s10;
	s9 =	smul.u32 $0xA0, s9;
	s31 =	sadd.s32 s5, s11  }
0xa: {  	s12 =	smax.u32 s30, $0x1;
	s11 =	sadd.s32 s6, s11;
	[dreg:$0x2] =	wrdreg s31  }
.LBB2_1:
0xb: {  	_ =	strace $0x80000048;
	s31 =	simm.s32 $0x100  }
0xc: {  	s19 =	simm.s32 $0xA0;
	s29 =	simm.s32 $0x0;
	s18 =	simm.s32 $0x0  }
0xd: {  	s20 =	simm.s32 $0x0;
	s25 =	simm.s32 $0x0;
	s0 =	rddreg [dreg:$0x2]  }
0xe: {  	[tilespmem:s1], [sflag:$0x3] =	stream.linear.gather [hbm4b:s0+s1], $0x80, $0x200038;
	[tilespmem:$0x10200] =	vst v63  }
0xf: {  	s21 =	simm.s32 $0x0;
	s22 =	simm.s32 $0x0;
	s23 =	simm.s32 $0x1  }
0x10: {  	[tilespmem:s31], [sflag:$0x5] =	stream.linear.gather [hbm4b:s11+s1], $0x80, $0x200038;
	[tilespmem:$0x10200] =	vst v63  }
0x11: {  	s24 =	simm.s32 $0x0;
	s28 =	simm.s32 $0x1;
	_ =	strace $0x90000048  }
.LBB2_2:
0x12: {  	s26 =	sadd.s32 $0x1, s29  }
0x13: {  	p0 =	seq.s32 s26, $0xA0  }
0x14: {  	s26 =	simm.s32 @p0 $0x0;
	p0 =	seq.s32 s19, $0x1  }
0x15: {  	p1 =	seq.s32 @!p0 s29, s26  }
0x16: {  	p2 =	por p1, p0  }
0x17: {  	s0 =	sadd.s32 @!p2 s9, s26  }
0x18: {  	s2 =	sand.u32 @!p2 $0x1, s28;
	s0 =	sshll.u32 @!p2 s0, $0x4  }
0x19: {  	_ =	strace @!p2 $0x80000049;
	s31 =	simm.s32 @!p2 $0x0;
	s0 =	sand.u32 @!p2 $0x1FFFFFF0, s0  }
0x1a: {  	s13 =	sshll.u32 @!p2 s2, $0x7;
	s2 =	sadd.s32 @!p2 $0x3, s2;
	s30 =	sadd.s32 @!p2 s5, s0  }
0x1b: {  	[tilespmem:s13], [sflag:s2] =	stream.linear.gather @!p2 [hbm4b:s30+s31], $0x80, $0x200038;
	[tilespmem:$0x10200] =	vst v63  }
0x1c: {  	s2 =	sand.u32 @!p2 $0x1, s23  }
0x1d: {  	s0 =	sadd.s32 @!p2 s6, s0;
	_ =	strace @!p2 $0x90000049;
	s13 =	sshll.u32 @!p2 s2, $0x7  }
0x1e: {  	s2 =	sadd.s32 @!p2 $0x5, s2;
	_ =	strace @!p2 $0x8000004A;
	s13 =	sor.u32 @!p2 $0x100, s13  }
0x1f: {  	[tilespmem:s13], [sflag:s2] =	stream.linear.gather @!p2 [hbm4b:s0+s31], $0x80, $0x200038;
	[tilespmem:$0x10200] =	vst v63  }
0x20: {  	s30 =	sand.u32 $0x1, s24;
	_ =	strace @!p2 $0x9000004A  }
0x21: {  	s0 =	sadd.s32 $0x3, s30;
	_ =	strace $0x8000004B  }
0x22: {  	_ =	swait.ge [sflag:s0], $0x80  }
0x23: {  	[sflag:s0] =	ssyncset.done $0x0  }
0x24: {  	[sflag:s0] =	ssyncadd.s32 $0xFFFFFF80  }
0x25: {  	s31 =	sand.u32 $0x1, s22;
	_ =	strace $0x9000004B  }
0x26: {  	s0 =	sadd.s32 $0x5, s31;
	_ =	strace $0x8000004C  }
0x27: {  	_ =	swait.ge [sflag:s0], $0x80  }
0x28: {  	s10 =	sshll.u32 s24, $0x7;
	[sflag:s0] =	ssyncset.done $0x0  }
0x29: {  	s30 =	sand.u32 $0x80, s10;
	s31 =	sand.u32 $0x1, s21;
	[sflag:s0] =	ssyncadd.s32 $0xFFFFFF80  }
0x2a: {  	s10 =	sshll.u32 s22, $0x7;
	s2 =	sshll.u32 s31, $0xE;
	_ =	strace $0x9000004C  }
0x2b: {  	s2 =	sor.u32 $0x200, s2;
	s0 =	sand.u32 $0x1, s20;
	_ =	strace $0x8000004D  }
0x2c: {  	[tilespmem:s2], [sflag:$0x1] =	stream.indirect.gather [hbm4b:s3+s14], $0x80, s30, s14, $0x2000b8;
	[tilespmem:$0x10200] =	vst v63  }
0x2d: {  	s10 =	sand.u32 $0x80, s10;
	s30 =	sshll.u32 s0, $0xE  }
0x2e: {  	s10 =	sor.u32 $0x100, s10;
	s13 =	sor.u32 $0x8200, s30  }
0x2f: {  	[tilespmem:s13], [sflag:$0x2] =	stream.indirect.gather [hbm4b:s4+s14], $0x80, s10, s14, $0x2000b8;
	[tilespmem:$0x10200] =	vst v63  }
0x30: {  	_ =	swait.ge [sflag:s15], $0x4000  }
0x31: {  	[sflag:s15] =	ssyncset.done $0x0  }
0x32: {  	[sflag:s15] =	ssyncadd.s32 $0xFFFFC000  }
0x33: {  	p3 =	por p0, !p1;
	_ =	swait.ge [sflag:s16], $0x4000  }
0x34: {  	s10 =	sadd.s32 @p3 s9, s29;
	[sflag:s16] =	ssyncset.done $0x0  }
0x35: {  	s10 =	sshll.u32 @p3 s10, $0xB;
	[sflag:s16] =	ssyncadd.s32 $0xFFFFC000  }
0x36: {  	s30 =	simm.s32 $0x0;
	s10 =	sand.u32 @p3 $0x1FFFF800, s10;
	_ =	strace $0x9000004D  }
0x37: {  	s29 =	sadd.s32 @p3 $0x7, s31;
	s30 =	sadd.s32 @p3 s7, s10;
	_ =	strace @p3 $0x8000004E  }
0x38: {  	[hbm4b:s30+s1] =	stream.linear.scatter @p3 [tilespmem:s2], [sflag:s29], $0x4000, $0x200038;
	[tilespmem:$0x10200] =	vst v63  }
0x39: {  	p1 =	por !p1, p0;
	s21 =	sadd.s32 @p3 $0x1, s21;
	_ =	strace @p3 $0x9000004E  }
0x3a: {  	s0 =	sadd.s32 @p3 $0x9, s0;
	s2 =	sadd.s32 @p3 s8, s10;
	_ =	strace @p3 $0x8000004F  }
0x3b: {  	[hbm4b:s2+s1] =	stream.linear.scatter @p3 [tilespmem:s13], [sflag:s0], $0x4000, $0x200038;
	[tilespmem:$0x10200] =	vst v63  }
0x3c: {  	s30 =	simm.s32 @p3 $0x1;
	_ =	strace @p3 $0x9000004F;
	p3 =	seq.s32 s19, $0xA0  }
0x3d: {  	s29 =	smov.u32 s26;
	s20 =	sadd.s32 s20, s30;
	s0 =	sand.u32 @!p3 $0x1, s25  }
0x3e: {  	s24 =	sadd.s32 s24, s30;
	_ =	strace @!p3 $0x80000050;
	s0 =	sadd.s32 @!p3 $0x7, s0  }
0x3f: {  	s2 =	sadd.s32 @!p2 $0x1, s28;
	s13 =	smov.u32 s28;
	_ =	swait.ge @!p3 [sflag:s0], $0x4000  }
0x40: {  	s13 =	smov.u32 @p1 s2;
	s19 =	sadd.s32 $0xFFFFFFFF, s19;
	[sflag:s0] =	ssyncset.done @!p3 $0x0  }
0x41: {  	s10 =	sand.u32 @!p3 $0x1, s18;
	[sflag:s0] =	ssyncadd.s32 @!p3 $0xFFFFC000;
	s0 =	simm.s32 $0x0  }
0x42: {  	s13 =	smov.u32 @p0 s28;
	s2 =	simm.s32 @!p3 $0x1;
	s0 =	simm.s32 @p1 $0x1  }
0x43: {  	_ =	strace @!p3 $0x90000050;
	s0 =	simm.s32 @p0 $0x0;
	p0 =	sne.s32 s19, $0x0  }
.Ltmp0:
0x44: {  	s10 =	sadd.s32 @!p3 $0x9, s10;
	_ =	strace @!p3 $0x80000051;
	(pc) =	sbr.rel @p0 .LBB2_2-.Ltmp0, $4  }
0x45: {  	s22 =	sadd.s32 s22, s30;
	s2 =	simm.s32 @p3 $0x0;
	_ =	swait.ge @!p3 [sflag:s10], $0x4000  }
0x46: {  	s23 =	sadd.s32 s23, s0;
	s0 =	sadd.s32 @!p3 $0x1, s25;
	[sflag:s10] =	ssyncset.done @!p3 $0x0  }
0x47: {  	s28 =	smov.u32 s13;
	s0 =	smov.u32 @p3 s25;
	[sflag:s10] =	ssyncadd.s32 @!p3 $0xFFFFC000  }
0x48: {  	s18 =	sadd.s32 s18, s2;
	s25 =	smov.u32 s0;
	_ =	strace @!p3 $0x90000051  }
0x49: {  	s0 =	sand.u32 $0x1, s0  }
0x4a: {  	_ =	strace $0x80000052;
	s0 =	sadd.s32 $0x7, s0  }
0x4b: {  	s17 =	sadd.s32 $0x1, s17;
	_ =	swait.ge [sflag:s0], $0x4000  }
0x4c: {  	s2 =	sand.u32 $0x1, s18;
	p0 =	sne.s32 s17, s12;
	[sflag:s0] =	ssyncset.done $0x0  }
.Ltmp1:
0x4d: {  	s31 =	sadd.s32 $0x9, s2;
	[sflag:s0] =	ssyncadd.s32 $0xFFFFC000;
	(pc) =	sbr.rel @p0 .LBB2_1-.Ltmp1, $4  }
0x4e: {  	_ =	swait.ge [sflag:s31], $0x4000  }
0x4f: {  	[sflag:s31] =	ssyncset.done $0x0  }
0x50: {  	[sflag:s31] =	ssyncadd.s32 $0xFFFFC000  }
0x51: {  	_ =	strace $0x90000052  }
0x52: {  	_ =	sfence.sel $0x180000  }
0x53: {  	[bflag:$0x0] =	sbarrier.arrive $0xFFFF  }
0x54: {  	_ =	strace $0x90000047  }
0x55: {  	s0 =	stileid.u32;
	[bflag:$0x2] =	sbarrier.arrive $0xFFFF  }
0x56: {  	p0 =	sne.s32 s0, $0x0;
	s0 =	rddreg [dreg:$0x1]  }
0x57: {  	s0 =	sadd.s32 @!p0 $0x100000, s0  }
0x58: {  	[sflag:s0] =	ssyncadd.tile.s32 @!p0 $0x1;
	_ =	shalt  }
.Lfunc_end2:
_tile_overlayer_lowered:
.L_overlay_start_2:
0x59: {  	(tag) =	ssettag $0x2  }
0x5a: {  	s0 =	rddreg [dreg:$0x0];
	s2 =	stileid.u32  }
0x5b: {  	s1 =	rddreg [dreg:$0x1];
	p0 =	sne.s32 s2, $0x0  }
0x5c: {  	s3 =	rddreg [dreg:$0x2];
	[bflag:$0x3] =	sbarrier.arrive $0xFFFF;
	s2 =	simm.s32 @!p0 $0x1C03  }
0x5d: {  	[timem:s3], [sflag:s2] =	dma.local @!p0 [hbm:s0], s1  }
0x5e: {  	s0 =	simm.s32 @!p0 $0x3  }
0x5f: {  	_ =	swait.ge @!p0 [sflag:s0], s1  }
0x60: {  	s1 =	ssub.s32 @!p0 $0x0, s1;
	[sflag:s0] =	ssyncset.done @!p0 $0x0  }
0x61: {  	[sflag:s0] =	ssyncadd.s32 @!p0 s1  }
0x62: {  	[bflag:$0x3] =	sbarrier.arrive $0xFFFF  }
0x63: {  	_ =	shalt  }

// kernel: kernel.14.cloned.1.call-start
scs
__scs_entry_jumppad:
0x0: {  	(pc) =	sbr.rel $0x88, $3  }
0x1: {  	(tag) =	ssettag $0x0;
	lr =	simm.s32 $0x1  }
0x2: {  	[smem:$0x3F79] =	sst lr;
	_ =	strace $0xD0000000  }
0x3: {  	_ = 	snop  }
0x4: {  	_ = 	snop  }
0x5: {  	_ = 	snop  }
0x6: {  	_ = 	snop  }
0x7: {  	_ = 	snop  }
__scs_overlays_trampoline_lowered:
0x8: {  	[smem:$0x3F88] =	sst s0  }
0x9: {  	[smem:$0x3F89] =	sst s1  }
0xa: {  	[smem:$0x3F8A] =	sst s2  }
0xb: {  	[smem:$0x3F8B] =	sst s3  }
0xc: {  	[smem:$0x3F8C] =	sst s4  }
0xd: {  	[smem:$0x3F8D] =	sst s5  }
0xe: {  	[smem:$0x3F8E] =	sst s6  }
0xf: {  	[smem:$0x3F8F] =	sst s7  }
0x10: {  	[smem:$0x3F90] =	sst s8  }
0x11: {  	[smem:$0x3F91] =	sst s9;
	s0 =	simm.s32 @!p0 $0x0  }
0x12: {  	s1 =	sld [smem:$0x3F77];
	s0 =	simm.s32 @p0 $0x1  }
0x13: {  	[smem:$0x3F92] =	sst s0;
	s0 =	simm.s32 @!p1 $0x0  }
0x14: {  	s2 =	sld [smem:$0x3F76];
	s0 =	simm.s32 @p1 $0x1  }
0x15: {  	[smem:$0x3F93] =	sst s0;
	s0 =	simm.s32 @!p2 $0x0  }
0x16: {  	s3 =	sld [smem:$0x3FDB];
	s0 =	simm.s32 @p2 $0x1  }
0x17: {  	s4 =	simm.s32 $0x1BF5;
	[smem:$0x3F95] =	sst s0  }
0x18: {  	s0 =	sld [smem:$0x3F78];
	_ =	swait.ge [sflag:s4], $0x0  }
0x19: {  	s7 =	sld [smem:$0x3F79]  }
0x1a: {  	s8 =	sadd.s32 $0xFFFFE003, lr  }
0x1b: {  	s9 =	sadd.s32 $0xFFFFFEF7, lr;
	s5 =	simm.s32 $0xFFFFFFFF;
	p2 =	slt.u32 s8, $0xFFFFF086  }
0x1c: {  	p1 =	slt.u32 s9, $0xF7A;
	s5 =	simm.s32 @!p2 $0x0  }
0x1d: {  	s5 =	simm.s32 @p1 $0x1;
	p0 =	seq.s32 s7, s2  }
0x1e: {  	s7 =	smul.u32 @!p0 $0xF7A, s2;
	p2 =	seq.s32 @!p0 s5, $0x0  }
0x1f: {  	s9 =	smul.u32 $0xF7A, s1;
	s8 =	simm.s32 @!p0 $0x1BF5;
	p2 =	por !p2, p0  }
0x20: {  	[sflag:s8] =	ssyncset.s32 @!p0 $0xFFFFF086;
	s6 =	sadd.s32 @!p0 s3, s7;
	s7 =	simm.s32 @!p0 $0x108  }
0x21: {  	s3 =	sadd.s32 s3, s9;
	s6 =	sadd.s32 @!p0 $0x88, s6;
	s7 =	simm.s32 @p2 $0x1082  }
0x22: {  	[simem:s7], [sflag:s8] =	dma.local @!p0 [hbm:s6], $0xF7A  }
0x23: {  	s9 =	sor.u32 $0xD0000000, s2;
	s6 =	simm.s32 $0x108;
	_ =	swait.ge @!p0 [sflag:s8], $0x0  }
0x24: {  	s3 =	sadd.s32 $0x88, s3;
	s6 =	simm.s32 @!p1 $0x1082;
	[sflag:s4] =	ssyncset.s32 $0xFFFFF086  }
0x25: {  	[simem:s6], [sflag:s4] =	dma.local [hbm:s3], $0xF7A  }
0x26: {  	[smem:$0x3F79] =	sst s1;
	(tag) =	ssettag s2;
	_ =	strace s9  }
0x27: {  	s1 =	sld [smem:$0x3F89]  }
0x28: {  	s2 =	sld [smem:$0x3F8A]  }
0x29: {  	s4 =	sld [smem:$0x3F8C]  }
0x2a: {  	p0 =	seq.s32 s5, $0x0;
	s5 =	sld [smem:$0x3F8D]  }
0x2b: {  	s6 =	sld [smem:$0x3F8E]  }
0x2c: {  	s7 =	sld [smem:$0x3F8F]  }
0x2d: {  	s3 =	simm.s32 $0x108;
	s8 =	sld [smem:$0x3F90]  }
0x2e: {  	s3 =	simm.s32 @!p0 $0x1082;
	s9 =	sld [smem:$0x3F91]  }
0x2f: {  	lr =	sadd.s32 s0, s3;
	s0 =	sld [smem:$0x3F88]  }
0x30: {  	s3 =	sld [smem:$0x3F8B]  }
0x31: {  	[smem:$0x3F94] =	sst s10  }
0x32: {  	s10 =	sld [smem:$0x3F92];
	_ =	sdelay $0x3  }
0x33: {  	p0 =	seq.s32 s10, $0x1;
	s10 =	sld [smem:$0x3F94];
	_ =	sdelay $0x3  }
0x34: {  	[smem:$0x3F94] =	sst s10  }
0x35: {  	s10 =	sld [smem:$0x3F93];
	_ =	sdelay $0x3  }
0x36: {  	p1 =	seq.s32 s10, $0x1;
	s10 =	sld [smem:$0x3F94];
	_ =	sdelay $0x3  }
0x37: {  	[smem:$0x3F94] =	sst s10  }
0x38: {  	s10 =	sld [smem:$0x3F95]  }
0x39: {  	_ = 	snop;
	(pc) =	sbr.ind lr, $3  }
0x3a: {  	_ = 	snop  }
0x3b: {  	_ = 	snop  }
0x3c: {  	p2 =	seq.s32 s10, $0x1;
	s10 =	sld [smem:$0x3F94]  }
0x3d: {  	_ =	shalt  }
0x3e: {  	_ =	shalt  }
0x3f: {  	_ =	shalt  }
0x40: {  	_ =	shalt  }
0x41: {  	_ =	shalt  }
0x42: {  	_ =	shalt  }
0x43: {  	_ =	shalt  }
0x44: {  	_ =	shalt  }
0x45: {  	_ =	shalt  }
0x46: {  	_ =	shalt  }
0x47: {  	_ =	shalt  }
0x48: {  	_ =	shalt  }
0x49: {  	_ =	shalt  }
0x4a: {  	_ =	shalt  }
0x4b: {  	_ =	shalt  }
0x4c: {  	_ =	shalt  }
0x4d: {  	_ =	shalt  }
0x4e: {  	_ =	shalt  }
0x4f: {  	_ =	shalt  }
0x50: {  	_ =	shalt  }
0x51: {  	_ =	shalt  }
0x52: {  	_ =	shalt  }
0x53: {  	_ =	shalt  }
0x54: {  	_ =	shalt  }
0x55: {  	_ =	shalt  }
0x56: {  	_ =	shalt  }
0x57: {  	_ =	shalt  }
0x58: {  	_ =	shalt  }
0x59: {  	_ =	shalt  }
0x5a: {  	_ =	shalt  }
0x5b: {  	_ =	shalt  }
0x5c: {  	_ =	shalt  }
0x5d: {  	_ =	shalt  }
0x5e: {  	_ =	shalt  }
0x5f: {  	_ =	shalt  }
0x60: {  	_ =	shalt  }
0x61: {  	_ =	shalt  }
0x62: {  	_ =	shalt  }
0x63: {  	_ =	shalt  }
0x64: {  	_ =	shalt  }
0x65: {  	_ =	shalt  }
0x66: {  	_ =	shalt  }
0x67: {  	_ =	shalt  }
0x68: {  	_ =	shalt  }
0x69: {  	_ =	shalt  }
0x6a: {  	_ =	shalt  }
0x6b: {  	_ =	shalt  }
0x6c: {  	_ =	shalt  }
0x6d: {  	_ =	shalt  }
0x6e: {  	_ =	shalt  }
0x6f: {  	_ =	shalt  }
0x70: {  	_ =	shalt  }
0x71: {  	_ =	shalt  }
0x72: {  	_ =	shalt  }
0x73: {  	_ =	shalt  }
0x74: {  	_ =	shalt  }
0x75: {  	_ =	shalt  }
0x76: {  	_ =	shalt  }
0x77: {  	_ =	shalt  }
0x78: {  	_ =	shalt  }
0x79: {  	_ =	shalt  }
0x7a: {  	_ =	shalt  }
0x7b: {  	_ =	shalt  }
0x7c: {  	_ =	shalt  }
0x7d: {  	_ =	shalt  }
0x7e: {  	_ =	shalt  }
0x7f: {  	_ =	shalt  }
0x80: {  	_ =	shalt  }
0x81: {  	_ =	shalt  }
0x82: {  	_ =	shalt  }
0x83: {  	_ =	shalt  }
0x84: {  	_ =	shalt  }
0x85: {  	_ =	shalt  }
0x86: {  	_ =	shalt  }
0x87: {  	_ =	shalt  }
.Lfunc_end0:
.L_simem_size_0:
called_computation.1_lowered:
.L_overlay_start_0:
0x88: {  	s2 =	sld [smem:$0x3FD9]  }
0x89: {  	s3 =	sld [smem:$0x3FFE];
	_ =	sdelay $0x1  }
0x8a: {  	s1 =	srdreg.scid  }
0x8b: {  	s0 =	sand.u32 $0x1, s1  }
0x8c: {  	s16 =	sshll.u32 s0, $0xA;
	s2 =	sadd.s32 s3, s2  }
0x8d: {  	s2 =	sadd.s32 s2, s16  }
0x8e: {  	[smem:$0x3FA0] =	sst s2  }
0x8f: {  	_ = 	snop  }
0x90: {  	(tm) =	ssettm $0x1  }
0x91: {  	s17 =	sld [smem:$0x3FFB];
	_ =	sdelay $0x3  }
0x92: {  	_ =	strace s17  }
0x93: {  	s2 =	sld [smem:$0x3FFC];
	_ =	sdelay $0x3  }
0x94: {  	_ =	strace s2  }
0x95: {  	s2 =	sld [smem:$0x3FFD];
	_ =	sdelay $0x3  }
0x96: {  	_ =	strace s2  }
0x97: {  	_ =	strace $0x8FFFFFFF  }
0x98: {  	s18 =	sld [smem:$0x3FDB];
	_ =	sdelay $0x1  }
0x99: {  	s19 =	simm.s32 $_scs_section_size  }
0x9a: {  	s4 =	simm.s32 $_size__tile_overlayer_lowered;
	s5 =	simm.s32 $_tile_overlayer_lowered  }
0x9b: {  	s22 =	simm.s32 $0x1BFF;
	s21 =	sshll.u32 s5, $0x1;
	s2 =	sadd.s32 s19, s18  }
0x9c: {  	s6 =	simm.s32 $0x0;
	s20 =	sshll.u32 s4, $0x1;
	s4 =	sadd.s32 s21, s2  }
0x9d: {  	[timem:s6], [sflag:s22] =	dma.local [hbm:s4], s20  }
0x9e: {  	_ =	swait.ge [sflag:s22], s20  }
0x9f: {  	s3 =	ssub.s32 $0x0, s20;
	[sflag:s22] =	ssyncset.done $0x0  }
0xa0: {  	[sflag:s22] =	ssyncadd.s32 s3;
	_ =	sdelay $0x1  }
0xa1: {  	s23 =	simm.s32 $0x1B8B  }
0xa2: {  	_ =	swait.ge [sflag:s23], $0x1  }
0xa3: {  	[sflag:s23] =	ssyncset.done $0x0  }
0xa4: {  	s25 =	simm.s32 $0x1B8E;
	s24 =	sld [smem:$0x3FFE];
	[sflag:s23] =	ssyncadd.s32 $0xFFFFFFFF  }
0xa5: {  	s26 =	simm.s32 $execute0_lowered;
	[smem:$0x3FD2] =	sst s25  }
0xa6: {  	s4 =	sshll.u32 s26, $0x1;
	_ =	strace $0x80000054;
	[dreg:$0x1] =	wrdreg $0xFFFFFFFF  }
0xa7: {  	s28 =	simm.s32 $_size_execute0_lowered;
	s2 =	sadd.s32 s2, s4;
	[dreg:$0x0] =	wrdreg $0x0  }
0xa8: {  	s4 =	sshll.u32 s28, $0x1;
	[dreg:$0x2] =	wrdreg s2  }
0xa9: {  	[dreg:$0x3] =	wrdreg s4  }
0xaa: {  	[dreg:$0x4] =	wrdreg $0xC0  }
0xab: {  	_ =	task [dreg:s6], $0x5FFFF  }
0xac: {  	[dreg:$0x1] =	wrdreg $0xFFFFFFFF  }
0xad: {  	[dreg:$0x0] =	wrdreg $0x60  }
0xae: {  	[dreg:$0x2] =	wrdreg s24  }
0xaf: {  	[dreg:$0x3] =	wrdreg $0x45000  }
0xb0: {  	[dreg:$0x4] =	wrdreg $0x9  }
0xb1: {  	_ =	task.clear_ibuf [dreg:s6], $0x5FFFF;
	_ =	strace $0x90000054  }
0xb2: {  	s29 =	simm.s32 $0x9;
	_ =	strace $0x80000056  }
0xb3: {  	_ =	swait.ge [sflag:s29], $0x1  }
0xb4: {  	[sflag:s29] =	ssyncadd.s32 $0xFFFFFFFF  }
0xb5: {  	_ =	strace $0x90000056  }
0xb6: {  	_ =	sfence  }
0xb7: {  	s30 =	sld [smem:$0x0];
	_ =	sdelay $0x2  }
0xb8: {  	s31 =	sshll.u32 s1, $0xD;
	s1 =	sshrl.u32 s1, $0x2  }
0xb9: {  	s3 =	sand.u32 $0x4000, s31;
	s1 =	sadd.s32 s1, s30  }
0xba: {  	s0 =	sor.u32 s3, s0;
	s1 =	sshll.u32 s1, $0x11  }
0xbb: {  	s0 =	sor.u32 s1, s0  }
0xbc: {  	s0 =	sadd.s32 $0x8F2B, s0  }
0xbd: {  	[sflag:s0] =	ssyncadd.remote.s32 $0x1  }
0xbe: {  	_ =	sfence.sel $0xFFFF  }
0xbf: {  	[dreg:$0x0] =	wrdreg $0xFFFFFFFF;
	(pc) =	sbr.abs _section_cstart, $3  }
0xc0: {  	[dreg:$0x1] =	wrdreg $0xFFFFFFFF  }
0xc1: {  	_ =	task.clear_ibuf [dreg:s6], $0x2FFFF;
	_ =	strace $0x9FFFFFFF  }
0xc2: {  	(tm) =	ssettm $0x7FFFFFFF  }
0xc3: {  	_ =	shalt  }
tec
execute0_lowered:
.L_overlay_start_1:
0x0: {  	(tag) =	ssettag $0x1  }
0x1: {  	s4 =	rddreg [dreg:$0x0];
	s1 =	stileid.u32  }
0x2: {  	s2 =	rddreg [dreg:$0x1];
	s5 =	smul.u32 $0xA00, s1  }
0x3: {  	s0 =	rddreg [dreg:$0x2];
	s7 =	smul.u32 $0x50000, s1  }
0x4: {  	s3 =	simm.s32 $0x0;
	s6 =	srdreg.scid;
	s9 =	smul.u32 $0x29000, s1  }
0x5: {  	s12 =	simm.s32 $0x400;
	s13 =	simm.s32 $0x4400;
	s31 =	smul.u32 $0x28000, s1  }
0x6: {  	s14 =	simm.s32 $0x80;
	s6 =	sand.u32 $0x1, s6;
	s19 =	smul.u32 $0x1400, s1  }
0x7: {  	s15 =	simm.s32 $0x4480;
	[smem:$0x7FF] =	sst s3;
	s8 =	smul.u32 $0x14000, s6  }
0x8: {  	_ =	strace $0x80000055;
	s25 =	ssub.s32 $0x2, s6;
	s18 =	smul.u32 $0xFFFFEC00, s6  }
0x9: {  	s10 =	sadd.s32 s5, s4;
	s11 =	sadd.s32 s7, s4;
	s28 =	sshrl.u32 s25, $0x1  }
0xa: {  	s30 =	sshrl.u32 s9, $0x2;
	s5 =	sshrl.u32 s31, $0x2;
	s26 =	sadd.s32 s8, s4  }
0xb: {  	s29 =	ssub.s32 s25, s28;
	s4 =	sadd.s32 s30, s2;
	s7 =	sadd.s32 $0x24BA800, s11  }
0xc: {  	s8 =	sadd.s32 $0xAC800, s10;
	s9 =	sadd.s32 $0x15D8800, s11;
	s10 =	sadd.s32 $0xB6800, s10  }
0xd: {  	s5 =	sadd.s32 s5, s2;
	s16 =	sadd.s32 $0x1AD8800, s26;
	s17 =	sadd.s32 $0x1B00800, s26  }
0xe: {  	s11 =	simm.s32 $0x1;
	s20 =	sadd.s32 $0x1B28800, s26;
	s21 =	sadd.s32 $0x1B50800, s26  }
0xf: {  	s6 =	smax.u32 s29, $0x1;
	s16 =	sadd.s32 s19, s16;
	s17 =	sadd.s32 s19, s17  }
0x10: {  	v1 =	vimm.f32 $0.0e+00;
	v2 =	vimm.f32 $1.000000000e+00;
	v0 =	vmov s18;
	s18 =	sadd.s32 s19, s20;
	s19 =	sadd.s32 s19, s21;
	s20 =	simm.s32 $0x0  }
.LBB2_1:
0x11: {  	[tilespmem:$0x0] =	vst v1  }
0x12: {  	[tilespmem:$0x10] =	vst v1  }
0x13: {  	[tilespmem:$0x20] =	vst v1  }
0x14: {  	[tilespmem:$0x30] =	vst v1  }
0x15: {  	[tilespmem:$0x40] =	vst v1  }
0x16: {  	[tilespmem:$0x50] =	vst v1  }
0x17: {  	[tilespmem:$0x60] =	vst v1  }
0x18: {  	[tilespmem:$0x70] =	vst v1  }
0x19: {  	[tilespmem:$0x80] =	vst v1  }
0x1a: {  	[tilespmem:$0x90] =	vst v1  }
0x1b: {  	[tilespmem:$0xA0] =	vst v1  }
0x1c: {  	[tilespmem:$0xB0] =	vst v1  }
0x1d: {  	[tilespmem:$0xC0] =	vst v1  }
0x1e: {  	[tilespmem:$0xD0] =	vst v1  }
0x1f: {  	[tilespmem:$0xE0] =	vst v1  }
0x20: {  	[tilespmem:$0xF0] =	vst v1  }
0x21: {  	[tilespmem:$0x100] =	vst v1  }
0x22: {  	[tilespmem:$0x110] =	vst v1  }
0x23: {  	[tilespmem:$0x120] =	vst v1  }
0x24: {  	[tilespmem:$0x130] =	vst v1  }
0x25: {  	[tilespmem:$0x140] =	vst v1  }
0x26: {  	[tilespmem:$0x150] =	vst v1  }
0x27: {  	[tilespmem:$0x160] =	vst v1  }
0x28: {  	[tilespmem:$0x170] =	vst v1  }
0x29: {  	[tilespmem:$0x180] =	vst v1  }
0x2a: {  	[tilespmem:$0x190] =	vst v1  }
0x2b: {  	[tilespmem:$0x1A0] =	vst v1  }
0x2c: {  	[tilespmem:$0x1B0] =	vst v1  }
0x2d: {  	[tilespmem:$0x1C0] =	vst v1  }
0x2e: {  	[tilespmem:$0x1D0] =	vst v1  }
0x2f: {  	[tilespmem:$0x1E0] =	vst v1  }
0x30: {  	[tilespmem:$0x1F0] =	vst v1  }
0x31: {  	[tilespmem:$0x200] =	vst v1  }
0x32: {  	[tilespmem:$0x210] =	vst v1  }
0x33: {  	[tilespmem:$0x220] =	vst v1  }
0x34: {  	[tilespmem:$0x230] =	vst v1  }
0x35: {  	[tilespmem:$0x240] =	vst v1  }
0x36: {  	[tilespmem:$0x250] =	vst v1  }
0x37: {  	[tilespmem:$0x260] =	vst v1  }
0x38: {  	[tilespmem:$0x270] =	vst v1  }
0x39: {  	[tilespmem:$0x280] =	vst v1  }
0x3a: {  	[tilespmem:$0x290] =	vst v1  }
0x3b: {  	[tilespmem:$0x2A0] =	vst v1  }
0x3c: {  	[tilespmem:$0x2B0] =	vst v1  }
0x3d: {  	[tilespmem:$0x2C0] =	vst v1  }
0x3e: {  	[tilespmem:$0x2D0] =	vst v1  }
0x3f: {  	[tilespmem:$0x2E0] =	vst v1  }
0x40: {  	[tilespmem:$0x2F0] =	vst v1  }
0x41: {  	[tilespmem:$0x300] =	vst v1  }
0x42: {  	[tilespmem:$0x310] =	vst v1  }
0x43: {  	[tilespmem:$0x320] =	vst v1  }
0x44: {  	[tilespmem:$0x330] =	vst v1  }
0x45: {  	[tilespmem:$0x340] =	vst v1  }
0x46: {  	[tilespmem:$0x350] =	vst v1  }
0x47: {  	[tilespmem:$0x360] =	vst v1  }
0x48: {  	[tilespmem:$0x370] =	vst v1  }
0x49: {  	[tilespmem:$0x380] =	vst v1  }
0x4a: {  	[tilespmem:$0x390] =	vst v1  }
0x4b: {  	[tilespmem:$0x3A0] =	vst v1  }
0x4c: {  	[tilespmem:$0x3B0] =	vst v1  }
0x4d: {  	[tilespmem:$0x3C0] =	vst v1  }
0x4e: {  	[tilespmem:$0x3D0] =	vst v1  }
0x4f: {  	[tilespmem:$0x3E0] =	vst v1  }
0x50: {  	[tilespmem:$0x3F0] =	vst v1;
	s21 =	sadd.s32 $0x0, s4  }
0x51: {  	[spmem:s21] =	stream.linear.scatter [tilespmem:s3], [sflag:$0x1], $0x400, $0x38;
	[tilespmem:$0xE900] =	vst v63  }
0x52: {  	s21 =	simm.s32 $0x1000;
	_ =	swait.ge [sflag:s11], $0x400  }
.LBB2_2:
0x53: {  	s22 =	sshra.s32 s21, $0x2;
	[sflag:s11] =	ssyncset.done $0x0;
	p0 =	sne.s32 s21, $0x28000  }
.Ltmp0:
0x54: {  	s22 =	sadd.s32 s22, s4;
	[sflag:s11] =	ssyncadd.s32 $0xFFFFFC00;
	(pc) =	sbr.rel @p0 .LBB2_2-.Ltmp0, $3  }
0x55: {  	[spmem:s22] =	stream.linear.scatter [tilespmem:s3], [sflag:$0x1], $0x400, $0x38;
	[tilespmem:$0xE900] =	vst v63  }
0x56: {  	s21 =	sadd.s32 $0x1000, s21;
	_ =	sdelay $0x1  }
0x57: {  	_ =	swait.ge [sflag:s11], $0x400  }
0x58: {  	[sflag:s11] =	ssyncset.done $0x0  }
0x59: {  	[sflag:s11] =	ssyncadd.s32 $0xFFFFFC00  }
0x5a: {  	[bflag:$0x0] =	sbarrier.arrive $0xFFFF  }
0x5b: {  	[tilespmem:s12], [sflag:$0x1] =	stream.linear.gather [hbm4b:s7+s3], $0x4000, $0x38;
	[tilespmem:$0xE900] =	vst v63  }
0x5c: {  	_ =	swait.ge [sflag:s11], $0x4000  }
0x5d: {  	[sflag:s11] =	ssyncset.done $0x0  }
0x5e: {  	s21 =	sadd.s32 $0x0, s8;
	[sflag:s11] =	ssyncadd.s32 $0xFFFFC000  }
0x5f: {  	[tilespmem:s13], [sflag:$0x1] =	stream.linear.gather [hbm4b:s21+s3], $0x80, $0x38;
	[tilespmem:$0xE900] =	vst v63  }
0x60: {  	_ =	swait.ge [sflag:s11], $0x80  }
0x61: {  	[sflag:s11] =	ssyncset.done $0x0  }
0x62: {  	[sflag:s11] =	ssyncadd.s32 $0xFFFFFF80  }
0x63: {  	v3 =	vld [tilespmem:$0x4450]  }
0x64: {  	v5 =	vld [tilespmem:$0x4460]  }
0x65: {  	s22 =	smov.u32 s7;
	s21 =	simm.s32 $0x10;
	v4 =	vld [tilespmem:$0x4470]  }
.LBB2_4:
0x66: {  	p0 =	sne.s32 s21, $0x9F0  }
0x67: {  	v6 =	vld [tilespmem:$0x4430];
	s22 =	sadd.s32 $0x800, s22;
	s23 =	smov.u32 s21;
	s21 =	sadd.s32 $0x10, s21  }
0x68: {  	v7 =	vld [tilespmem:$0x4410]  }
0x69: {  	v8 =	vld [tilespmem:$0x4420]  }
0x6a: {  	v9 =	vld [tilespmem:$0x4400];
	v5 =	vadd.s32 v0, v5  }
0x6b: {  	v3 =	vadd.s32 v0, v3;
	v10 =	vld [tilespmem:$0x4440];
	v5 =	vmin.u32 v5, $0x1400;
	v4 =	vadd.s32 v0, v4  }
0x6c: {  	v3 =	vmin.u32 v3, $0x1400;
	v6 =	vadd.s32 v0, v6;
	[tilespmem:$0x44E0] =	vst v5;
	v4 =	vmin.u32 v4, $0x1400  }
0x6d: {  	v5 =	vadd.s32 v0, v7;
	v6 =	vmin.u32 v6, $0x1400;
	[tilespmem:$0x44F0] =	vst v4  }
0x6e: {  	v4 =	vmin.u32 v5, $0x1400;
	v5 =	vadd.s32 v0, v8;
	[tilespmem:$0x44D0] =	vst v3  }
0x6f: {  	v3 =	vadd.s32 v0, v9;
	v5 =	vmin.u32 v5, $0x1400;
	[tilespmem:$0x44B0] =	vst v6  }
0x70: {  	v3 =	vmin.u32 v3, $0x1400;
	[tilespmem:$0x4490] =	vst v4;
	v4 =	vadd.s32 v0, v10  }
0x71: {  	[tilespmem:$0x44A0] =	vst v5;
	v4 =	vmin.u32 v4, $0x1400  }
0x72: {  	[tilespmem:$0x44C0] =	vst v4  }
0x73: {  	[tilespmem:$0x4480] =	vst v3  }
0x74: {  	[spmem:s2] =	stream.indirect.scatter.add.f32 [tilespmem:s12], [sflag:$0x1], $0x80, s15, s14, $0xb8;
	[tilespmem:$0xE900] =	vst v63  }
0x75: {  	_ =	swait.ge [sflag:s11], $0x4000  }
0x76: {  	[sflag:s11] =	ssyncset.done $0x0  }
0x77: {  	[sflag:s11] =	ssyncadd.s32 $0xFFFFC000  }
0x78: {  	[tilespmem:s12], [sflag:$0x1] =	stream.linear.gather [hbm4b:s22+s3], $0x4000, $0x38;
	[tilespmem:$0xE900] =	vst v63  }
0x79: {  	_ =	swait.ge [sflag:s11], $0x4000  }
0x7a: {  	[sflag:s11] =	ssyncset.done $0x0  }
0x7b: {  	s23 =	sadd.s32 s23, s8;
	[sflag:s11] =	ssyncadd.s32 $0xFFFFC000  }
0x7c: {  	[tilespmem:s13], [sflag:$0x1] =	stream.linear.gather [hbm4b:s23+s3], $0x80, $0x38;
	[tilespmem:$0xE900] =	vst v63  }
0x7d: {  	_ =	swait.ge [sflag:s11], $0x80  }
.Ltmp1:
0x7e: {  	[sflag:s11] =	ssyncset.done $0x0;
	(pc) =	sbr.rel @p0 .LBB2_4-.Ltmp1, $4  }
0x7f: {  	[sflag:s11] =	ssyncadd.s32 $0xFFFFFF80  }
0x80: {  	v3 =	vld [tilespmem:$0x4450]  }
0x81: {  	v5 =	vld [tilespmem:$0x4460]  }
0x82: {  	v4 =	vld [tilespmem:$0x4470]  }
0x83: {  	v6 =	vld [tilespmem:$0x4430]  }
0x84: {  	v7 =	vld [tilespmem:$0x4410]  }
0x85: {  	v8 =	vld [tilespmem:$0x4420];
	v3 =	vadd.s32 v0, v3  }
0x86: {  	v10 =	vld [tilespmem:$0x4400];
	v5 =	vadd.s32 v0, v5;
	v3 =	vmin.u32 v3, $0x1400  }
0x87: {  	v9 =	vld [tilespmem:$0x4440];
	v5 =	vmin.u32 v5, $0x1400;
	v4 =	vadd.s32 v0, v4;
	[tilespmem:$0x44D0] =	vst v3  }
0x88: {  	[tilespmem:$0x44E0] =	vst v5;
	v4 =	vmin.u32 v4, $0x1400;
	v59 =	vadd.s32 v0, v6  }
0x89: {  	v60 =	vadd.s32 v0, v7;
	[tilespmem:$0x44F0] =	vst v4;
	v5 =	vmin.u32 v59, $0x1400  }
0x8a: {  	v61 =	vadd.s32 v0, v8;
	v3 =	vmin.u32 v60, $0x1400;
	[tilespmem:$0x44B0] =	vst v5  }
0x8b: {  	v62 =	vadd.s32 v0, v10;
	v4 =	vmin.u32 v61, $0x1400;
	[tilespmem:$0x4490] =	vst v3  }
0x8c: {  	v63 =	vmin.u32 v62, $0x1400;
	v3 =	vadd.s32 v0, v9;
	[tilespmem:$0x44A0] =	vst v4  }
0x8d: {  	[tilespmem:$0x4480] =	vst v63;
	v3 =	vmin.u32 v3, $0x1400  }
0x8e: {  	[tilespmem:$0x44C0] =	vst v3  }
0x8f: {  	[spmem:s2] =	stream.indirect.scatter.add.f32 [tilespmem:s12], [sflag:$0x1], $0x80, s15, s14, $0xb8;
	[tilespmem:$0xE900] =	vst v63  }
0x90: {  	_ =	swait.ge [sflag:s11], $0x4000  }
0x91: {  	[sflag:s11] =	ssyncset.done $0x0  }
0x92: {  	s21 =	sshll.u32 s1, $0x6;
	[sflag:s11] =	ssyncadd.s32 $0xFFFFC000  }
0x93: {  	s22 =	sshrl.u32 s5, $0x3;
	s21 =	sor.u32 $0x1C01, s21;
	[bflag:$0x0] =	sbarrier.arrive $0xFFFF  }
0x94: {  	[hbm:s16], [sflag:s21] =	dma.local [spmem:s22], $0x1400  }
0x95: {  	_ =	swait.ge [sflag:s11], $0x1400  }
0x96: {  	[sflag:s11] =	ssyncset.done $0x0  }
0x97: {  	s23 =	sadd.s32 $0x0, s4;
	[sflag:s11] =	ssyncadd.s32 $0xFFFFEC00  }
0x98: {  	[spmem:s23] =	stream.linear.scatter [tilespmem:s3], [sflag:$0x1], $0x400, $0x38;
	[tilespmem:$0xE900] =	vst v63  }
0x99: {  	s23 =	simm.s32 $0x1000;
	_ =	swait.ge [sflag:s11], $0x400  }
.LBB2_6:
0x9a: {  	s24 =	sshra.s32 s23, $0x2;
	[sflag:s11] =	ssyncset.done $0x0;
	p0 =	sne.s32 s23, $0x28000  }
.Ltmp2:
0x9b: {  	s24 =	sadd.s32 s24, s4;
	[sflag:s11] =	ssyncadd.s32 $0xFFFFFC00;
	(pc) =	sbr.rel @p0 .LBB2_6-.Ltmp2, $3  }
0x9c: {  	[spmem:s24] =	stream.linear.scatter [tilespmem:s3], [sflag:$0x1], $0x400, $0x38;
	[tilespmem:$0xE900] =	vst v63  }
0x9d: {  	s23 =	sadd.s32 $0x1000, s23;
	_ =	sdelay $0x1  }
0x9e: {  	_ =	swait.ge [sflag:s11], $0x400  }
0x9f: {  	[sflag:s11] =	ssyncset.done $0x0  }
0xa0: {  	[sflag:s11] =	ssyncadd.s32 $0xFFFFFC00  }
0xa1: {  	s23 =	simm.s32 $0x0;
	s24 =	simm.s32 $0x200;
	[bflag:$0x0] =	sbarrier.arrive $0xFFFF  }
.LBB2_8:
0xa2: {  	p0 =	sne.s32 s24, $0xFE00;
	[tilespmem:s23+$0x470] =	vst v2  }
0xa3: {  	[tilespmem:s23+$0x400] =	vst v2  }
0xa4: {  	[tilespmem:s23+$0x410] =	vst v2  }
.Ltmp3:
0xa5: {  	[tilespmem:s23+$0x420] =	vst v2;
	(pc) =	sbr.rel @p0 .LBB2_8-.Ltmp3, $4  }
0xa6: {  	[tilespmem:s23+$0x430] =	vst v2  }
0xa7: {  	[tilespmem:s23+$0x440] =	vst v2  }
0xa8: {  	[tilespmem:s23+$0x450] =	vst v2  }
0xa9: {  	[tilespmem:s23+$0x460] =	vst v2;
	s23 =	sshra.s32 s24, $0x2;
	s24 =	sadd.s32 $0x200, s24  }
0xaa: {  	[tilespmem:s23+$0x470] =	vst v2  }
0xab: {  	[tilespmem:s23+$0x400] =	vst v2  }
0xac: {  	[tilespmem:s23+$0x410] =	vst v2  }
0xad: {  	[tilespmem:s23+$0x420] =	vst v2  }
0xae: {  	[tilespmem:s23+$0x430] =	vst v2  }
0xaf: {  	[tilespmem:s23+$0x440] =	vst v2  }
0xb0: {  	[tilespmem:s23+$0x450] =	vst v2  }
0xb1: {  	[tilespmem:s23+$0x460] =	vst v2;
	s31 =	sadd.s32 $0x0, s8  }
0xb2: {  	[tilespmem:s13], [sflag:$0x1] =	stream.linear.gather [hbm4b:s31+s3], $0x80, $0x38;
	[tilespmem:$0xE900] =	vst v63  }
0xb3: {  	_ =	swait.ge [sflag:s11], $0x80  }
0xb4: {  	[sflag:s11] =	ssyncset.done $0x0  }
0xb5: {  	[sflag:s11] =	ssyncadd.s32 $0xFFFFFF80  }
0xb6: {  	v3 =	vld [tilespmem:$0x4400]  }
0xb7: {  	v4 =	vld [tilespmem:$0x4430]  }
0xb8: {  	v5 =	vld [tilespmem:$0x4470]  }
0xb9: {  	v6 =	vld [tilespmem:$0x4460]  }
0xba: {  	v7 =	vld [tilespmem:$0x4410]  }
0xbb: {  	v8 =	vld [tilespmem:$0x4450];
	v3 =	vadd.s32 v0, v3  }
0xbc: {  	v9 =	vld [tilespmem:$0x4420];
	v4 =	vadd.s32 v0, v4;
	v3 =	vmin.u32 v3, $0x1400  }
0xbd: {  	v5 =	vadd.s32 v0, v5;
	[tilespmem:$0x4480] =	vst v3;
	v3 =	vmin.u32 v4, $0x1400;
	v4 =	vld [tilespmem:$0x4440]  }
0xbe: {  	v5 =	vmin.u32 v5, $0x1400;
	[tilespmem:$0x44B0] =	vst v3;
	v3 =	vadd.s32 v0, v6  }
0xbf: {  	[tilespmem:$0x44F0] =	vst v5;
	v6 =	vadd.s32 v0, v7;
	v3 =	vmin.u32 v3, $0x1400  }
0xc0: {  	v5 =	vmin.u32 v6, $0x1400;
	v6 =	vadd.s32 v0, v8;
	[tilespmem:$0x44E0] =	vst v3  }
0xc1: {  	[tilespmem:$0x4490] =	vst v5;
	v3 =	vadd.s32 v0, v9;
	v5 =	vmin.u32 v6, $0x1400  }
0xc2: {  	s24 =	simm.s32 $0x10;
	s23 =	simm.s32 $0x20;
	s25 =	simm.s32 $0x30;
	v3 =	vmin.u32 v3, $0x1400;
	[tilespmem:$0x44D0] =	vst v5;
	v4 =	vadd.s32 v0, v4  }
.LBB2_10:
0xc3: {  	p0 =	sne.s32 s25, $0x9F0;
	[tilespmem:$0x44A0] =	vst v3;
	v3 =	vmin.u32 v4, $0x1400;
	s26 =	smov.u32 s25;
	s25 =	sadd.s32 $0x10, s25  }
0xc4: {  	[tilespmem:$0x44C0] =	vst v3  }
0xc5: {  	[spmem:s2] =	stream.indirect.scatter.add.f32 [tilespmem:s12], [sflag:$0x1], $0x80, s15, s14, $0xb8;
	[tilespmem:$0xE900] =	vst v63  }
0xc6: {  	_ =	swait.ge [sflag:s11], $0x4000  }
0xc7: {  	[sflag:s11] =	ssyncset.done $0x0  }
0xc8: {  	s28 =	sadd.s32 s24, s8;
	s24 =	smov.u32 s23;
	[sflag:s11] =	ssyncadd.s32 $0xFFFFC000  }
0xc9: {  	[tilespmem:s13], [sflag:$0x1] =	stream.linear.gather [hbm4b:s28+s3], $0x80, $0x38;
	[tilespmem:$0xE900] =	vst v63  }
0xca: {  	s23 =	smov.u32 s26;
	_ =	swait.ge [sflag:s11], $0x80  }
0xcb: {  	[sflag:s11] =	ssyncset.done $0x0  }
0xcc: {  	[sflag:s11] =	ssyncadd.s32 $0xFFFFFF80  }
0xcd: {  	v3 =	vld [tilespmem:$0x4400]  }
0xce: {  	v4 =	vld [tilespmem:$0x4430]  }
0xcf: {  	v5 =	vld [tilespmem:$0x4470]  }
0xd0: {  	v6 =	vld [tilespmem:$0x4460]  }
0xd1: {  	v7 =	vld [tilespmem:$0x4410]  }
0xd2: {  	v3 =	vadd.s32 v0, v3;
	v8 =	vld [tilespmem:$0x4450]  }
0xd3: {  	v3 =	vmin.u32 v3, $0x1400;
	v9 =	vld [tilespmem:$0x4420];
	v4 =	vadd.s32 v0, v4  }
0xd4: {  	[tilespmem:$0x4480] =	vst v3;
	v3 =	vmin.u32 v4, $0x1400;
	v4 =	vld [tilespmem:$0x4440];
	v5 =	vadd.s32 v0, v5  }
.Ltmp4:
0xd5: {  	[tilespmem:$0x44B0] =	vst v3;
	v3 =	vadd.s32 v0, v6;
	v5 =	vmin.u32 v5, $0x1400;
	(pc) =	sbr.rel @p0 .LBB2_10-.Ltmp4, $4  }
0xd6: {  	v6 =	vadd.s32 v0, v7;
	v3 =	vmin.u32 v3, $0x1400;
	[tilespmem:$0x44F0] =	vst v5  }
0xd7: {  	v5 =	vmin.u32 v6, $0x1400;
	v6 =	vadd.s32 v0, v8;
	[tilespmem:$0x44E0] =	vst v3  }
0xd8: {  	[tilespmem:$0x4490] =	vst v5;
	v3 =	vadd.s32 v0, v9;
	v5 =	vmin.u32 v6, $0x1400  }
0xd9: {  	v3 =	vmin.u32 v3, $0x1400;
	v4 =	vadd.s32 v0, v4;
	[tilespmem:$0x44D0] =	vst v5  }
0xda: {  	[tilespmem:$0x44A0] =	vst v3;
	v3 =	vmin.u32 v4, $0x1400  }
0xdb: {  	[tilespmem:$0x44C0] =	vst v3  }
0xdc: {  	[spmem:s2] =	stream.indirect.scatter.add.f32 [tilespmem:s12], [sflag:$0x1], $0x80, s15, s14, $0xb8;
	[tilespmem:$0xE900] =	vst v63  }
0xdd: {  	_ =	swait.ge [sflag:s11], $0x4000  }
0xde: {  	[sflag:s11] =	ssyncset.done $0x0  }
0xdf: {  	s24 =	sadd.s32 s24, s8;
	[sflag:s11] =	ssyncadd.s32 $0xFFFFC000  }
0xe0: {  	[tilespmem:s13], [sflag:$0x1] =	stream.linear.gather [hbm4b:s24+s3], $0x80, $0x38;
	[tilespmem:$0xE900] =	vst v63  }
0xe1: {  	_ =	swait.ge [sflag:s11], $0x80  }
0xe2: {  	[sflag:s11] =	ssyncset.done $0x0  }
0xe3: {  	[sflag:s11] =	ssyncadd.s32 $0xFFFFFF80  }
0xe4: {  	v3 =	vld [tilespmem:$0x4400]  }
0xe5: {  	v5 =	vld [tilespmem:$0x4470]  }
0xe6: {  	v47 =	vld [tilespmem:$0x4430]  }
0xe7: {  	v7 =	vld [tilespmem:$0x4410]  }
0xe8: {  	v6 =	vld [tilespmem:$0x4460]  }
0xe9: {  	v8 =	vld [tilespmem:$0x4450];
	v3 =	vadd.s32 v0, v3  }
0xea: {  	v9 =	vld [tilespmem:$0x4420];
	v5 =	vadd.s32 v0, v5;
	v3 =	vmin.u32 v3, $0x1400  }
0xeb: {  	v48 =	vld [tilespmem:$0x4440];
	v4 =	vadd.s32 v0, v47;
	v5 =	vmin.u32 v5, $0x1400;
	[tilespmem:$0x4480] =	vst v3  }
0xec: {  	v49 =	vadd.s32 v0, v7;
	v3 =	vmin.u32 v4, $0x1400;
	[tilespmem:$0x44F0] =	vst v5  }
0xed: {  	v50 =	vmin.u32 v49, $0x1400;
	[tilespmem:$0x44B0] =	vst v3;
	v3 =	vadd.s32 v0, v6  }
0xee: {  	v51 =	vadd.s32 v0, v8;
	[tilespmem:$0x4490] =	vst v50;
	v3 =	vmin.u32 v3, $0x1400  }
0xef: {  	v52 =	vmin.u32 v51, $0x1400;
	[tilespmem:$0x44E0] =	vst v3;
	v3 =	vadd.s32 v0, v9  }
0xf0: {  	v4 =	vadd.s32 v0, v48;
	[tilespmem:$0x44D0] =	vst v52;
	v3 =	vmin.u32 v3, $0x1400  }
0xf1: {  	[tilespmem:$0x44A0] =	vst v3;
	v3 =	vmin.u32 v4, $0x1400  }
0xf2: {  	[tilespmem:$0x44C0] =	vst v3  }
0xf3: {  	[spmem:s2] =	stream.indirect.scatter.add.f32 [tilespmem:s12], [sflag:$0x1], $0x80, s15, s14, $0xb8;
	[tilespmem:$0xE900] =	vst v63  }
0xf4: {  	_ =	swait.ge [sflag:s11], $0x4000  }
0xf5: {  	[sflag:s11] =	ssyncset.done $0x0  }
0xf6: {  	s23 =	sadd.s32 s23, s8;
	[sflag:s11] =	ssyncadd.s32 $0xFFFFC000  }
0xf7: {  	[tilespmem:s13], [sflag:$0x1] =	stream.linear.gather [hbm4b:s23+s3], $0x80, $0x38;
	[tilespmem:$0xE900] =	vst v63  }
0xf8: {  	_ =	swait.ge [sflag:s11], $0x80  }
0xf9: {  	[sflag:s11] =	ssyncset.done $0x0  }
0xfa: {  	[sflag:s11] =	ssyncadd.s32 $0xFFFFFF80  }
0xfb: {  	v3 =	vld [tilespmem:$0x4400]  }
0xfc: {  	v54 =	vld [tilespmem:$0x4470]  }
0xfd: {  	v53 =	vld [tilespmem:$0x4430]  }
0xfe: {  	v56 =	vld [tilespmem:$0x4410]  }
0xff: {  	v55 =	vld [tilespmem:$0x4460]  }
0x100: {  	v57 =	vld [tilespmem:$0x4450];
	v3 =	vadd.s32 v0, v3  }
0x101: {  	v58 =	vld [tilespmem:$0x4420];
	v5 =	vadd.s32 v0, v54;
	v3 =	vmin.u32 v3, $0x1400  }
0x102: {  	v59 =	vld [tilespmem:$0x4440];
	v4 =	vadd.s32 v0, v53;
	v5 =	vmin.u32 v5, $0x1400;
	[tilespmem:$0x4480] =	vst v3  }
0x103: {  	v60 =	vadd.s32 v0, v56;
	v3 =	vmin.u32 v4, $0x1400;
	[tilespmem:$0x44F0] =	vst v5  }
0x104: {  	v61 =	vmin.u32 v60, $0x1400;
	[tilespmem:$0x44B0] =	vst v3;
	v3 =	vadd.s32 v0, v55  }
0x105: {  	v62 =	vadd.s32 v0, v57;
	[tilespmem:$0x4490] =	vst v61;
	v3 =	vmin.u32 v3, $0x1400  }
0x106: {  	v63 =	vmin.u32 v62, $0x1400;
	[tilespmem:$0x44E0] =	vst v3;
	v3 =	vadd.s32 v0, v58  }
0x107: {  	v4 =	vadd.s32 v0, v59;
	[tilespmem:$0x44D0] =	vst v63;
	v3 =	vmin.u32 v3, $0x1400  }
0x108: {  	[tilespmem:$0x44A0] =	vst v3;
	v3 =	vmin.u32 v4, $0x1400  }
0x109: {  	[tilespmem:$0x44C0] =	vst v3  }
0x10a: {  	[spmem:s2] =	stream.indirect.scatter.add.f32 [tilespmem:s12], [sflag:$0x1], $0x80, s15, s14, $0xb8;
	[tilespmem:$0xE900] =	vst v63  }
0x10b: {  	_ =	swait.ge [sflag:s11], $0x4000  }
0x10c: {  	[sflag:s11] =	ssyncset.done $0x0  }
0x10d: {  	[sflag:s11] =	ssyncadd.s32 $0xFFFFC000  }
0x10e: {  	[bflag:$0x0] =	sbarrier.arrive $0xFFFF  }
0x10f: {  	[hbm:s17], [sflag:s21] =	dma.local [spmem:s22], $0x1400  }
0x110: {  	_ =	swait.ge [sflag:s11], $0x1400  }
0x111: {  	[sflag:s11] =	ssyncset.done $0x0  }
0x112: {  	s31 =	sadd.s32 $0x0, s4;
	[sflag:s11] =	ssyncadd.s32 $0xFFFFEC00  }
0x113: {  	[spmem:s31] =	stream.linear.scatter [tilespmem:s3], [sflag:$0x1], $0x400, $0x38;
	[tilespmem:$0xE900] =	vst v63  }
0x114: {  	s23 =	simm.s32 $0x1000;
	_ =	swait.ge [sflag:s11], $0x400  }
.LBB2_12:
0x115: {  	s24 =	sshra.s32 s23, $0x2;
	[sflag:s11] =	ssyncset.done $0x0;
	p0 =	sne.s32 s23, $0x28000  }
.Ltmp5:
0x116: {  	s24 =	sadd.s32 s24, s4;
	[sflag:s11] =	ssyncadd.s32 $0xFFFFFC00;
	(pc) =	sbr.rel @p0 .LBB2_12-.Ltmp5, $3  }
0x117: {  	[spmem:s24] =	stream.linear.scatter [tilespmem:s3], [sflag:$0x1], $0x400, $0x38;
	[tilespmem:$0xE900] =	vst v63  }
0x118: {  	s23 =	sadd.s32 $0x1000, s23;
	_ =	sdelay $0x1  }
0x119: {  	_ =	swait.ge [sflag:s11], $0x400  }
0x11a: {  	[sflag:s11] =	ssyncset.done $0x0  }
0x11b: {  	[sflag:s11] =	ssyncadd.s32 $0xFFFFFC00  }
0x11c: {  	[bflag:$0x0] =	sbarrier.arrive $0xFFFF  }
0x11d: {  	[tilespmem:s12], [sflag:$0x1] =	stream.linear.gather [hbm4b:s9+s3], $0x4000, $0x38;
	[tilespmem:$0xE900] =	vst v63  }
0x11e: {  	_ =	swait.ge [sflag:s11], $0x4000  }
0x11f: {  	[sflag:s11] =	ssyncset.done $0x0  }
0x120: {  	s23 =	sadd.s32 $0x0, s10;
	[sflag:s11] =	ssyncadd.s32 $0xFFFFC000  }
0x121: {  	[tilespmem:s13], [sflag:$0x1] =	stream.linear.gather [hbm4b:s23+s3], $0x80, $0x38;
	[tilespmem:$0xE900] =	vst v63  }
0x122: {  	_ =	swait.ge [sflag:s11], $0x80  }
0x123: {  	[sflag:s11] =	ssyncset.done $0x0  }
0x124: {  	[sflag:s11] =	ssyncadd.s32 $0xFFFFFF80  }
0x125: {  	v3 =	vld [tilespmem:$0x4450]  }
0x126: {  	v5 =	vld [tilespmem:$0x4460]  }
0x127: {  	s24 =	smov.u32 s9;
	s23 =	simm.s32 $0x10;
	v4 =	vld [tilespmem:$0x4470]  }
.LBB2_14:
0x128: {  	p0 =	sne.s32 s23, $0x9F0  }
0x129: {  	v6 =	vld [tilespmem:$0x4430];
	s24 =	sadd.s32 $0x800, s24;
	s25 =	smov.u32 s23;
	s23 =	sadd.s32 $0x10, s23  }
0x12a: {  	v7 =	vld [tilespmem:$0x4410]  }
0x12b: {  	v8 =	vld [tilespmem:$0x4420]  }
0x12c: {  	v9 =	vld [tilespmem:$0x4400];
	v5 =	vadd.s32 v0, v5  }
0x12d: {  	v3 =	vadd.s32 v0, v3;
	v10 =	vld [tilespmem:$0x4440];
	v5 =	vmin.u32 v5, $0x1400;
	v4 =	vadd.s32 v0, v4  }
0x12e: {  	v3 =	vmin.u32 v3, $0x1400;
	v6 =	vadd.s32 v0, v6;
	[tilespmem:$0x44E0] =	vst v5;
	v4 =	vmin.u32 v4, $0x1400  }
0x12f: {  	v5 =	vadd.s32 v0, v7;
	v6 =	vmin.u32 v6, $0x1400;
	[tilespmem:$0x44F0] =	vst v4  }
0x130: {  	v4 =	vmin.u32 v5, $0x1400;
	v5 =	vadd.s32 v0, v8;
	[tilespmem:$0x44D0] =	vst v3  }
0x131: {  	v3 =	vadd.s32 v0, v9;
	v5 =	vmin.u32 v5, $0x1400;
	[tilespmem:$0x44B0] =	vst v6  }
0x132: {  	v3 =	vmin.u32 v3, $0x1400;
	[tilespmem:$0x4490] =	vst v4;
	v4 =	vadd.s32 v0, v10  }
0x133: {  	[tilespmem:$0x44A0] =	vst v5;
	v4 =	vmin.u32 v4, $0x1400  }
0x134: {  	[tilespmem:$0x44C0] =	vst v4  }
0x135: {  	[tilespmem:$0x4480] =	vst v3  }
0x136: {  	[spmem:s2] =	stream.indirect.scatter.add.f32 [tilespmem:s12], [sflag:$0x1], $0x80, s15, s14, $0xb8;
	[tilespmem:$0xE900] =	vst v63  }
0x137: {  	_ =	swait.ge [sflag:s11], $0x4000  }
0x138: {  	[sflag:s11] =	ssyncset.done $0x0  }
0x139: {  	[sflag:s11] =	ssyncadd.s32 $0xFFFFC000  }
0x13a: {  	[tilespmem:s12], [sflag:$0x1] =	stream.linear.gather [hbm4b:s24+s3], $0x4000, $0x38;
	[tilespmem:$0xE900] =	vst v63  }
0x13b: {  	_ =	swait.ge [sflag:s11], $0x4000  }
0x13c: {  	[sflag:s11] =	ssyncset.done $0x0  }
0x13d: {  	s25 =	sadd.s32 s25, s10;
	[sflag:s11] =	ssyncadd.s32 $0xFFFFC000  }
0x13e: {  	[tilespmem:s13], [sflag:$0x1] =	stream.linear.gather [hbm4b:s25+s3], $0x80, $0x38;
	[tilespmem:$0xE900] =	vst v63  }
0x13f: {  	_ =	swait.ge [sflag:s11], $0x80  }
.Ltmp6:
0x140: {  	[sflag:s11] =	ssyncset.done $0x0;
	(pc) =	sbr.rel @p0 .LBB2_14-.Ltmp6, $4  }
0x141: {  	[sflag:s11] =	ssyncadd.s32 $0xFFFFFF80  }
0x142: {  	v3 =	vld [tilespmem:$0x4450]  }
0x143: {  	v5 =	vld [tilespmem:$0x4460]  }
0x144: {  	v4 =	vld [tilespmem:$0x4470]  }
0x145: {  	v6 =	vld [tilespmem:$0x4430]  }
0x146: {  	v7 =	vld [tilespmem:$0x4410]  }
0x147: {  	v8 =	vld [tilespmem:$0x4420];
	v3 =	vadd.s32 v0, v3  }
0x148: {  	v10 =	vld [tilespmem:$0x4400];
	v5 =	vadd.s32 v0, v5;
	v3 =	vmin.u32 v3, $0x1400  }
0x149: {  	v9 =	vld [tilespmem:$0x4440];
	v5 =	vmin.u32 v5, $0x1400;
	v4 =	vadd.s32 v0, v4;
	[tilespmem:$0x44D0] =	vst v3  }
0x14a: {  	[tilespmem:$0x44E0] =	vst v5;
	v4 =	vmin.u32 v4, $0x1400;
	v59 =	vadd.s32 v0, v6  }
0x14b: {  	v60 =	vadd.s32 v0, v7;
	[tilespmem:$0x44F0] =	vst v4;
	v5 =	vmin.u32 v59, $0x1400  }
0x14c: {  	v61 =	vadd.s32 v0, v8;
	v3 =	vmin.u32 v60, $0x1400;
	[tilespmem:$0x44B0] =	vst v5  }
0x14d: {  	v62 =	vadd.s32 v0, v10;
	v4 =	vmin.u32 v61, $0x1400;
	[tilespmem:$0x4490] =	vst v3  }
0x14e: {  	v63 =	vmin.u32 v62, $0x1400;
	v3 =	vadd.s32 v0, v9;
	[tilespmem:$0x44A0] =	vst v4  }
0x14f: {  	[tilespmem:$0x4480] =	vst v63;
	v3 =	vmin.u32 v3, $0x1400  }
0x150: {  	[tilespmem:$0x44C0] =	vst v3  }
0x151: {  	[spmem:s2] =	stream.indirect.scatter.add.f32 [tilespmem:s12], [sflag:$0x1], $0x80, s15, s14, $0xb8;
	[tilespmem:$0xE900] =	vst v63  }
0x152: {  	_ =	swait.ge [sflag:s11], $0x4000  }
0x153: {  	[sflag:s11] =	ssyncset.done $0x0  }
0x154: {  	[sflag:s11] =	ssyncadd.s32 $0xFFFFC000  }
0x155: {  	[bflag:$0x0] =	sbarrier.arrive $0xFFFF  }
0x156: {  	[hbm:s18], [sflag:s21] =	dma.local [spmem:s22], $0x1400  }
0x157: {  	_ =	swait.ge [sflag:s11], $0x1400  }
0x158: {  	[sflag:s11] =	ssyncset.done $0x0  }
0x159: {  	s23 =	sadd.s32 $0x0, s4;
	[sflag:s11] =	ssyncadd.s32 $0xFFFFEC00  }
0x15a: {  	[spmem:s23] =	stream.linear.scatter [tilespmem:s3], [sflag:$0x1], $0x400, $0x38;
	[tilespmem:$0xE900] =	vst v63  }
0x15b: {  	s23 =	simm.s32 $0x1000;
	_ =	swait.ge [sflag:s11], $0x400  }
.LBB2_16:
0x15c: {  	s24 =	sshra.s32 s23, $0x2;
	[sflag:s11] =	ssyncset.done $0x0;
	p0 =	sne.s32 s23, $0x28000  }
.Ltmp7:
0x15d: {  	s24 =	sadd.s32 s24, s4;
	[sflag:s11] =	ssyncadd.s32 $0xFFFFFC00;
	(pc) =	sbr.rel @p0 .LBB2_16-.Ltmp7, $3  }
0x15e: {  	[spmem:s24] =	stream.linear.scatter [tilespmem:s3], [sflag:$0x1], $0x400, $0x38;
	[tilespmem:$0xE900] =	vst v63  }
0x15f: {  	s23 =	sadd.s32 $0x1000, s23;
	_ =	sdelay $0x1  }
0x160: {  	_ =	swait.ge [sflag:s11], $0x400  }
0x161: {  	[sflag:s11] =	ssyncset.done $0x0  }
0x162: {  	[sflag:s11] =	ssyncadd.s32 $0xFFFFFC00  }
0x163: {  	s23 =	simm.s32 $0x0;
	s24 =	simm.s32 $0x200;
	[bflag:$0x0] =	sbarrier.arrive $0xFFFF  }
.LBB2_18:
0x164: {  	p0 =	sne.s32 s24, $0xFE00;
	[tilespmem:s23+$0x470] =	vst v2  }
0x165: {  	[tilespmem:s23+$0x400] =	vst v2  }
0x166: {  	[tilespmem:s23+$0x410] =	vst v2  }
.Ltmp8:
0x167: {  	[tilespmem:s23+$0x420] =	vst v2;
	(pc) =	sbr.rel @p0 .LBB2_18-.Ltmp8, $4  }
0x168: {  	[tilespmem:s23+$0x430] =	vst v2  }
0x169: {  	[tilespmem:s23+$0x440] =	vst v2  }
0x16a: {  	[tilespmem:s23+$0x450] =	vst v2  }
0x16b: {  	[tilespmem:s23+$0x460] =	vst v2;
	s23 =	sshra.s32 s24, $0x2;
	s24 =	sadd.s32 $0x200, s24  }
0x16c: {  	[tilespmem:s23+$0x470] =	vst v2  }
0x16d: {  	[tilespmem:s23+$0x400] =	vst v2  }
0x16e: {  	[tilespmem:s23+$0x410] =	vst v2  }
0x16f: {  	[tilespmem:s23+$0x420] =	vst v2  }
0x170: {  	[tilespmem:s23+$0x430] =	vst v2  }
0x171: {  	[tilespmem:s23+$0x440] =	vst v2  }
0x172: {  	[tilespmem:s23+$0x450] =	vst v2  }
0x173: {  	[tilespmem:s23+$0x460] =	vst v2;
	s31 =	sadd.s32 $0x0, s10  }
0x174: {  	[tilespmem:s13], [sflag:$0x1] =	stream.linear.gather [hbm4b:s31+s3], $0x80, $0x38;
	[tilespmem:$0xE900] =	vst v63  }
0x175: {  	_ =	swait.ge [sflag:s11], $0x80  }
0x176: {  	[sflag:s11] =	ssyncset.done $0x0  }
0x177: {  	[sflag:s11] =	ssyncadd.s32 $0xFFFFFF80  }
0x178: {  	v3 =	vld [tilespmem:$0x4400]  }
0x179: {  	v4 =	vld [tilespmem:$0x4430]  }
0x17a: {  	v5 =	vld [tilespmem:$0x4470]  }
0x17b: {  	v6 =	vld [tilespmem:$0x4460]  }
0x17c: {  	v7 =	vld [tilespmem:$0x4410]  }
0x17d: {  	v8 =	vld [tilespmem:$0x4450];
	v3 =	vadd.s32 v0, v3  }
0x17e: {  	v9 =	vld [tilespmem:$0x4420];
	v4 =	vadd.s32 v0, v4;
	v3 =	vmin.u32 v3, $0x1400  }
0x17f: {  	v5 =	vadd.s32 v0, v5;
	[tilespmem:$0x4480] =	vst v3;
	v3 =	vmin.u32 v4, $0x1400;
	v4 =	vld [tilespmem:$0x4440]  }
0x180: {  	v5 =	vmin.u32 v5, $0x1400;
	[tilespmem:$0x44B0] =	vst v3;
	v3 =	vadd.s32 v0, v6  }
0x181: {  	[tilespmem:$0x44F0] =	vst v5;
	v6 =	vadd.s32 v0, v7;
	v3 =	vmin.u32 v3, $0x1400  }
0x182: {  	v5 =	vmin.u32 v6, $0x1400;
	v6 =	vadd.s32 v0, v8;
	[tilespmem:$0x44E0] =	vst v3  }
0x183: {  	[tilespmem:$0x4490] =	vst v5;
	v3 =	vadd.s32 v0, v9;
	v5 =	vmin.u32 v6, $0x1400  }
0x184: {  	s24 =	simm.s32 $0x10;
	s23 =	simm.s32 $0x20;
	s25 =	simm.s32 $0x30;
	v3 =	vmin.u32 v3, $0x1400;
	[tilespmem:$0x44D0] =	vst v5;
	v4 =	vadd.s32 v0, v4  }
.LBB2_20:
0x185: {  	p0 =	sne.s32 s25, $0x9F0;
	[tilespmem:$0x44A0] =	vst v3;
	v3 =	vmin.u32 v4, $0x1400;
	s26 =	smov.u32 s25;
	s25 =	sadd.s32 $0x10, s25  }
0x186: {  	[tilespmem:$0x44C0] =	vst v3  }
0x187: {  	[spmem:s2] =	stream.indirect.scatter.add.f32 [tilespmem:s12], [sflag:$0x1], $0x80, s15, s14, $0xb8;
	[tilespmem:$0xE900] =	vst v63  }
0x188: {  	_ =	swait.ge [sflag:s11], $0x4000  }
0x189: {  	[sflag:s11] =	ssyncset.done $0x0  }
0x18a: {  	s28 =	sadd.s32 s24, s10;
	s24 =	smov.u32 s23;
	[sflag:s11] =	ssyncadd.s32 $0xFFFFC000  }
0x18b: {  	[tilespmem:s13], [sflag:$0x1] =	stream.linear.gather [hbm4b:s28+s3], $0x80, $0x38;
	[tilespmem:$0xE900] =	vst v63  }
0x18c: {  	s23 =	smov.u32 s26;
	_ =	swait.ge [sflag:s11], $0x80  }
0x18d: {  	[sflag:s11] =	ssyncset.done $0x0  }
0x18e: {  	[sflag:s11] =	ssyncadd.s32 $0xFFFFFF80  }
0x18f: {  	v3 =	vld [tilespmem:$0x4400]  }
0x190: {  	v4 =	vld [tilespmem:$0x4430]  }
0x191: {  	v5 =	vld [tilespmem:$0x4470]  }
0x192: {  	v6 =	vld [tilespmem:$0x4460]  }
0x193: {  	v7 =	vld [tilespmem:$0x4410]  }
0x194: {  	v3 =	vadd.s32 v0, v3;
	v8 =	vld [tilespmem:$0x4450]  }
0x195: {  	v3 =	vmin.u32 v3, $0x1400;
	v9 =	vld [tilespmem:$0x4420];
	v4 =	vadd.s32 v0, v4  }
0x196: {  	[tilespmem:$0x4480] =	vst v3;
	v3 =	vmin.u32 v4, $0x1400;
	v4 =	vld [tilespmem:$0x4440];
	v5 =	vadd.s32 v0, v5  }
.Ltmp9:
0x197: {  	[tilespmem:$0x44B0] =	vst v3;
	v3 =	vadd.s32 v0, v6;
	v5 =	vmin.u32 v5, $0x1400;
	(pc) =	sbr.rel @p0 .LBB2_20-.Ltmp9, $4  }
0x198: {  	v6 =	vadd.s32 v0, v7;
	v3 =	vmin.u32 v3, $0x1400;
	[tilespmem:$0x44F0] =	vst v5  }
0x199: {  	v5 =	vmin.u32 v6, $0x1400;
	v6 =	vadd.s32 v0, v8;
	[tilespmem:$0x44E0] =	vst v3  }
0x19a: {  	[tilespmem:$0x4490] =	vst v5;
	v3 =	vadd.s32 v0, v9;
	v5 =	vmin.u32 v6, $0x1400  }
0x19b: {  	v3 =	vmin.u32 v3, $0x1400;
	v4 =	vadd.s32 v0, v4;
	[tilespmem:$0x44D0] =	vst v5  }
0x19c: {  	[tilespmem:$0x44A0] =	vst v3;
	v3 =	vmin.u32 v4, $0x1400  }
0x19d: {  	[tilespmem:$0x44C0] =	vst v3  }
0x19e: {  	[spmem:s2] =	stream.indirect.scatter.add.f32 [tilespmem:s12], [sflag:$0x1], $0x80, s15, s14, $0xb8;
	[tilespmem:$0xE900] =	vst v63  }
0x19f: {  	_ =	swait.ge [sflag:s11], $0x4000  }
0x1a0: {  	[sflag:s11] =	ssyncset.done $0x0  }
0x1a1: {  	s24 =	sadd.s32 s24, s10;
	[sflag:s11] =	ssyncadd.s32 $0xFFFFC000  }
0x1a2: {  	[tilespmem:s13], [sflag:$0x1] =	stream.linear.gather [hbm4b:s24+s3], $0x80, $0x38;
	[tilespmem:$0xE900] =	vst v63  }
0x1a3: {  	_ =	swait.ge [sflag:s11], $0x80  }
0x1a4: {  	[sflag:s11] =	ssyncset.done $0x0  }
0x1a5: {  	[sflag:s11] =	ssyncadd.s32 $0xFFFFFF80  }
0x1a6: {  	v3 =	vld [tilespmem:$0x4400]  }
0x1a7: {  	v5 =	vld [tilespmem:$0x4470]  }
0x1a8: {  	v47 =	vld [tilespmem:$0x4430]  }
0x1a9: {  	v7 =	vld [tilespmem:$0x4410]  }
0x1aa: {  	v6 =	vld [tilespmem:$0x4460]  }
0x1ab: {  	v8 =	vld [tilespmem:$0x4450];
	v3 =	vadd.s32 v0, v3  }
0x1ac: {  	v9 =	vld [tilespmem:$0x4420];
	v5 =	vadd.s32 v0, v5;
	v3 =	vmin.u32 v3, $0x1400  }
0x1ad: {  	v48 =	vld [tilespmem:$0x4440];
	v4 =	vadd.s32 v0, v47;
	v5 =	vmin.u32 v5, $0x1400;
	[tilespmem:$0x4480] =	vst v3  }
0x1ae: {  	v49 =	vadd.s32 v0, v7;
	v3 =	vmin.u32 v4, $0x1400;
	[tilespmem:$0x44F0] =	vst v5  }
0x1af: {  	v50 =	vmin.u32 v49, $0x1400;
	[tilespmem:$0x44B0] =	vst v3;
	v3 =	vadd.s32 v0, v6  }
0x1b0: {  	v51 =	vadd.s32 v0, v8;
	[tilespmem:$0x4490] =	vst v50;
	v3 =	vmin.u32 v3, $0x1400  }
0x1b1: {  	v52 =	vmin.u32 v51, $0x1400;
	[tilespmem:$0x44E0] =	vst v3;
	v3 =	vadd.s32 v0, v9  }
0x1b2: {  	v4 =	vadd.s32 v0, v48;
	[tilespmem:$0x44D0] =	vst v52;
	v3 =	vmin.u32 v3, $0x1400  }
0x1b3: {  	[tilespmem:$0x44A0] =	vst v3;
	v3 =	vmin.u32 v4, $0x1400  }
0x1b4: {  	[tilespmem:$0x44C0] =	vst v3  }
0x1b5: {  	[spmem:s2] =	stream.indirect.scatter.add.f32 [tilespmem:s12], [sflag:$0x1], $0x80, s15, s14, $0xb8;
	[tilespmem:$0xE900] =	vst v63  }
0x1b6: {  	_ =	swait.ge [sflag:s11], $0x4000  }
0x1b7: {  	[sflag:s11] =	ssyncset.done $0x0  }
0x1b8: {  	s23 =	sadd.s32 s23, s10;
	[sflag:s11] =	ssyncadd.s32 $0xFFFFC000  }
0x1b9: {  	[tilespmem:s13], [sflag:$0x1] =	stream.linear.gather [hbm4b:s23+s3], $0x80, $0x38;
	[tilespmem:$0xE900] =	vst v63  }
0x1ba: {  	_ =	swait.ge [sflag:s11], $0x80  }
0x1bb: {  	[sflag:s11] =	ssyncset.done $0x0  }
0x1bc: {  	[sflag:s11] =	ssyncadd.s32 $0xFFFFFF80  }
0x1bd: {  	v3 =	vld [tilespmem:$0x4400]  }
0x1be: {  	v54 =	vld [tilespmem:$0x4470]  }
0x1bf: {  	v53 =	vld [tilespmem:$0x4430]  }
0x1c0: {  	v56 =	vld [tilespmem:$0x4410]  }
0x1c1: {  	v55 =	vld [tilespmem:$0x4460]  }
0x1c2: {  	v57 =	vld [tilespmem:$0x4450];
	v3 =	vadd.s32 v0, v3  }
0x1c3: {  	v58 =	vld [tilespmem:$0x4420];
	v5 =	vadd.s32 v0, v54;
	v3 =	vmin.u32 v3, $0x1400  }
0x1c4: {  	v59 =	vld [tilespmem:$0x4440];
	v4 =	vadd.s32 v0, v53;
	v5 =	vmin.u32 v5, $0x1400;
	[tilespmem:$0x4480] =	vst v3  }
0x1c5: {  	v60 =	vadd.s32 v0, v56;
	v3 =	vmin.u32 v4, $0x1400;
	[tilespmem:$0x44F0] =	vst v5  }
0x1c6: {  	v61 =	vmin.u32 v60, $0x1400;
	[tilespmem:$0x44B0] =	vst v3;
	v3 =	vadd.s32 v0, v55  }
0x1c7: {  	v62 =	vadd.s32 v0, v57;
	[tilespmem:$0x4490] =	vst v61;
	v3 =	vmin.u32 v3, $0x1400  }
0x1c8: {  	v63 =	vmin.u32 v62, $0x1400;
	[tilespmem:$0x44E0] =	vst v3;
	v3 =	vadd.s32 v0, v58  }
0x1c9: {  	v4 =	vadd.s32 v0, v59;
	[tilespmem:$0x44D0] =	vst v63;
	v3 =	vmin.u32 v3, $0x1400  }
0x1ca: {  	[tilespmem:$0x44A0] =	vst v3;
	v3 =	vmin.u32 v4, $0x1400  }
0x1cb: {  	[tilespmem:$0x44C0] =	vst v3  }
0x1cc: {  	[spmem:s2] =	stream.indirect.scatter.add.f32 [tilespmem:s12], [sflag:$0x1], $0x80, s15, s14, $0xb8;
	[tilespmem:$0xE900] =	vst v63  }
0x1cd: {  	_ =	swait.ge [sflag:s11], $0x4000  }
0x1ce: {  	s20 =	sadd.s32 $0x1, s20;
	[sflag:s11] =	ssyncset.done $0x0  }
0x1cf: {  	p0 =	sne.s32 s20, s6;
	[sflag:s11] =	ssyncadd.s32 $0xFFFFC000  }
.Ltmp10:
0x1d0: {  	[bflag:$0x0] =	sbarrier.arrive $0xFFFF;
	(pc) =	sbr.rel @p0 .LBB2_1-.Ltmp10, $4  }
0x1d1: {  	[hbm:s19], [sflag:s21] =	dma.local [spmem:s22], $0x1400  }
0x1d2: {  	_ =	swait.ge [sflag:s11], $0x1400  }
0x1d3: {  	[sflag:s11] =	ssyncset.done $0x0  }
0x1d4: {  	[sflag:s11] =	ssyncadd.s32 $0xFFFFEC00  }
0x1d5: {  	_ =	sfence.sel $0x180000  }
0x1d6: {  	[bflag:$0x0] =	sbarrier.arrive $0xFFFF  }
0x1d7: {  	p0 =	sne.s32 s1, $0x0;
	_ =	strace $0x90000055  }
0x1d8: {  	s0 =	sadd.s32 @!p0 $0x100000, s0;
	[bflag:$0x2] =	sbarrier.arrive $0xFFFF  }
0x1d9: {  	[sflag:s0] =	ssyncadd.tile.s32 @!p0 $0x1;
	_ =	shalt  }
.Lfunc_end2:
_tile_overlayer_lowered:
.L_overlay_start_2:
0x1da: {  	(tag) =	ssettag $0x2  }
0x1db: {  	s0 =	rddreg [dreg:$0x0];
	s2 =	stileid.u32  }
0x1dc: {  	s1 =	rddreg [dreg:$0x1];
	p0 =	sne.s32 s2, $0x0  }
0x1dd: {  	s3 =	rddreg [dreg:$0x2];
	[bflag:$0x3] =	sbarrier.arrive $0xFFFF;
	s2 =	simm.s32 @!p0 $0x1C01  }
0x1de: {  	[timem:s3], [sflag:s2] =	dma.local @!p0 [hbm:s0], s1  }
0x1df: {  	s0 =	simm.s32 @!p0 $0x1  }
0x1e0: {  	_ =	swait.ge @!p0 [sflag:s0], s1  }
0x1e1: {  	s1 =	ssub.s32 @!p0 $0x0, s1;
	[sflag:s0] =	ssyncset.done @!p0 $0x0  }
0x1e2: {  	[sflag:s0] =	ssyncadd.s32 @!p0 s1  }
0x1e3: {  	[bflag:$0x3] =	sbarrier.arrive $0xFFFF  }
0x1e4: {  	_ =	shalt  }

</sc_bundles>
